<compile_context>
chip_gen: v7x
topology: tpu7x:2x2x1
jax: 0.10.2.dev20260603
libtpu: 0.0.44.dev20260713+nightly
codegen_flags: <defaults>
</compile_context>

<pallas_src>
import numpy as np
import jax
import jax.numpy as jnp
from jax import lax
from jax.experimental import pallas as pl
from jax.experimental.pallas import tpu as pltpu
from jax.experimental.pallas import tpu_sc as plsc

NUM_CLASSES = 21
ROIS_PER_IMAGE = 128
FG_ROIS = 32
FG_THRESH = 0.5
BG_HI = 0.5
BG_LO = 0.0
STDS = (0.1, 0.1, 0.2, 0.2)

B = 4
N = 5000
K = 20
NTOT = N + K
NPAD = 5120
LROW = NPAD // 128
NROW = B * LROW
NSTEP = NPAD // 16
KPAD = 32


def _rotl32(x, r):
    return ((x << np.uint32(r)) | (x >> np.uint32(32 - r))).astype(np.uint32)


def _threefry2x32(k0, k1, x0, x1):
    rot = [[13, 15, 26, 6], [17, 29, 16, 24]]
    ks = [np.uint32(k0), np.uint32(k1),
          np.uint32(k0) ^ np.uint32(k1) ^ np.uint32(0x1BD11BDA)]
    x0 = (x0 + ks[0]).astype(np.uint32)
    x1 = (x1 + ks[1]).astype(np.uint32)
    for i in range(5):
        for r in rot[i % 2]:
            x0 = (x0 + x1).astype(np.uint32)
            x1 = _rotl32(x1, r) ^ x0
        x0 = (x0 + ks[(i + 1) % 3]).astype(np.uint32)
        x1 = (x1 + ks[(i + 2) % 3] + np.uint32(i + 1)).astype(np.uint32)
    return x0, x1


def _const_perms():
    rows = []
    for i in range(B):
        fk0, fk1 = _threefry2x32(0, 42, np.uint32(0), np.uint32(i))
        counts = np.arange(NTOT, dtype=np.uint64)
        hi = (counts >> np.uint64(32)).astype(np.uint32)
        lo = (counts & np.uint64(0xFFFFFFFF)).astype(np.uint32)
        b0, b1 = _threefry2x32(int(fk0), int(fk1), hi, lo)
        bits = b0 ^ b1
        noise = ((bits >> np.uint32(9)) | np.uint32(0x3F800000)).view(np.float32) - np.float32(1.0)
        p = np.argsort(-noise, kind="stable").astype(np.int32)
        rows.append(np.concatenate([p, np.arange(NTOT, NPAD, dtype=np.int32)]))
    return np.stack(rows)


_PERMS = _const_perms()


def _iou_body(rx1, ry1, rx2, ry2, gx1, gy1, gx2, gy2, pmo, amo):
    ax1 = rx1[...]
    ay1 = ry1[...]
    ax2 = rx2[...]
    ay2 = ry2[...]
    aarea = (ax2 - ax1 + 1.0) * (ay2 - ay1 + 1.0)
    best = jnp.full((NROW, 128), -1.0, jnp.float32)
    bk = jnp.zeros((NROW, 128), jnp.int32)
    for k in range(1, K + 1):
        g1 = gx1[:, k:k + 1]
        h1 = gy1[:, k:k + 1]
        g2 = gx2[:, k:k + 1]
        h2 = gy2[:, k:k + 1]
        gareak = (g2 - g1 + 1.0) * (h2 - h1 + 1.0)
        iw = jnp.minimum(ax2, g2) - jnp.maximum(ax1, g1) + 1.0
        ih = jnp.minimum(ay2, h2) - jnp.maximum(ay1, h1) + 1.0
        iw = jnp.maximum(iw, 0.0)
        ih = jnp.maximum(ih, 0.0)
        inter = iw * ih
        ua = aarea + gareak - inter
        ov = inter / ua
        gtm = ov > best
        best = jnp.where(gtm, ov, best)
        bk = jnp.where(gtm, jnp.int32(k), bk)
    row = lax.broadcasted_iota(jnp.int32, (NROW, 128), 0)
    lane = lax.broadcasted_iota(jnp.int32, (NROW, 128), 1)
    eidx = lax.rem(row, LROW) * 128 + lane
    pmo[...] = jnp.where(eidx >= NTOT, -1.0, best)
    amo[...] = bk


def _sel_body(pm, am, rx1, ry1, rx2, ry2, perm, gx1, gy1, gx2, gy2, glab,
              selo,
              pm_all, am_all, px1, py1, px2, py2, perm_loc,
              lgx1, lgy1, lgx2, lgy2, lglab,
              fgsel, bgsel,
              ox1, oy1, ox2, oy2, olab, ogx1, ogy1, ogx2, ogy2, sem, sem2):
    s = lax.axis_index("s")

    @pl.when(s < B)
    def _scan():
        img = s
        cps = [pltpu.async_copy(rx1.at[img], px1, sem),
               pltpu.async_copy(ry1.at[img], py1, sem),
               pltpu.async_copy(rx2.at[img], px2, sem),
               pltpu.async_copy(ry2.at[img], py2, sem),
               pltpu.async_copy(am.at[img], am_all, sem),
               pltpu.async_copy(gx1.at[img], lgx1, sem),
               pltpu.async_copy(gy1.at[img], lgy1, sem),
               pltpu.async_copy(gx2.at[img], lgx2, sem),
               pltpu.async_copy(gy2.at[img], lgy2, sem),
               pltpu.async_copy(glab.at[img], lglab, sem)]
        cp_perm = pltpu.async_copy(perm.at[img], perm_loc, sem2)
        cp_pm = pltpu.async_copy(pm.at[img], pm_all, sem2)
        bgsel[pl.ds(0, 16)] = jnp.zeros((16,), jnp.int32)
        cp_perm.wait()
        cp_pm.wait()

        zeros16 = jnp.zeros((16,), jnp.int32)
        iota16 = lax.iota(jnp.int32, 16)

        FAST_STEPS = 304
        BLK = 16

        def fast_one(t, fg_off, bg_off):
            jv = perm_loc[pl.ds(t * 16, 16)]
            pmv = plsc.load_gather(pm_all, [jv])
            m_fg = pmv >= FG_THRESH
            cs_fg = plsc.cumsum(m_fg.astype(jnp.int32))
            pos_fg = fg_off + cs_fg - 1
            plsc.store_scatter(fgsel, [jnp.minimum(pos_fg, FG_ROIS - 1)], jv,
                               mask=m_fg & (pos_fg < FG_ROIS))
            pos_bg = bg_off + (iota16 - cs_fg)
            plsc.store_scatter(bgsel, [jnp.minimum(pos_bg, ROIS_PER_IMAGE - 1)], jv,
                               mask=(~m_fg) & (pos_bg < ROIS_PER_IMAGE))
            nfg = plsc.all_reduce_population_count(m_fg)
            return fg_off + nfg, bg_off + (16 - nfg)

        def fast_pair(u, carry):
            fg_off, bg_off = carry
            fg_off, bg_off = fast_one(u * 2, fg_off, bg_off)
            fg_off, bg_off = fast_one(u * 2 + 1, fg_off, bg_off)
            return fg_off, bg_off

        def blk_cond(carry):
            b, fg_off, bg_off, fg_sc, bg_sc = carry
            return (b < FAST_STEPS // BLK) & ((fg_sc < FG_ROIS) |
                                              (bg_sc < ROIS_PER_IMAGE))

        def blk_body(carry):
            b, fg_off, bg_off, _, _ = carry
            fg_off, bg_off = lax.fori_loop(b * (BLK // 2), (b + 1) * (BLK // 2),
                                           fast_pair, (fg_off, bg_off))
            return (b + 1, fg_off, bg_off, jnp.max(fg_off), jnp.max(bg_off))

        _, fg_off, bg_off, fg_sc, bg_sc = lax.while_loop(
            blk_cond, blk_body, (jnp.int32(0), zeros16, zeros16,
                                 jnp.int32(0), jnp.int32(0)))

        def tail_step(t, carry):
            fg_off, bg_off = carry
            jv = perm_loc[pl.ds(t * 16, 16)]
            pmv = plsc.load_gather(pm_all, [jv])
            m_fg = pmv >= FG_THRESH
            m_bg = (pmv < BG_HI) & (pmv >= BG_LO)
            pos_fg = fg_off + plsc.cumsum(m_fg.astype(jnp.int32)) - 1
            plsc.store_scatter(fgsel, [jnp.minimum(pos_fg, FG_ROIS - 1)], jv,
                               mask=m_fg & (pos_fg < FG_ROIS))
            pos_bg = bg_off + plsc.cumsum(m_bg.astype(jnp.int32)) - 1
            plsc.store_scatter(bgsel, [jnp.minimum(pos_bg, ROIS_PER_IMAGE - 1)], jv,
                               mask=m_bg & (pos_bg < ROIS_PER_IMAGE))
            fg_off = fg_off + plsc.all_reduce_population_count(m_fg)
            bg_off = bg_off + plsc.all_reduce_population_count(m_bg)
            return fg_off, bg_off

        fg_off, bg_off = lax.cond(
            (fg_sc < FG_ROIS) | (bg_sc < ROIS_PER_IMAGE),
            lambda: lax.fori_loop(FAST_STEPS, NSTEP, tail_step,
                                  (fg_off, bg_off)),
            lambda: (fg_off, bg_off))

        fg_this = jnp.minimum(fg_off, FG_ROIS)
        bg_mod = jnp.minimum(jnp.maximum(bg_off, 1), ROIS_PER_IMAGE)

        for cp in cps:
            cp.wait()

        for t in range(ROIS_PER_IMAGE // 16):
            iv = t * 16 + lax.iota(jnp.int32, 16)
            m_isfg = iv < fg_this
            fsel = plsc.load_gather(fgsel, [jnp.minimum(iv, FG_ROIS - 1)])
            bslot = lax.rem(jnp.maximum(iv - fg_this, 0), bg_mod)
            bsel = plsc.load_gather(bgsel, [bslot])
            keep = jnp.where(m_isfg, fsel, bsel)
            amk = plsc.load_gather(am_all, [keep])
            labv = plsc.load_gather(lglab, [amk])
            sl = pl.ds(t * 16, 16)
            ox1[sl] = plsc.load_gather(px1, [keep])
            oy1[sl] = plsc.load_gather(py1, [keep])
            ox2[sl] = plsc.load_gather(px2, [keep])
            oy2[sl] = plsc.load_gather(py2, [keep])
            olab[sl] = jnp.where(m_isfg, labv, 0.0)
            ogx1[sl] = plsc.load_gather(lgx1, [amk])
            ogy1[sl] = plsc.load_gather(lgy1, [amk])
            ogx2[sl] = plsc.load_gather(lgx2, [amk])
            ogy2[sl] = plsc.load_gather(lgy2, [amk])

        ocps = [pltpu.async_copy(ox1, selo.at[0 * B + img], sem2),
                pltpu.async_copy(oy1, selo.at[1 * B + img], sem2),
                pltpu.async_copy(ox2, selo.at[2 * B + img], sem2),
                pltpu.async_copy(oy2, selo.at[3 * B + img], sem2),
                pltpu.async_copy(olab, selo.at[4 * B + img], sem2),
                pltpu.async_copy(ogx1, selo.at[5 * B + img], sem2),
                pltpu.async_copy(ogy1, selo.at[6 * B + img], sem2),
                pltpu.async_copy(ogx2, selo.at[7 * B + img], sem2),
                pltpu.async_copy(ogy2, selo.at[8 * B + img], sem2)]
        for cp in ocps:
            cp.wait()


def _make_sel_call():
    f32 = jnp.float32
    i32 = jnp.int32
    out = [jax.ShapeDtypeStruct((9 * B, ROIS_PER_IMAGE), f32)]
    scratch = [
        pltpu.VMEM((NPAD,), f32),
        pltpu.VMEM((NPAD,), i32),
        pltpu.VMEM((NPAD,), f32),
        pltpu.VMEM((NPAD,), f32),
        pltpu.VMEM((NPAD,), f32),
        pltpu.VMEM((NPAD,), f32),
        pltpu.VMEM((NPAD,), i32),
        pltpu.VMEM((KPAD,), f32),
        pltpu.VMEM((KPAD,), f32),
        pltpu.VMEM((KPAD,), f32),
        pltpu.VMEM((KPAD,), f32),
        pltpu.VMEM((KPAD,), f32),
        pltpu.VMEM((FG_ROIS,), i32),
        pltpu.VMEM((ROIS_PER_IMAGE,), i32),
        pltpu.VMEM((ROIS_PER_IMAGE,), f32),
        pltpu.VMEM((ROIS_PER_IMAGE,), f32),
        pltpu.VMEM((ROIS_PER_IMAGE,), f32),
        pltpu.VMEM((ROIS_PER_IMAGE,), f32),
        pltpu.VMEM((ROIS_PER_IMAGE,), f32),
        pltpu.VMEM((ROIS_PER_IMAGE,), f32),
        pltpu.VMEM((ROIS_PER_IMAGE,), f32),
        pltpu.VMEM((ROIS_PER_IMAGE,), f32),
        pltpu.VMEM((ROIS_PER_IMAGE,), f32),
        pltpu.SemaphoreType.DMA,
        pltpu.SemaphoreType.DMA,
    ]
    mesh = plsc.VectorSubcoreMesh(core_axis_name="c", subcore_axis_name="s",
                                  num_cores=1, num_subcores=16)
    return pl.kernel(_sel_body, out_type=out, mesh=mesh, scratch_types=scratch,
                     compiler_params=pltpu.CompilerParams(needs_layout_passes=False))


def _tc_body(selp, rois, labels, tgts, ins, outs):
    x1 = selp[0 * B:1 * B]
    y1 = selp[1 * B:2 * B]
    x2 = selp[2 * B:3 * B]
    y2 = selp[3 * B:4 * B]
    ew = x2 - x1 + 1.0
    eh = y2 - y1 + 1.0
    ecx = x1 + 0.5 * ew
    ecy = y1 + 0.5 * eh
    g1 = selp[5 * B:6 * B]
    h1 = selp[6 * B:7 * B]
    g2 = selp[7 * B:8 * B]
    h2 = selp[8 * B:9 * B]
    gw = g2 - g1 + 1.0
    gh = h2 - h1 + 1.0
    gcx = g1 + 0.5 * gw
    gcy = h1 + 0.5 * gh
    dx = ((gcx - ecx) / ew) / STDS[0]
    dy = ((gcy - ecy) / eh) / STDS[1]
    dw = jnp.log(gw / ew) / STDS[2]
    dh = jnp.log(gh / eh) / STDS[3]
    lb = selp[4 * B:5 * B]
    fg = lb > 0.0
    w = jnp.where(fg, 1.0, 0.0)
    col0 = lax.broadcasted_iota(jnp.int32, (B, ROIS_PER_IMAGE), 0).astype(jnp.float32)
    rois[...] = jnp.stack([col0, x1, y1, x2, y2], axis=-1)
    labels[...] = lb
    tgts[...] = jnp.stack([jnp.where(fg, dx, 0.0), jnp.where(fg, dy, 0.0),
                           jnp.where(fg, dw, 0.0), jnp.where(fg, dh, 0.0)],
                          axis=-1)
    wh = jnp.stack([w, w, w, w], axis=-1)
    ins[...] = wh
    outs[...] = wh


def kernel(all_rois, gt_boxes, num_boxes):
    f32 = jnp.float32
    pad = ((0, 0), (0, NPAD - NTOT))
    rx1 = jnp.pad(jnp.concatenate([all_rois[:, :, 1], gt_boxes[:, :, 0]], axis=1), pad)
    ry1 = jnp.pad(jnp.concatenate([all_rois[:, :, 2], gt_boxes[:, :, 1]], axis=1), pad)
    rx2 = jnp.pad(jnp.concatenate([all_rois[:, :, 3], gt_boxes[:, :, 2]], axis=1), pad)
    ry2 = jnp.pad(jnp.concatenate([all_rois[:, :, 4], gt_boxes[:, :, 3]], axis=1), pad)
    kp = ((0, 0), (1, KPAD - K - 1))
    gx1 = jnp.pad(gt_boxes[:, :, 0], kp)
    gy1 = jnp.pad(gt_boxes[:, :, 1], kp)
    gx2 = jnp.pad(gt_boxes[:, :, 2], kp)
    gy2 = jnp.pad(gt_boxes[:, :, 3], kp)
    glab = jnp.pad(gt_boxes[:, :, 4], kp)
    perm = jnp.asarray(_PERMS)

    rq = [a.reshape(NROW, 128) for a in (rx1, ry1, rx2, ry2)]
    ge = [jnp.repeat(a, LROW, axis=0) for a in (gx1, gy1, gx2, gy2)]
    pmq, amq = pl.pallas_call(
        _iou_body,
        out_shape=[jax.ShapeDtypeStruct((NROW, 128), f32),
                   jax.ShapeDtypeStruct((NROW, 128), jnp.int32)])(*rq, *ge)
    pm = pmq.reshape(B, NPAD)
    am = amq.reshape(B, NPAD)

    sel = _make_sel_call()
    (selp,) = sel(pm, am, rx1, ry1, rx2, ry2, perm, gx1, gy1, gx2, gy2, glab)

    rois, labels, bbox_targets, bbox_inside, bbox_outside = pl.pallas_call(
        _tc_body,
        out_shape=[jax.ShapeDtypeStruct((B, ROIS_PER_IMAGE, 5), f32),
                   jax.ShapeDtypeStruct((B, ROIS_PER_IMAGE), f32),
                   jax.ShapeDtypeStruct((B, ROIS_PER_IMAGE, 4), f32),
                   jax.ShapeDtypeStruct((B, ROIS_PER_IMAGE, 4), f32),
                   jax.ShapeDtypeStruct((B, ROIS_PER_IMAGE, 4), f32)],
    )(selp)
    return rois, labels, bbox_targets, bbox_inside, bbox_outside

# --- scband reference (transcript-rebuilt; emitter-appended) ---
"""Pipeline reference for scband-proposal-target-layer-9809705304716 (READ-ONLY COPY).

The authoritative reference and input builder live on the scoring server;
editing this copy changes nothing except your own understanding.
"""

import jax, jax.numpy as jnp
import numpy as np

NUM_CLASSES = 21
ROIS_PER_IMAGE = 128        # cfg.TRAIN.BATCH_SIZE
FG_ROIS = 32                # round(cfg.TRAIN.FG_FRACTION(0.25) * 128)
FG_THRESH = 0.5
BG_HI = 0.5
BG_LO = 0.0
MEANS = (0.0, 0.0, 0.0, 0.0)            # cfg.TRAIN.BBOX_NORMALIZE_MEANS
STDS = (0.1, 0.1, 0.2, 0.2)             # cfg.TRAIN.BBOX_NORMALIZE_STDS
INSIDE = (1.0, 1.0, 1.0, 1.0)           # cfg.TRAIN.BBOX_INSIDE_WEIGHTS


def setup_inputs(seed: int = 0):
    key = jax.random.key(seed)
    k1, k2, k3, k4, k5 = jax.random.split(key, 5)
    B, N, K = 4, 5000, 20
    xy1 = jax.random.uniform(k1, (B, N, 2), minval=0.0, maxval=500.0)
    wh = jax.random.uniform(k2, (B, N, 2), minval=8.0, maxval=200.0)
    bidx = jnp.broadcast_to(jnp.arange(B, dtype=jnp.float32)[:, None, None], (B, N, 1))
    all_rois = jnp.concatenate([bidx, xy1, xy1 + wh], axis=2)
    gxy1 = jax.random.uniform(k3, (B, K, 2), minval=0.0, maxval=400.0)
    gwh = jax.random.uniform(k4, (B, K, 2), minval=16.0, maxval=250.0)
    glab = jax.random.randint(k5, (B, K), 1, NUM_CLASSES).astype(jnp.float32)
    gt_boxes = jnp.concatenate([gxy1, gxy1 + gwh, glab[..., None]], axis=2)
    num_boxes = jnp.full((B,), K, dtype=jnp.int32)
    return {"all_rois": all_rois, "gt_boxes": gt_boxes, "num_boxes": num_boxes}


def _overlaps(rois, gt):
    # rois: (B, N, 5) with batch-idx in col 0; gt: (B, K, 5)
    a = rois[:, :, 1:5]
    g = gt[:, :, :4]
    gx = g[:, :, 2] - g[:, :, 0] + 1.0
    gy = g[:, :, 3] - g[:, :, 1] + 1.0
    garea = (gx * gy)[:, None, :]
    ax = a[:, :, 2] - a[:, :, 0] + 1.0
    ay = a[:, :, 3] - a[:, :, 1] + 1.0
    aarea = (ax * ay)[:, :, None]
    gzero = (gx == 1.0) & (gy == 1.0)
    azero = (ax == 1.0) & (ay == 1.0)
    iw = jnp.minimum(a[:, :, None, 2], g[:, None, :, 2]) - jnp.maximum(a[:, :, None, 0], g[:, None, :, 0]) + 1.0
    ih = jnp.minimum(a[:, :, None, 3], g[:, None, :, 3]) - jnp.maximum(a[:, :, None, 1], g[:, None, :, 1]) + 1.0
    iw = jnp.maximum(iw, 0.0)
    ih = jnp.maximum(ih, 0.0)
    ua = aarea + garea - iw * ih
    ov = iw * ih / ua
    ov = jnp.where(gzero[:, None, :], 0.0, ov)
    ov = jnp.where(azero[:, :, None], -1.0, ov)
    return ov


def _transform(ex, gt):
    ew = ex[:, :, 2] - ex[:, :, 0] + 1.0
    eh = ex[:, :, 3] - ex[:, :, 1] + 1.0
    ecx = ex[:, :, 0] + 0.5 * ew
    ecy = ex[:, :, 1] + 0.5 * eh
    gw = gt[:, :, 2] - gt[:, :, 0] + 1.0
    gh = gt[:, :, 3] - gt[:, :, 1] + 1.0
    gcx = gt[:, :, 0] + 0.5 * gw
    gcy = gt[:, :, 1] + 0.5 * gh
    return jnp.stack([(gcx - ecx) / ew, (gcy - ecy) / eh, jnp.log(gw / ew), jnp.log(gh / eh)], axis=2)


def reference(all_rois, gt_boxes, num_boxes):
    B, K = gt_boxes.shape[0], gt_boxes.shape[1]
    gt_append = jnp.zeros_like(gt_boxes).at[:, :, 1:5].set(gt_boxes[:, :, :4])
    rois_all = jnp.concatenate([all_rois, gt_append], axis=1)
    Ntot = rois_all.shape[1]
    ov = _overlaps(rois_all, gt_boxes)              # (B, Ntot, K)
    max_ov = ov.max(axis=2)
    gt_asgn = jnp.argmax(ov, axis=2)
    lab_all = jnp.take_along_axis(gt_boxes[:, :, 4], gt_asgn, axis=1)
    skey = jax.random.key(42)
    idx = jnp.arange(ROIS_PER_IMAGE)
    rois_list, lab_list, gt_list = [], [], []
    for i in range(B):
        noise = jax.random.uniform(jax.random.fold_in(skey, i), (Ntot,))
        fg_mask = max_ov[i] >= FG_THRESH
        bg_mask = (max_ov[i] < BG_HI) & (max_ov[i] >= BG_LO)
        fg_cnt = jnp.sum(fg_mask)
        bg_cnt = jnp.maximum(jnp.sum(bg_mask), 1)
        fg_order = jnp.argsort(jnp.where(fg_mask, -noise, jnp.inf))   # random fg perm first
        bg_order = jnp.argsort(jnp.where(bg_mask, -noise, jnp.inf))   # random bg perm first
        fg_this = jnp.minimum(FG_ROIS, fg_cnt)
        is_fg = idx < fg_this
        bg_pick = bg_order[jnp.mod(idx - fg_this, bg_cnt)]            # bg sampled w/ replacement (wraparound)
        keep = jnp.where(is_fg, fg_order[idx], bg_pick)
        ri = rois_all[i][keep].at[:, 0].set(float(i))
        li = jnp.where(is_fg, lab_all[i][keep], 0.0)
        gi = gt_boxes[i][gt_asgn[i][keep]]
        rois_list.append(ri)
        lab_list.append(li)
        gt_list.append(gi)
    rois = jnp.stack(rois_list)
    labels = jnp.stack(lab_list)
    gts = jnp.stack(gt_list)
    targets = _transform(rois[:, :, 1:5], gts[:, :, :4])
    targets = (targets - jnp.asarray(MEANS, dtype=targets.dtype)) / jnp.asarray(STDS, dtype=targets.dtype)
    fg_sel = (labels > 0)[:, :, None]
    bbox_targets = jnp.where(fg_sel, targets, 0.0)
    bbox_inside = jnp.where(fg_sel, jnp.broadcast_to(jnp.asarray(INSIDE, dtype=targets.dtype), targets.shape), 0.0)
    bbox_outside = (bbox_inside > 0).astype(jnp.float32)
    return rois, labels, bbox_targets, bbox_inside, bbox_outside

if __name__ == "__main__":
    import jax
    _d = setup_inputs()
    print(jax.jit(kernel)(*tuple(_d.values())))

</pallas_src>

<mosaic_0001>
#map = affine_map<(d0, d1) -> (0, 0)>
module attributes {stable_mosaic.version = 14 : i64} {
  func.func @_sel_body(%arg0: i32, %arg1: i32, %arg2: memref<4x5120xf32, #tpu.memory_space<hbm>>, %arg3: memref<4x5120xi32, #tpu.memory_space<hbm>>, %arg4: memref<4x5120xf32, #tpu.memory_space<hbm>>, %arg5: memref<4x5120xf32, #tpu.memory_space<hbm>>, %arg6: memref<4x5120xf32, #tpu.memory_space<hbm>>, %arg7: memref<4x5120xf32, #tpu.memory_space<hbm>>, %arg8: memref<4x5120xi32, #tpu.memory_space<hbm>>, %arg9: memref<4x32xf32, #tpu.memory_space<hbm>>, %arg10: memref<4x32xf32, #tpu.memory_space<hbm>>, %arg11: memref<4x32xf32, #tpu.memory_space<hbm>>, %arg12: memref<4x32xf32, #tpu.memory_space<hbm>>, %arg13: memref<4x32xf32, #tpu.memory_space<hbm>>, %arg14: memref<36x128xf32, #tpu.memory_space<hbm>>, %arg15: memref<5120xf32, #tpu.memory_space<vmem>>, %arg16: memref<5120xi32, #tpu.memory_space<vmem>>, %arg17: memref<5120xf32, #tpu.memory_space<vmem>>, %arg18: memref<5120xf32, #tpu.memory_space<vmem>>, %arg19: memref<5120xf32, #tpu.memory_space<vmem>>, %arg20: memref<5120xf32, #tpu.memory_space<vmem>>, %arg21: memref<5120xi32, #tpu.memory_space<vmem>>, %arg22: memref<32xf32, #tpu.memory_space<vmem>>, %arg23: memref<32xf32, #tpu.memory_space<vmem>>, %arg24: memref<32xf32, #tpu.memory_space<vmem>>, %arg25: memref<32xf32, #tpu.memory_space<vmem>>, %arg26: memref<32xf32, #tpu.memory_space<vmem>>, %arg27: memref<32xi32, #tpu.memory_space<vmem>>, %arg28: memref<128xi32, #tpu.memory_space<vmem>>, %arg29: memref<128xf32, #tpu.memory_space<vmem>>, %arg30: memref<128xf32, #tpu.memory_space<vmem>>, %arg31: memref<128xf32, #tpu.memory_space<vmem>>, %arg32: memref<128xf32, #tpu.memory_space<vmem>>, %arg33: memref<128xf32, #tpu.memory_space<vmem>>, %arg34: memref<128xf32, #tpu.memory_space<vmem>>, %arg35: memref<128xf32, #tpu.memory_space<vmem>>, %arg36: memref<128xf32, #tpu.memory_space<vmem>>, %arg37: memref<128xf32, #tpu.memory_space<vmem>>, %arg38: memref<!tpu.dma_semaphore, #tpu.memory_space<semaphore_mem>>, %arg39: memref<!tpu.dma_semaphore, #tpu.memory_space<semaphore_mem>>) attributes {dimension_semantics = [#tpu.dimension_semantics<core_parallel>, #tpu.dimension_semantics<subcore_parallel>], iteration_bounds = array<i64: 1, 16>, scalar_prefetch = 0 : i64, scratch_operands = 25 : i64, tpu.core_type = #tpu.core_type<sc_vector_subcore>, window_params = [{transform_indices = #map}, {transform_indices = #map}, {transform_indices = #map}, {transform_indices = #map}, {transform_indices = #map}, {transform_indices = #map}, {transform_indices = #map}, {transform_indices = #map}, {transform_indices = #map}, {transform_indices = #map}, {transform_indices = #map}, {transform_indices = #map}, {transform_indices = #map}]} {
    %lt3A = arith.constant 4 : i32
    %lt3A_0 = arith.cmpi slt, %arg1, %lt3A : i32
    %convert_element_type3A = arith.extui %lt3A_0 : i1 to i32
    %cond3A = arith.constant 0 : i32
    %cond3A_1 = arith.cmpi ne, %convert_element_type3A, %cond3A : i32
    scf.if %cond3A_1 {
      %dma_start3A = arith.constant 0 : i32
      %dma_start3A_2 = tpu.memref_slice %arg4[%arg1, %dma_start3A] : memref<4x5120xf32, #tpu.memory_space<hbm>> -> memref<1x5120xf32, #tpu.memory_space<hbm>>
      %dma_start3A_3 = tpu.memref_squeeze %dma_start3A_2 : memref<1x5120xf32, #tpu.memory_space<hbm>> -> memref<5120xf32, #tpu.memory_space<hbm>>
      %dma_start3A_4 = arith.constant 0 : i32
      %dma_start3A_5 = tpu.memref_slice %arg4[%arg1, %dma_start3A_4] : memref<4x5120xf32, #tpu.memory_space<hbm>> -> memref<1x5120xf32, #tpu.memory_space<hbm>>
      %dma_start3A_6 = tpu.memref_squeeze %dma_start3A_5 : memref<1x5120xf32, #tpu.memory_space<hbm>> -> memref<5120xf32, #tpu.memory_space<hbm>>
      tpu.enqueue_dma source(%dma_start3A_6 : memref<5120xf32, #tpu.memory_space<hbm>>) target(%arg17 : memref<5120xf32, #tpu.memory_space<vmem>>) target_semaphore(%arg38 : memref<!tpu.dma_semaphore, #tpu.memory_space<semaphore_mem>>)
      %dma_start3A_7 = arith.constant 0 : i32
      %dma_start3A_8 = tpu.memref_slice %arg5[%arg1, %dma_start3A_7] : memref<4x5120xf32, #tpu.memory_space<hbm>> -> memref<1x5120xf32, #tpu.memory_space<hbm>>
      %dma_start3A_9 = tpu.memref_squeeze %dma_start3A_8 : memref<1x5120xf32, #tpu.memory_space<hbm>> -> memref<5120xf32, #tpu.memory_space<hbm>>
      %dma_start3A_10 = arith.constant 0 : i32
      %dma_start3A_11 = tpu.memref_slice %arg5[%arg1, %dma_start3A_10] : memref<4x5120xf32, #tpu.memory_space<hbm>> -> memref<1x5120xf32, #tpu.memory_space<hbm>>
      %dma_start3A_12 = tpu.memref_squeeze %dma_start3A_11 : memref<1x5120xf32, #tpu.memory_space<hbm>> -> memref<5120xf32, #tpu.memory_space<hbm>>
      tpu.enqueue_dma source(%dma_start3A_12 : memref<5120xf32, #tpu.memory_space<hbm>>) target(%arg18 : memref<5120xf32, #tpu.memory_space<vmem>>) target_semaphore(%arg38 : memref<!tpu.dma_semaphore, #tpu.memory_space<semaphore_mem>>)
      %dma_start3A_13 = arith.constant 0 : i32
      %dma_start3A_14 = tpu.memref_slice %arg6[%arg1, %dma_start3A_13] : memref<4x5120xf32, #tpu.memory_space<hbm>> -> memref<1x5120xf32, #tpu.memory_space<hbm>>
      %dma_start3A_15 = tpu.memref_squeeze %dma_start3A_14 : memref<1x5120xf32, #tpu.memory_space<hbm>> -> memref<5120xf32, #tpu.memory_space<hbm>>
      %dma_start3A_16 = arith.constant 0 : i32
      %dma_start3A_17 = tpu.memref_slice %arg6[%arg1, %dma_start3A_16] : memref<4x5120xf32, #tpu.memory_space<hbm>> -> memref<1x5120xf32, #tpu.memory_space<hbm>>
      %dma_start3A_18 = tpu.memref_squeeze %dma_start3A_17 : memref<1x5120xf32, #tpu.memory_space<hbm>> -> memref<5120xf32, #tpu.memory_space<hbm>>
      tpu.enqueue_dma source(%dma_start3A_18 : memref<5120xf32, #tpu.memory_space<hbm>>) target(%arg19 : memref<5120xf32, #tpu.memory_space<vmem>>) target_semaphore(%arg38 : memref<!tpu.dma_semaphore, #tpu.memory_space<semaphore_mem>>)
      %dma_start3A_19 = arith.constant 0 : i32
      %dma_start3A_20 = tpu.memref_slice %arg7[%arg1, %dma_start3A_19] : memref<4x5120xf32, #tpu.memory_space<hbm>> -> memref<1x5120xf32, #tpu.memory_space<hbm>>
      %dma_start3A_21 = tpu.memref_squeeze %dma_start3A_20 : memref<1x5120xf32, #tpu.memory_space<hbm>> -> memref<5120xf32, #tpu.memory_space<hbm>>
      %dma_start3A_22 = arith.constant 0 : i32
      %dma_start3A_23 = tpu.memref_slice %arg7[%arg1, %dma_start3A_22] : memref<4x5120xf32, #tpu.memory_space<hbm>> -> memref<1x5120xf32, #tpu.memory_space<hbm>>
      %dma_start3A_24 = tpu.memref_squeeze %dma_start3A_23 : memref<1x5120xf32, #tpu.memory_space<hbm>> -> memref<5120xf32, #tpu.memory_space<hbm>>
      tpu.enqueue_dma source(%dma_start3A_24 : memref<5120xf32, #tpu.memory_space<hbm>>) target(%arg20 : memref<5120xf32, #tpu.memory_space<vmem>>) target_semaphore(%arg38 : memref<!tpu.dma_semaphore, #tpu.memory_space<semaphore_mem>>)
      %dma_start3A_25 = arith.constant 0 : i32
      %dma_start3A_26 = tpu.memref_slice %arg3[%arg1, %dma_start3A_25] : memref<4x5120xi32, #tpu.memory_space<hbm>> -> memref<1x5120xi32, #tpu.memory_space<hbm>>
      %dma_start3A_27 = tpu.memref_squeeze %dma_start3A_26 : memref<1x5120xi32, #tpu.memory_space<hbm>> -> memref<5120xi32, #tpu.memory_space<hbm>>
      %dma_start3A_28 = arith.constant 0 : i32
      %dma_start3A_29 = tpu.memref_slice %arg3[%arg1, %dma_start3A_28] : memref<4x5120xi32, #tpu.memory_space<hbm>> -> memref<1x5120xi32, #tpu.memory_space<hbm>>
      %dma_start3A_30 = tpu.memref_squeeze %dma_start3A_29 : memref<1x5120xi32, #tpu.memory_space<hbm>> -> memref<5120xi32, #tpu.memory_space<hbm>>
      tpu.enqueue_dma source(%dma_start3A_30 : memref<5120xi32, #tpu.memory_space<hbm>>) target(%arg16 : memref<5120xi32, #tpu.memory_space<vmem>>) target_semaphore(%arg38 : memref<!tpu.dma_semaphore, #tpu.memory_space<semaphore_mem>>)
      %dma_start3A_31 = arith.constant 0 : i32
      %dma_start3A_32 = tpu.memref_slice %arg9[%arg1, %dma_start3A_31] : memref<4x32xf32, #tpu.memory_space<hbm>> -> memref<1x32xf32, #tpu.memory_space<hbm>>
      %dma_start3A_33 = tpu.memref_squeeze %dma_start3A_32 : memref<1x32xf32, #tpu.memory_space<hbm>> -> memref<32xf32, #tpu.memory_space<hbm>>
      %dma_start3A_34 = arith.constant 0 : i32
      %dma_start3A_35 = tpu.memref_slice %arg9[%arg1, %dma_start3A_34] : memref<4x32xf32, #tpu.memory_space<hbm>> -> memref<1x32xf32, #tpu.memory_space<hbm>>
      %dma_start3A_36 = tpu.memref_squeeze %dma_start3A_35 : memref<1x32xf32, #tpu.memory_space<hbm>> -> memref<32xf32, #tpu.memory_space<hbm>>
      tpu.enqueue_dma source(%dma_start3A_36 : memref<32xf32, #tpu.memory_space<hbm>>) target(%arg22 : memref<32xf32, #tpu.memory_space<vmem>>) target_semaphore(%arg38 : memref<!tpu.dma_semaphore, #tpu.memory_space<semaphore_mem>>)
      %dma_start3A_37 = arith.constant 0 : i32
      %dma_start3A_38 = tpu.memref_slice %arg10[%arg1, %dma_start3A_37] : memref<4x32xf32, #tpu.memory_space<hbm>> -> memref<1x32xf32, #tpu.memory_space<hbm>>
      %dma_start3A_39 = tpu.memref_squeeze %dma_start3A_38 : memref<1x32xf32, #tpu.memory_space<hbm>> -> memref<32xf32, #tpu.memory_space<hbm>>
      %dma_start3A_40 = arith.constant 0 : i32
      %dma_start3A_41 = tpu.memref_slice %arg10[%arg1, %dma_start3A_40] : memref<4x32xf32, #tpu.memory_space<hbm>> -> memref<1x32xf32, #tpu.memory_space<hbm>>
      %dma_start3A_42 = tpu.memref_squeeze %dma_start3A_41 : memref<1x32xf32, #tpu.memory_space<hbm>> -> memref<32xf32, #tpu.memory_space<hbm>>
      tpu.enqueue_dma source(%dma_start3A_42 : memref<32xf32, #tpu.memory_space<hbm>>) target(%arg23 : memref<32xf32, #tpu.memory_space<vmem>>) target_semaphore(%arg38 : memref<!tpu.dma_semaphore, #tpu.memory_space<semaphore_mem>>)
      %dma_start3A_43 = arith.constant 0 : i32
      %dma_start3A_44 = tpu.memref_slice %arg11[%arg1, %dma_start3A_43] : memref<4x32xf32, #tpu.memory_space<hbm>> -> memref<1x32xf32, #tpu.memory_space<hbm>>
      %dma_start3A_45 = tpu.memref_squeeze %dma_start3A_44 : memref<1x32xf32, #tpu.memory_space<hbm>> -> memref<32xf32, #tpu.memory_space<hbm>>
      %dma_start3A_46 = arith.constant 0 : i32
      %dma_start3A_47 = tpu.memref_slice %arg11[%arg1, %dma_start3A_46] : memref<4x32xf32, #tpu.memory_space<hbm>> -> memref<1x32xf32, #tpu.memory_space<hbm>>
      %dma_start3A_48 = tpu.memref_squeeze %dma_start3A_47 : memref<1x32xf32, #tpu.memory_space<hbm>> -> memref<32xf32, #tpu.memory_space<hbm>>
      tpu.enqueue_dma source(%dma_start3A_48 : memref<32xf32, #tpu.memory_space<hbm>>) target(%arg24 : memref<32xf32, #tpu.memory_space<vmem>>) target_semaphore(%arg38 : memref<!tpu.dma_semaphore, #tpu.memory_space<semaphore_mem>>)
      %dma_start3A_49 = arith.constant 0 : i32
      %dma_start3A_50 = tpu.memref_slice %arg12[%arg1, %dma_start3A_49] : memref<4x32xf32, #tpu.memory_space<hbm>> -> memref<1x32xf32, #tpu.memory_space<hbm>>
      %dma_start3A_51 = tpu.memref_squeeze %dma_start3A_50 : memref<1x32xf32, #tpu.memory_space<hbm>> -> memref<32xf32, #tpu.memory_space<hbm>>
      %dma_start3A_52 = arith.constant 0 : i32
      %dma_start3A_53 = tpu.memref_slice %arg12[%arg1, %dma_start3A_52] : memref<4x32xf32, #tpu.memory_space<hbm>> -> memref<1x32xf32, #tpu.memory_space<hbm>>
      %dma_start3A_54 = tpu.memref_squeeze %dma_start3A_53 : memref<1x32xf32, #tpu.memory_space<hbm>> -> memref<32xf32, #tpu.memory_space<hbm>>
      tpu.enqueue_dma source(%dma_start3A_54 : memref<32xf32, #tpu.memory_space<hbm>>) target(%arg25 : memref<32xf32, #tpu.memory_space<vmem>>) target_semaphore(%arg38 : memref<!tpu.dma_semaphore, #tpu.memory_space<semaphore_mem>>)
      %dma_start3A_55 = arith.constant 0 : i32
      %dma_start3A_56 = tpu.memref_slice %arg13[%arg1, %dma_start3A_55] : memref<4x32xf32, #tpu.memory_space<hbm>> -> memref<1x32xf32, #tpu.memory_space<hbm>>
      %dma_start3A_57 = tpu.memref_squeeze %dma_start3A_56 : memref<1x32xf32, #tpu.memory_space<hbm>> -> memref<32xf32, #tpu.memory_space<hbm>>
      %dma_start3A_58 = arith.constant 0 : i32
      %dma_start3A_59 = tpu.memref_slice %arg13[%arg1, %dma_start3A_58] : memref<4x32xf32, #tpu.memory_space<hbm>> -> memref<1x32xf32, #tpu.memory_space<hbm>>
      %dma_start3A_60 = tpu.memref_squeeze %dma_start3A_59 : memref<1x32xf32, #tpu.memory_space<hbm>> -> memref<32xf32, #tpu.memory_space<hbm>>
      tpu.enqueue_dma source(%dma_start3A_60 : memref<32xf32, #tpu.memory_space<hbm>>) target(%arg26 : memref<32xf32, #tpu.memory_space<vmem>>) target_semaphore(%arg38 : memref<!tpu.dma_semaphore, #tpu.memory_space<semaphore_mem>>)
      %dma_start3A_61 = arith.constant 0 : i32
      %dma_start3A_62 = tpu.memref_slice %arg8[%arg1, %dma_start3A_61] : memref<4x5120xi32, #tpu.memory_space<hbm>> -> memref<1x5120xi32, #tpu.memory_space<hbm>>
      %dma_start3A_63 = tpu.memref_squeeze %dma_start3A_62 : memref<1x5120xi32, #tpu.memory_space<hbm>> -> memref<5120xi32, #tpu.memory_space<hbm>>
      %dma_start3A_64 = arith.constant 0 : i32
      %dma_start3A_65 = tpu.memref_slice %arg8[%arg1, %dma_start3A_64] : memref<4x5120xi32, #tpu.memory_space<hbm>> -> memref<1x5120xi32, #tpu.memory_space<hbm>>
      %dma_start3A_66 = tpu.memref_squeeze %dma_start3A_65 : memref<1x5120xi32, #tpu.memory_space<hbm>> -> memref<5120xi32, #tpu.memory_space<hbm>>
      tpu.enqueue_dma source(%dma_start3A_66 : memref<5120xi32, #tpu.memory_space<hbm>>) target(%arg21 : memref<5120xi32, #tpu.memory_space<vmem>>) target_semaphore(%arg39 : memref<!tpu.dma_semaphore, #tpu.memory_space<semaphore_mem>>)
      %dma_start3A_67 = arith.constant 0 : i32
      %dma_start3A_68 = tpu.memref_slice %arg2[%arg1, %dma_start3A_67] : memref<4x5120xf32, #tpu.memory_space<hbm>> -> memref<1x5120xf32, #tpu.memory_space<hbm>>
      %dma_start3A_69 = tpu.memref_squeeze %dma_start3A_68 : memref<1x5120xf32, #tpu.memory_space<hbm>> -> memref<5120xf32, #tpu.memory_space<hbm>>
      %dma_start3A_70 = arith.constant 0 : i32
      %dma_start3A_71 = tpu.memref_slice %arg2[%arg1, %dma_start3A_70] : memref<4x5120xf32, #tpu.memory_space<hbm>> -> memref<1x5120xf32, #tpu.memory_space<hbm>>
      %dma_start3A_72 = tpu.memref_squeeze %dma_start3A_71 : memref<1x5120xf32, #tpu.memory_space<hbm>> -> memref<5120xf32, #tpu.memory_space<hbm>>
      tpu.enqueue_dma source(%dma_start3A_72 : memref<5120xf32, #tpu.memory_space<hbm>>) target(%arg15 : memref<5120xf32, #tpu.memory_space<vmem>>) target_semaphore(%arg39 : memref<!tpu.dma_semaphore, #tpu.memory_space<semaphore_mem>>)
      %broadcast_in_dim3A = arith.constant 0 : i32
      %broadcast_in_dim3A_73 = vector.broadcast %broadcast_in_dim3A : i32 to vector<16xi32>
      %swap3A = arith.constant 0 : index
      %swap3A_74 = tpu.vector_load %arg28[%swap3A] {strides = array<i32>} : memref<128xi32, #tpu.memory_space<vmem>>, vector<16xi32>,
      tpu.vector_store %arg28[%swap3A], %broadcast_in_dim3A_73 {strides = array<i32>} : memref<128xi32, #tpu.memory_space<vmem>>, vector<16xi32>,
      %dma_wait3A = arith.constant 0 : i32
      %dma_wait3A_75 = tpu.memref_slice %arg8[%arg1, %dma_wait3A] : memref<4x5120xi32, #tpu.memory_space<hbm>> -> memref<1x5120xi32, #tpu.memory_space<hbm>>
      %dma_wait3A_76 = tpu.memref_squeeze %dma_wait3A_75 : memref<1x5120xi32, #tpu.memory_space<hbm>> -> memref<5120xi32, #tpu.memory_space<hbm>>
      %dma_wait3A_77 = arith.constant 0 : i32
      %dma_wait3A_78 = tpu.memref_slice %arg8[%arg1, %dma_wait3A_77] : memref<4x5120xi32, #tpu.memory_space<hbm>> -> memref<1x5120xi32, #tpu.memory_space<hbm>>
      %dma_wait3A_79 = tpu.memref_squeeze %dma_wait3A_78 : memref<1x5120xi32, #tpu.memory_space<hbm>> -> memref<5120xi32, #tpu.memory_space<hbm>>
      tpu.wait_dma2 semaphore(%arg39 : memref<!tpu.dma_semaphore, #tpu.memory_space<semaphore_mem>>) src(%dma_wait3A_79 : memref<5120xi32, #tpu.memory_space<hbm>>) dst(%arg21 : memref<5120xi32, #tpu.memory_space<vmem>>)
      %dma_wait3A_80 = arith.constant 0 : i32
      %dma_wait3A_81 = tpu.memref_slice %arg2[%arg1, %dma_wait3A_80] : memref<4x5120xf32, #tpu.memory_space<hbm>> -> memref<1x5120xf32, #tpu.memory_space<hbm>>
      %dma_wait3A_82 = tpu.memref_squeeze %dma_wait3A_81 : memref<1x5120xf32, #tpu.memory_space<hbm>> -> memref<5120xf32, #tpu.memory_space<hbm>>
      %dma_wait3A_83 = arith.constant 0 : i32
      %dma_wait3A_84 = tpu.memref_slice %arg2[%arg1, %dma_wait3A_83] : memref<4x5120xf32, #tpu.memory_space<hbm>> -> memref<1x5120xf32, #tpu.memory_space<hbm>>
      %dma_wait3A_85 = tpu.memref_squeeze %dma_wait3A_84 : memref<1x5120xf32, #tpu.memory_space<hbm>> -> memref<5120xf32, #tpu.memory_space<hbm>>
      tpu.wait_dma2 semaphore(%arg39 : memref<!tpu.dma_semaphore, #tpu.memory_space<semaphore_mem>>) src(%dma_wait3A_85 : memref<5120xf32, #tpu.memory_space<hbm>>) dst(%arg15 : memref<5120xf32, #tpu.memory_space<vmem>>)
      %broadcast_in_dim3A_86 = arith.constant 0 : i32
      %broadcast_in_dim3A_87 = vector.broadcast %broadcast_in_dim3A_86 : i32 to vector<16xi32>
      %iota3A = tpu.iota {dimensions = array<i32: 0>} : vector<16xi32>
      %while3A = arith.constant 0 : i32
      %while3A_88 = arith.constant 0 : i32
      %while3A_89 = arith.constant 0 : i32
      %while3A_90:5 = scf.while (%while3A_662 = %while3A, %while3A_663 = %broadcast_in_dim3A_87, %while3A_664 = %broadcast_in_dim3A_87, %while3A_665 = %while3A_88, %while3A_666 = %while3A_89) : (i32, vector<16xi32>, vector<16xi32>, i32, i32) -> (i32, vector<16xi32>, vector<16xi32>, i32, i32) {
        %lt3A_667 = arith.constant 19 : i32
        %lt3A_668 = arith.cmpi slt, %while3A_662, %lt3A_667 : i32
        %lt3A_669 = arith.constant 32 : i32
        %lt3A_670 = arith.cmpi slt, %while3A_665, %lt3A_669 : i32
        %lt3A_671 = arith.constant 128 : i32
        %lt3A_672 = arith.cmpi slt, %while3A_666, %lt3A_671 : i32
        %or3A_673 = arith.ori %lt3A_670, %lt3A_672 : i1
        %and3A = arith.andi %lt3A_668, %or3A_673 : i1
        scf.condition(%and3A) %while3A_662, %while3A_663, %while3A_664, %while3A_665, %while3A_666 : i32, vector<16xi32>, vector<16xi32>, i32, i32
      } do {
      ^bb0(%while3A_662: i32, %while3A_663: vector<16xi32>, %while3A_664: vector<16xi32>, %while3A_665: i32, %while3A_666: i32):
        %mul3A = arith.constant 8 : i32
        %mul3A_667 = arith.muli %while3A_662, %mul3A : i32
        %add3A_668 = arith.constant 1 : i32
        %add3A_669 = arith.addi %while3A_662, %add3A_668 : i32
        %mul3A_670 = arith.constant 8 : i32
        %mul3A_671 = arith.muli %add3A_669, %mul3A_670 : i32
        %while3A_672 = arith.subi %mul3A_671, %mul3A_667 : i32
        %while3A_673 = arith.addi %mul3A_667, %while3A_672 : i32
        %while3A_674 = arith.constant 1 : i32
        %while3A_675 = arith.divsi %while3A_672, %while3A_674 : i32
        %while3A_676 = arith.muli %while3A_675, %while3A_674 : i32
        %while3A_677 = arith.addi %mul3A_667, %while3A_676 : i32
        %while3A_678 = arith.constant 1 : i32
        %while3A_679:2 = scf.for %while3A_699 = %mul3A_667 to %while3A_677 step %while3A_678 iter_args(%while3A_700 = %while3A_663, %while3A_701 = %while3A_664) -> (vector<16xi32>, vector<16xi32>)  : i32 {
          %mul3A_702 = arith.constant 2 : i32
          %mul3A_703 = arith.muli %while3A_699, %mul3A_702 : i32
          %mul3A_704 = arith.constant 16 : i32
          %mul3A_705 = arith.muli %mul3A_703, %mul3A_704 : i32
          %get3A = arith.index_cast %mul3A_705 : i32 to index
          %get3A_706 = tpu.vector_load %arg21[%get3A] {strides = array<i32>} : memref<5120xi32, #tpu.memory_space<vmem>>, vector<16xi32>,
          %gather3A_707 = tpu.vector_load_idx %arg15[%get3A_706] : memref<5120xf32, #tpu.memory_space<vmem>>[vector<16xi32>], vector<16xf32>,
          %ge3A = arith.constant 5.000000e-01 : f32
          %ge3A_708 = vector.broadcast %ge3A : f32 to vector<16xf32>
          %ge3A_709 = arith.cmpf oge, %gather3A_707, %ge3A_708 : vector<16xf32>
          %convert_element_type3A_710 = arith.extui %ge3A_709 : vector<16xi1> to vector<16xi32>
          %broadcast_in_dim3A_711 = arith.constant true
          %broadcast_in_dim3A_712 = vector.broadcast %broadcast_in_dim3A_711 : i1 to vector<16xi1>
          %masked_cumsum3A = tpu.scan <sum>, %convert_element_type3A_710 masked %broadcast_in_dim3A_712 : vector<16xi32>, vector<16xi1> -> vector<16xi32>
          %add3A_713 = arith.addi %while3A_700, %masked_cumsum3A : vector<16xi32>
          %sub3A_714 = arith.constant 1 : i32
          %sub3A_715 = vector.broadcast %sub3A_714 : i32 to vector<16xi32>
          %sub3A_716 = arith.subi %add3A_713, %sub3A_715 : vector<16xi32>
          %min3A_717 = arith.constant 31 : i32
          %min3A_718 = vector.broadcast %min3A_717 : i32 to vector<16xi32>
          %min3A_719 = arith.minsi %sub3A_716, %min3A_718 : vector<16xi32>
          %lt3A_720 = arith.constant 32 : i32
          %lt3A_721 = vector.broadcast %lt3A_720 : i32 to vector<16xi32>
          %lt3A_722 = arith.cmpi slt, %sub3A_716, %lt3A_721 : vector<16xi32>
          %and3A = arith.andi %ge3A_709, %lt3A_722 : vector<16xi1>
          tpu.vector_store_idx %arg27[%min3A_719], %get3A_706 masked %and3A : memref<32xi32, #tpu.memory_space<vmem>>[vector<16xi32>], vector<16xi32>, vector<16xi1>
          %sub3A_723 = arith.subi %iota3A, %masked_cumsum3A : vector<16xi32>
          %add3A_724 = arith.addi %while3A_701, %sub3A_723 : vector<16xi32>
          %min3A_725 = arith.constant 127 : i32
          %min3A_726 = vector.broadcast %min3A_725 : i32 to vector<16xi32>
          %min3A_727 = arith.minsi %add3A_724, %min3A_726 : vector<16xi32>
          %not3A = arith.constant dense<true> : vector<16xi1>
          %not3A_728 = arith.xori %ge3A_709, %not3A : vector<16xi1>
          %lt3A_729 = arith.constant 128 : i32
          %lt3A_730 = vector.broadcast %lt3A_729 : i32 to vector<16xi32>
          %lt3A_731 = arith.cmpi slt, %add3A_724, %lt3A_730 : vector<16xi32>
          %and3A_732 = arith.andi %not3A_728, %lt3A_731 : vector<16xi1>
          tpu.vector_store_idx %arg28[%min3A_727], %get3A_706 masked %and3A_732 : memref<128xi32, #tpu.memory_space<vmem>>[vector<16xi32>], vector<16xi32>, vector<16xi1>
          %all_reduce_population_count3A = tpu.all_reduce %ge3A_709 {dim = 0 : i64, kind = #tpu.reduction_kind<sum>} : vector<16xi1> -> vector<16xi32>
          %add3A_733 = arith.addi %while3A_700, %all_reduce_population_count3A : vector<16xi32>
          %sub3A_734 = arith.constant 16 : i32
          %sub3A_735 = vector.broadcast %sub3A_734 : i32 to vector<16xi32>
          %sub3A_736 = arith.subi %sub3A_735, %all_reduce_population_count3A : vector<16xi32>
          %add3A_737 = arith.addi %while3A_701, %sub3A_736 : vector<16xi32>
          %mul3A_738 = arith.constant 2 : i32
          %mul3A_739 = arith.muli %while3A_699, %mul3A_738 : i32
          %add3A_740 = arith.constant 1 : i32
          %add3A_741 = arith.addi %mul3A_739, %add3A_740 : i32
          %mul3A_742 = arith.constant 16 : i32
          %mul3A_743 = arith.muli %add3A_741, %mul3A_742 : i32
          %get3A_744 = arith.index_cast %mul3A_743 : i32 to index
          %get3A_745 = tpu.vector_load %arg21[%get3A_744] {strides = array<i32>} : memref<5120xi32, #tpu.memory_space<vmem>>, vector<16xi32>,
          %gather3A_746 = tpu.vector_load_idx %arg15[%get3A_745] : memref<5120xf32, #tpu.memory_space<vmem>>[vector<16xi32>], vector<16xf32>,
          %ge3A_747 = arith.constant 5.000000e-01 : f32
          %ge3A_748 = vector.broadcast %ge3A_747 : f32 to vector<16xf32>
          %ge3A_749 = arith.cmpf oge, %gather3A_746, %ge3A_748 : vector<16xf32>
          %convert_element_type3A_750 = arith.extui %ge3A_749 : vector<16xi1> to vector<16xi32>
          %broadcast_in_dim3A_751 = arith.constant true
          %broadcast_in_dim3A_752 = vector.broadcast %broadcast_in_dim3A_751 : i1 to vector<16xi1>
          %masked_cumsum3A_753 = tpu.scan <sum>, %convert_element_type3A_750 masked %broadcast_in_dim3A_752 : vector<16xi32>, vector<16xi1> -> vector<16xi32>
          %add3A_754 = arith.addi %add3A_733, %masked_cumsum3A_753 : vector<16xi32>
          %sub3A_755 = arith.constant 1 : i32
          %sub3A_756 = vector.broadcast %sub3A_755 : i32 to vector<16xi32>
          %sub3A_757 = arith.subi %add3A_754, %sub3A_756 : vector<16xi32>
          %min3A_758 = arith.constant 31 : i32
          %min3A_759 = vector.broadcast %min3A_758 : i32 to vector<16xi32>
          %min3A_760 = arith.minsi %sub3A_757, %min3A_759 : vector<16xi32>
          %lt3A_761 = arith.constant 32 : i32
          %lt3A_762 = vector.broadcast %lt3A_761 : i32 to vector<16xi32>
          %lt3A_763 = arith.cmpi slt, %sub3A_757, %lt3A_762 : vector<16xi32>
          %and3A_764 = arith.andi %ge3A_749, %lt3A_763 : vector<16xi1>
          tpu.vector_store_idx %arg27[%min3A_760], %get3A_745 masked %and3A_764 : memref<32xi32, #tpu.memory_space<vmem>>[vector<16xi32>], vector<16xi32>, vector<16xi1>
          %sub3A_765 = arith.subi %iota3A, %masked_cumsum3A_753 : vector<16xi32>
          %add3A_766 = arith.addi %add3A_737, %sub3A_765 : vector<16xi32>
          %min3A_767 = arith.constant 127 : i32
          %min3A_768 = vector.broadcast %min3A_767 : i32 to vector<16xi32>
          %min3A_769 = arith.minsi %add3A_766, %min3A_768 : vector<16xi32>
          %not3A_770 = arith.constant dense<true> : vector<16xi1>
          %not3A_771 = arith.xori %ge3A_749, %not3A_770 : vector<16xi1>
          %lt3A_772 = arith.constant 128 : i32
          %lt3A_773 = vector.broadcast %lt3A_772 : i32 to vector<16xi32>
          %lt3A_774 = arith.cmpi slt, %add3A_766, %lt3A_773 : vector<16xi32>
          %and3A_775 = arith.andi %not3A_771, %lt3A_774 : vector<16xi1>
          tpu.vector_store_idx %arg28[%min3A_769], %get3A_745 masked %and3A_775 : memref<128xi32, #tpu.memory_space<vmem>>[vector<16xi32>], vector<16xi32>, vector<16xi1>
          %all_reduce_population_count3A_776 = tpu.all_reduce %ge3A_749 {dim = 0 : i64, kind = #tpu.reduction_kind<sum>} : vector<16xi1> -> vector<16xi32>
          %add3A_777 = arith.addi %add3A_733, %all_reduce_population_count3A_776 : vector<16xi32>
          %sub3A_778 = arith.constant 16 : i32
          %sub3A_779 = vector.broadcast %sub3A_778 : i32 to vector<16xi32>
          %sub3A_780 = arith.subi %sub3A_779, %all_reduce_population_count3A_776 : vector<16xi32>
          %add3A_781 = arith.addi %add3A_737, %sub3A_780 : vector<16xi32>
          scf.yield %add3A_777, %add3A_781 : vector<16xi32>, vector<16xi32>
        }
        %while3A_680 = arith.constant 1 : i32
        %while3A_681:2 = scf.for %while3A_699 = %while3A_677 to %while3A_673 step %while3A_680 iter_args(%while3A_700 = %while3A_679#0, %while3A_701 = %while3A_679#1) -> (vector<16xi32>, vector<16xi32>)  : i32 {
          %mul3A_702 = arith.constant 2 : i32
          %mul3A_703 = arith.muli %while3A_699, %mul3A_702 : i32
          %mul3A_704 = arith.constant 16 : i32
          %mul3A_705 = arith.muli %mul3A_703, %mul3A_704 : i32
          %get3A = arith.index_cast %mul3A_705 : i32 to index
          %get3A_706 = tpu.vector_load %arg21[%get3A] {strides = array<i32>} : memref<5120xi32, #tpu.memory_space<vmem>>, vector<16xi32>,
          %gather3A_707 = tpu.vector_load_idx %arg15[%get3A_706] : memref<5120xf32, #tpu.memory_space<vmem>>[vector<16xi32>], vector<16xf32>,
          %ge3A = arith.constant 5.000000e-01 : f32
          %ge3A_708 = vector.broadcast %ge3A : f32 to vector<16xf32>
          %ge3A_709 = arith.cmpf oge, %gather3A_707, %ge3A_708 : vector<16xf32>
          %convert_element_type3A_710 = arith.extui %ge3A_709 : vector<16xi1> to vector<16xi32>
          %broadcast_in_dim3A_711 = arith.constant true
          %broadcast_in_dim3A_712 = vector.broadcast %broadcast_in_dim3A_711 : i1 to vector<16xi1>
          %masked_cumsum3A = tpu.scan <sum>, %convert_element_type3A_710 masked %broadcast_in_dim3A_712 : vector<16xi32>, vector<16xi1> -> vector<16xi32>
          %add3A_713 = arith.addi %while3A_700, %masked_cumsum3A : vector<16xi32>
          %sub3A_714 = arith.constant 1 : i32
          %sub3A_715 = vector.broadcast %sub3A_714 : i32 to vector<16xi32>
          %sub3A_716 = arith.subi %add3A_713, %sub3A_715 : vector<16xi32>
          %min3A_717 = arith.constant 31 : i32
          %min3A_718 = vector.broadcast %min3A_717 : i32 to vector<16xi32>
          %min3A_719 = arith.minsi %sub3A_716, %min3A_718 : vector<16xi32>
          %lt3A_720 = arith.constant 32 : i32
          %lt3A_721 = vector.broadcast %lt3A_720 : i32 to vector<16xi32>
          %lt3A_722 = arith.cmpi slt, %sub3A_716, %lt3A_721 : vector<16xi32>
          %and3A = arith.andi %ge3A_709, %lt3A_722 : vector<16xi1>
          tpu.vector_store_idx %arg27[%min3A_719], %get3A_706 masked %and3A : memref<32xi32, #tpu.memory_space<vmem>>[vector<16xi32>], vector<16xi32>, vector<16xi1>
          %sub3A_723 = arith.subi %iota3A, %masked_cumsum3A : vector<16xi32>
          %add3A_724 = arith.addi %while3A_701, %sub3A_723 : vector<16xi32>
          %min3A_725 = arith.constant 127 : i32
          %min3A_726 = vector.broadcast %min3A_725 : i32 to vector<16xi32>
          %min3A_727 = arith.minsi %add3A_724, %min3A_726 : vector<16xi32>
          %not3A = arith.constant dense<true> : vector<16xi1>
          %not3A_728 = arith.xori %ge3A_709, %not3A : vector<16xi1>
          %lt3A_729 = arith.constant 128 : i32
          %lt3A_730 = vector.broadcast %lt3A_729 : i32 to vector<16xi32>
          %lt3A_731 = arith.cmpi slt, %add3A_724, %lt3A_730 : vector<16xi32>
          %and3A_732 = arith.andi %not3A_728, %lt3A_731 : vector<16xi1>
          tpu.vector_store_idx %arg28[%min3A_727], %get3A_706 masked %and3A_732 : memref<128xi32, #tpu.memory_space<vmem>>[vector<16xi32>], vector<16xi32>, vector<16xi1>
          %all_reduce_population_count3A = tpu.all_reduce %ge3A_709 {dim = 0 : i64, kind = #tpu.reduction_kind<sum>} : vector<16xi1> -> vector<16xi32>
          %add3A_733 = arith.addi %while3A_700, %all_reduce_population_count3A : vector<16xi32>
          %sub3A_734 = arith.constant 16 : i32
          %sub3A_735 = vector.broadcast %sub3A_734 : i32 to vector<16xi32>
          %sub3A_736 = arith.subi %sub3A_735, %all_reduce_population_count3A : vector<16xi32>
          %add3A_737 = arith.addi %while3A_701, %sub3A_736 : vector<16xi32>
          %mul3A_738 = arith.constant 2 : i32
          %mul3A_739 = arith.muli %while3A_699, %mul3A_738 : i32
          %add3A_740 = arith.constant 1 : i32
          %add3A_741 = arith.addi %mul3A_739, %add3A_740 : i32
          %mul3A_742 = arith.constant 16 : i32
          %mul3A_743 = arith.muli %add3A_741, %mul3A_742 : i32
          %get3A_744 = arith.index_cast %mul3A_743 : i32 to index
          %get3A_745 = tpu.vector_load %arg21[%get3A_744] {strides = array<i32>} : memref<5120xi32, #tpu.memory_space<vmem>>, vector<16xi32>,
          %gather3A_746 = tpu.vector_load_idx %arg15[%get3A_745] : memref<5120xf32, #tpu.memory_space<vmem>>[vector<16xi32>], vector<16xf32>,
          %ge3A_747 = arith.constant 5.000000e-01 : f32
          %ge3A_748 = vector.broadcast %ge3A_747 : f32 to vector<16xf32>
          %ge3A_749 = arith.cmpf oge, %gather3A_746, %ge3A_748 : vector<16xf32>
          %convert_element_type3A_750 = arith.extui %ge3A_749 : vector<16xi1> to vector<16xi32>
          %broadcast_in_dim3A_751 = arith.constant true
          %broadcast_in_dim3A_752 = vector.broadcast %broadcast_in_dim3A_751 : i1 to vector<16xi1>
          %masked_cumsum3A_753 = tpu.scan <sum>, %convert_element_type3A_750 masked %broadcast_in_dim3A_752 : vector<16xi32>, vector<16xi1> -> vector<16xi32>
          %add3A_754 = arith.addi %add3A_733, %masked_cumsum3A_753 : vector<16xi32>
          %sub3A_755 = arith.constant 1 : i32
          %sub3A_756 = vector.broadcast %sub3A_755 : i32 to vector<16xi32>
          %sub3A_757 = arith.subi %add3A_754, %sub3A_756 : vector<16xi32>
          %min3A_758 = arith.constant 31 : i32
          %min3A_759 = vector.broadcast %min3A_758 : i32 to vector<16xi32>
          %min3A_760 = arith.minsi %sub3A_757, %min3A_759 : vector<16xi32>
          %lt3A_761 = arith.constant 32 : i32
          %lt3A_762 = vector.broadcast %lt3A_761 : i32 to vector<16xi32>
          %lt3A_763 = arith.cmpi slt, %sub3A_757, %lt3A_762 : vector<16xi32>
          %and3A_764 = arith.andi %ge3A_749, %lt3A_763 : vector<16xi1>
          tpu.vector_store_idx %arg27[%min3A_760], %get3A_745 masked %and3A_764 : memref<32xi32, #tpu.memory_space<vmem>>[vector<16xi32>], vector<16xi32>, vector<16xi1>
          %sub3A_765 = arith.subi %iota3A, %masked_cumsum3A_753 : vector<16xi32>
          %add3A_766 = arith.addi %add3A_737, %sub3A_765 : vector<16xi32>
          %min3A_767 = arith.constant 127 : i32
          %min3A_768 = vector.broadcast %min3A_767 : i32 to vector<16xi32>
          %min3A_769 = arith.minsi %add3A_766, %min3A_768 : vector<16xi32>
          %not3A_770 = arith.constant dense<true> : vector<16xi1>
          %not3A_771 = arith.xori %ge3A_749, %not3A_770 : vector<16xi1>
          %lt3A_772 = arith.constant 128 : i32
          %lt3A_773 = vector.broadcast %lt3A_772 : i32 to vector<16xi32>
          %lt3A_774 = arith.cmpi slt, %add3A_766, %lt3A_773 : vector<16xi32>
          %and3A_775 = arith.andi %not3A_771, %lt3A_774 : vector<16xi1>
          tpu.vector_store_idx %arg28[%min3A_769], %get3A_745 masked %and3A_775 : memref<128xi32, #tpu.memory_space<vmem>>[vector<16xi32>], vector<16xi32>, vector<16xi1>
          %all_reduce_population_count3A_776 = tpu.all_reduce %ge3A_749 {dim = 0 : i64, kind = #tpu.reduction_kind<sum>} : vector<16xi1> -> vector<16xi32>
          %add3A_777 = arith.addi %add3A_733, %all_reduce_population_count3A_776 : vector<16xi32>
          %sub3A_778 = arith.constant 16 : i32
          %sub3A_779 = vector.broadcast %sub3A_778 : i32 to vector<16xi32>
          %sub3A_780 = arith.subi %sub3A_779, %all_reduce_population_count3A_776 : vector<16xi32>
          %add3A_781 = arith.addi %add3A_737, %sub3A_780 : vector<16xi32>
          scf.yield %add3A_777, %add3A_781 : vector<16xi32>, vector<16xi32>
        }
        %add3A_682 = arith.constant 1 : i32
        %add3A_683 = arith.addi %while3A_662, %add3A_682 : i32
        %reduce_max3A = arith.constant true
        %reduce_max3A_684 = vector.broadcast %reduce_max3A : i1 to vector<16xi1>
        %reduce_max3A_685 = arith.constant -2147483648 : i32
        %reduce_max3A_686 = vector.broadcast %reduce_max3A_685 : i32 to vector<16xi32>
        %reduce_max3A_687 = arith.xori %while3A_681#0, %reduce_max3A_686 : vector<16xi32>
        %reduce_max3A_688 = tpu.scan <max>, %reduce_max3A_687 masked %reduce_max3A_684 : vector<16xi32>, vector<16xi1> -> vector<16xi32>
        %reduce_max3A_689 = arith.xori %reduce_max3A_688, %reduce_max3A_686 : vector<16xi32>
        %reduce_max3A_690 = vector.extract %reduce_max3A_689[15] : i32 from vector<16xi32>
        %reduce_max3A_691 = arith.constant true
        %reduce_max3A_692 = vector.broadcast %reduce_max3A_691 : i1 to vector<16xi1>
        %reduce_max3A_693 = arith.constant -2147483648 : i32
        %reduce_max3A_694 = vector.broadcast %reduce_max3A_693 : i32 to vector<16xi32>
        %reduce_max3A_695 = arith.xori %while3A_681#1, %reduce_max3A_694 : vector<16xi32>
        %reduce_max3A_696 = tpu.scan <max>, %reduce_max3A_695 masked %reduce_max3A_692 : vector<16xi32>, vector<16xi1> -> vector<16xi32>
        %reduce_max3A_697 = arith.xori %reduce_max3A_696, %reduce_max3A_694 : vector<16xi32>
        %reduce_max3A_698 = vector.extract %reduce_max3A_697[15] : i32 from vector<16xi32>
        scf.yield %add3A_683, %while3A_681#0, %while3A_681#1, %reduce_max3A_690, %reduce_max3A_698 : i32, vector<16xi32>, vector<16xi32>, i32, i32
      }
      %lt3A_91 = arith.constant 32 : i32
      %lt3A_92 = arith.cmpi slt, %while3A_90#3, %lt3A_91 : i32
      %lt3A_93 = arith.constant 128 : i32
      %lt3A_94 = arith.cmpi slt, %while3A_90#4, %lt3A_93 : i32
      %or3A = arith.ori %lt3A_92, %lt3A_94 : i1
      %convert_element_type3A_95 = arith.extui %or3A : i1 to i32
      %cond3A_96 = arith.constant 0 : i32
      %cond3A_97 = arith.cmpi ne, %convert_element_type3A_95, %cond3A_96 : i32
      %cond3A_98:2 = scf.if %cond3A_97 -> (vector<16xi32>, vector<16xi32>) {
        %scan3A = arith.constant 304 : i32
        %scan3A_662 = arith.constant 16 : i32
        %scan3A_663 = arith.addi %scan3A, %scan3A_662 : i32
        %scan3A_664 = arith.constant 1 : i32
        %scan3A_665:2 = scf.for %scan3A_667 = %scan3A to %scan3A_663 step %scan3A_664 iter_args(%scan3A_668 = %while3A_90#1, %scan3A_669 = %while3A_90#2) -> (vector<16xi32>, vector<16xi32>)  : i32 {
          %mul3A = arith.constant 16 : i32
          %mul3A_670 = arith.muli %scan3A_667, %mul3A : i32
          %get3A = arith.index_cast %mul3A_670 : i32 to index
          %get3A_671 = tpu.vector_load %arg21[%get3A] {strides = array<i32>} : memref<5120xi32, #tpu.memory_space<vmem>>, vector<16xi32>,
          %gather3A_672 = tpu.vector_load_idx %arg15[%get3A_671] : memref<5120xf32, #tpu.memory_space<vmem>>[vector<16xi32>], vector<16xf32>,
          %ge3A = arith.constant 5.000000e-01 : f32
          %ge3A_673 = vector.broadcast %ge3A : f32 to vector<16xf32>
          %ge3A_674 = arith.cmpf oge, %gather3A_672, %ge3A_673 : vector<16xf32>
          %lt3A_675 = arith.constant 5.000000e-01 : f32
          %lt3A_676 = vector.broadcast %lt3A_675 : f32 to vector<16xf32>
          %lt3A_677 = arith.cmpf olt, %gather3A_672, %lt3A_676 : vector<16xf32>
          %ge3A_678 = arith.constant 0.000000e+00 : f32
          %ge3A_679 = vector.broadcast %ge3A_678 : f32 to vector<16xf32>
          %ge3A_680 = arith.cmpf oge, %gather3A_672, %ge3A_679 : vector<16xf32>
          %and3A = arith.andi %lt3A_677, %ge3A_680 : vector<16xi1>
          %convert_element_type3A_681 = arith.extui %ge3A_674 : vector<16xi1> to vector<16xi32>
          %broadcast_in_dim3A_682 = arith.constant true
          %broadcast_in_dim3A_683 = vector.broadcast %broadcast_in_dim3A_682 : i1 to vector<16xi1>
          %masked_cumsum3A = tpu.scan <sum>, %convert_element_type3A_681 masked %broadcast_in_dim3A_683 : vector<16xi32>, vector<16xi1> -> vector<16xi32>
          %add3A_684 = arith.addi %scan3A_668, %masked_cumsum3A : vector<16xi32>
          %sub3A_685 = arith.constant 1 : i32
          %sub3A_686 = vector.broadcast %sub3A_685 : i32 to vector<16xi32>
          %sub3A_687 = arith.subi %add3A_684, %sub3A_686 : vector<16xi32>
          %min3A_688 = arith.constant 31 : i32
          %min3A_689 = vector.broadcast %min3A_688 : i32 to vector<16xi32>
          %min3A_690 = arith.minsi %sub3A_687, %min3A_689 : vector<16xi32>
          %lt3A_691 = arith.constant 32 : i32
          %lt3A_692 = vector.broadcast %lt3A_691 : i32 to vector<16xi32>
          %lt3A_693 = arith.cmpi slt, %sub3A_687, %lt3A_692 : vector<16xi32>
          %and3A_694 = arith.andi %ge3A_674, %lt3A_693 : vector<16xi1>
          tpu.vector_store_idx %arg27[%min3A_690], %get3A_671 masked %and3A_694 : memref<32xi32, #tpu.memory_space<vmem>>[vector<16xi32>], vector<16xi32>, vector<16xi1>
          %convert_element_type3A_695 = arith.extui %and3A : vector<16xi1> to vector<16xi32>
          %broadcast_in_dim3A_696 = arith.constant true
          %broadcast_in_dim3A_697 = vector.broadcast %broadcast_in_dim3A_696 : i1 to vector<16xi1>
          %masked_cumsum3A_698 = tpu.scan <sum>, %convert_element_type3A_695 masked %broadcast_in_dim3A_697 : vector<16xi32>, vector<16xi1> -> vector<16xi32>
          %add3A_699 = arith.addi %scan3A_669, %masked_cumsum3A_698 : vector<16xi32>
          %sub3A_700 = arith.constant 1 : i32
          %sub3A_701 = vector.broadcast %sub3A_700 : i32 to vector<16xi32>
          %sub3A_702 = arith.subi %add3A_699, %sub3A_701 : vector<16xi32>
          %min3A_703 = arith.constant 127 : i32
          %min3A_704 = vector.broadcast %min3A_703 : i32 to vector<16xi32>
          %min3A_705 = arith.minsi %sub3A_702, %min3A_704 : vector<16xi32>
          %lt3A_706 = arith.constant 128 : i32
          %lt3A_707 = vector.broadcast %lt3A_706 : i32 to vector<16xi32>
          %lt3A_708 = arith.cmpi slt, %sub3A_702, %lt3A_707 : vector<16xi32>
          %and3A_709 = arith.andi %and3A, %lt3A_708 : vector<16xi1>
          tpu.vector_store_idx %arg28[%min3A_705], %get3A_671 masked %and3A_709 : memref<128xi32, #tpu.memory_space<vmem>>[vector<16xi32>], vector<16xi32>, vector<16xi1>
          %all_reduce_population_count3A = tpu.all_reduce %ge3A_674 {dim = 0 : i64, kind = #tpu.reduction_kind<sum>} : vector<16xi1> -> vector<16xi32>
          %add3A_710 = arith.addi %scan3A_668, %all_reduce_population_count3A : vector<16xi32>
          %all_reduce_population_count3A_711 = tpu.all_reduce %and3A {dim = 0 : i64, kind = #tpu.reduction_kind<sum>} : vector<16xi1> -> vector<16xi32>
          %add3A_712 = arith.addi %scan3A_669, %all_reduce_population_count3A_711 : vector<16xi32>
          scf.yield %add3A_710, %add3A_712 : vector<16xi32>, vector<16xi32>
        }
        %scan3A_666 = arith.constant 16 : i32
        scf.yield %scan3A_665#0, %scan3A_665#1 : vector<16xi32>, vector<16xi32>
      } else {
        scf.yield %while3A_90#1, %while3A_90#2 : vector<16xi32>, vector<16xi32>
      }
      %min3A = arith.constant 32 : i32
      %min3A_99 = vector.broadcast %min3A : i32 to vector<16xi32>
      %min3A_100 = arith.minsi %cond3A_98#0, %min3A_99 : vector<16xi32>
      %max3A = arith.constant 1 : i32
      %max3A_101 = vector.broadcast %max3A : i32 to vector<16xi32>
      %max3A_102 = arith.maxsi %cond3A_98#1, %max3A_101 : vector<16xi32>
      %min3A_103 = arith.constant 128 : i32
      %min3A_104 = vector.broadcast %min3A_103 : i32 to vector<16xi32>
      %min3A_105 = arith.minsi %max3A_102, %min3A_104 : vector<16xi32>
      %dma_wait3A_106 = arith.constant 0 : i32
      %dma_wait3A_107 = tpu.memref_slice %arg4[%arg1, %dma_wait3A_106] : memref<4x5120xf32, #tpu.memory_space<hbm>> -> memref<1x5120xf32, #tpu.memory_space<hbm>>
      %dma_wait3A_108 = tpu.memref_squeeze %dma_wait3A_107 : memref<1x5120xf32, #tpu.memory_space<hbm>> -> memref<5120xf32, #tpu.memory_space<hbm>>
      %dma_wait3A_109 = arith.constant 0 : i32
      %dma_wait3A_110 = tpu.memref_slice %arg4[%arg1, %dma_wait3A_109] : memref<4x5120xf32, #tpu.memory_space<hbm>> -> memref<1x5120xf32, #tpu.memory_space<hbm>>
      %dma_wait3A_111 = tpu.memref_squeeze %dma_wait3A_110 : memref<1x5120xf32, #tpu.memory_space<hbm>> -> memref<5120xf32, #tpu.memory_space<hbm>>
      tpu.wait_dma2 semaphore(%arg38 : memref<!tpu.dma_semaphore, #tpu.memory_space<semaphore_mem>>) src(%dma_wait3A_111 : memref<5120xf32, #tpu.memory_space<hbm>>) dst(%arg17 : memref<5120xf32, #tpu.memory_space<vmem>>)
      %dma_wait3A_112 = arith.constant 0 : i32
      %dma_wait3A_113 = tpu.memref_slice %arg5[%arg1, %dma_wait3A_112] : memref<4x5120xf32, #tpu.memory_space<hbm>> -> memref<1x5120xf32, #tpu.memory_space<hbm>>
      %dma_wait3A_114 = tpu.memref_squeeze %dma_wait3A_113 : memref<1x5120xf32, #tpu.memory_space<hbm>> -> memref<5120xf32, #tpu.memory_space<hbm>>
      %dma_wait3A_115 = arith.constant 0 : i32
      %dma_wait3A_116 = tpu.memref_slice %arg5[%arg1, %dma_wait3A_115] : memref<4x5120xf32, #tpu.memory_space<hbm>> -> memref<1x5120xf32, #tpu.memory_space<hbm>>
      %dma_wait3A_117 = tpu.memref_squeeze %dma_wait3A_116 : memref<1x5120xf32, #tpu.memory_space<hbm>> -> memref<5120xf32, #tpu.memory_space<hbm>>
      tpu.wait_dma2 semaphore(%arg38 : memref<!tpu.dma_semaphore, #tpu.memory_space<semaphore_mem>>) src(%dma_wait3A_117 : memref<5120xf32, #tpu.memory_space<hbm>>) dst(%arg18 : memref<5120xf32, #tpu.memory_space<vmem>>)
      %dma_wait3A_118 = arith.constant 0 : i32
      %dma_wait3A_119 = tpu.memref_slice %arg6[%arg1, %dma_wait3A_118] : memref<4x5120xf32, #tpu.memory_space<hbm>> -> memref<1x5120xf32, #tpu.memory_space<hbm>>
      %dma_wait3A_120 = tpu.memref_squeeze %dma_wait3A_119 : memref<1x5120xf32, #tpu.memory_space<hbm>> -> memref<5120xf32, #tpu.memory_space<hbm>>
      %dma_wait3A_121 = arith.constant 0 : i32
      %dma_wait3A_122 = tpu.memref_slice %arg6[%arg1, %dma_wait3A_121] : memref<4x5120xf32, #tpu.memory_space<hbm>> -> memref<1x5120xf32, #tpu.memory_space<hbm>>
      %dma_wait3A_123 = tpu.memref_squeeze %dma_wait3A_122 : memref<1x5120xf32, #tpu.memory_space<hbm>> -> memref<5120xf32, #tpu.memory_space<hbm>>
      tpu.wait_dma2 semaphore(%arg38 : memref<!tpu.dma_semaphore, #tpu.memory_space<semaphore_mem>>) src(%dma_wait3A_123 : memref<5120xf32, #tpu.memory_space<hbm>>) dst(%arg19 : memref<5120xf32, #tpu.memory_space<vmem>>)
      %dma_wait3A_124 = arith.constant 0 : i32
      %dma_wait3A_125 = tpu.memref_slice %arg7[%arg1, %dma_wait3A_124] : memref<4x5120xf32, #tpu.memory_space<hbm>> -> memref<1x5120xf32, #tpu.memory_space<hbm>>
      %dma_wait3A_126 = tpu.memref_squeeze %dma_wait3A_125 : memref<1x5120xf32, #tpu.memory_space<hbm>> -> memref<5120xf32, #tpu.memory_space<hbm>>
      %dma_wait3A_127 = arith.constant 0 : i32
      %dma_wait3A_128 = tpu.memref_slice %arg7[%arg1, %dma_wait3A_127] : memref<4x5120xf32, #tpu.memory_space<hbm>> -> memref<1x5120xf32, #tpu.memory_space<hbm>>
      %dma_wait3A_129 = tpu.memref_squeeze %dma_wait3A_128 : memref<1x5120xf32, #tpu.memory_space<hbm>> -> memref<5120xf32, #tpu.memory_space<hbm>>
      tpu.wait_dma2 semaphore(%arg38 : memref<!tpu.dma_semaphore, #tpu.memory_space<semaphore_mem>>) src(%dma_wait3A_129 : memref<5120xf32, #tpu.memory_space<hbm>>) dst(%arg20 : memref<5120xf32, #tpu.memory_space<vmem>>)
      %dma_wait3A_130 = arith.constant 0 : i32
      %dma_wait3A_131 = tpu.memref_slice %arg3[%arg1, %dma_wait3A_130] : memref<4x5120xi32, #tpu.memory_space<hbm>> -> memref<1x5120xi32, #tpu.memory_space<hbm>>
      %dma_wait3A_132 = tpu.memref_squeeze %dma_wait3A_131 : memref<1x5120xi32, #tpu.memory_space<hbm>> -> memref<5120xi32, #tpu.memory_space<hbm>>
      %dma_wait3A_133 = arith.constant 0 : i32
      %dma_wait3A_134 = tpu.memref_slice %arg3[%arg1, %dma_wait3A_133] : memref<4x5120xi32, #tpu.memory_space<hbm>> -> memref<1x5120xi32, #tpu.memory_space<hbm>>
      %dma_wait3A_135 = tpu.memref_squeeze %dma_wait3A_134 : memref<1x5120xi32, #tpu.memory_space<hbm>> -> memref<5120xi32, #tpu.memory_space<hbm>>
      tpu.wait_dma2 semaphore(%arg38 : memref<!tpu.dma_semaphore, #tpu.memory_space<semaphore_mem>>) src(%dma_wait3A_135 : memref<5120xi32, #tpu.memory_space<hbm>>) dst(%arg16 : memref<5120xi32, #tpu.memory_space<vmem>>)
      %dma_wait3A_136 = arith.constant 0 : i32
      %dma_wait3A_137 = tpu.memref_slice %arg9[%arg1, %dma_wait3A_136] : memref<4x32xf32, #tpu.memory_space<hbm>> -> memref<1x32xf32, #tpu.memory_space<hbm>>
      %dma_wait3A_138 = tpu.memref_squeeze %dma_wait3A_137 : memref<1x32xf32, #tpu.memory_space<hbm>> -> memref<32xf32, #tpu.memory_space<hbm>>
      %dma_wait3A_139 = arith.constant 0 : i32
      %dma_wait3A_140 = tpu.memref_slice %arg9[%arg1, %dma_wait3A_139] : memref<4x32xf32, #tpu.memory_space<hbm>> -> memref<1x32xf32, #tpu.memory_space<hbm>>
      %dma_wait3A_141 = tpu.memref_squeeze %dma_wait3A_140 : memref<1x32xf32, #tpu.memory_space<hbm>> -> memref<32xf32, #tpu.memory_space<hbm>>
      tpu.wait_dma2 semaphore(%arg38 : memref<!tpu.dma_semaphore, #tpu.memory_space<semaphore_mem>>) src(%dma_wait3A_141 : memref<32xf32, #tpu.memory_space<hbm>>) dst(%arg22 : memref<32xf32, #tpu.memory_space<vmem>>)
      %dma_wait3A_142 = arith.constant 0 : i32
      %dma_wait3A_143 = tpu.memref_slice %arg10[%arg1, %dma_wait3A_142] : memref<4x32xf32, #tpu.memory_space<hbm>> -> memref<1x32xf32, #tpu.memory_space<hbm>>
      %dma_wait3A_144 = tpu.memref_squeeze %dma_wait3A_143 : memref<1x32xf32, #tpu.memory_space<hbm>> -> memref<32xf32, #tpu.memory_space<hbm>>
      %dma_wait3A_145 = arith.constant 0 : i32
      %dma_wait3A_146 = tpu.memref_slice %arg10[%arg1, %dma_wait3A_145] : memref<4x32xf32, #tpu.memory_space<hbm>> -> memref<1x32xf32, #tpu.memory_space<hbm>>
      %dma_wait3A_147 = tpu.memref_squeeze %dma_wait3A_146 : memref<1x32xf32, #tpu.memory_space<hbm>> -> memref<32xf32, #tpu.memory_space<hbm>>
      tpu.wait_dma2 semaphore(%arg38 : memref<!tpu.dma_semaphore, #tpu.memory_space<semaphore_mem>>) src(%dma_wait3A_147 : memref<32xf32, #tpu.memory_space<hbm>>) dst(%arg23 : memref<32xf32, #tpu.memory_space<vmem>>)
      %dma_wait3A_148 = arith.constant 0 : i32
      %dma_wait3A_149 = tpu.memref_slice %arg11[%arg1, %dma_wait3A_148] : memref<4x32xf32, #tpu.memory_space<hbm>> -> memref<1x32xf32, #tpu.memory_space<hbm>>
      %dma_wait3A_150 = tpu.memref_squeeze %dma_wait3A_149 : memref<1x32xf32, #tpu.memory_space<hbm>> -> memref<32xf32, #tpu.memory_space<hbm>>
      %dma_wait3A_151 = arith.constant 0 : i32
      %dma_wait3A_152 = tpu.memref_slice %arg11[%arg1, %dma_wait3A_151] : memref<4x32xf32, #tpu.memory_space<hbm>> -> memref<1x32xf32, #tpu.memory_space<hbm>>
      %dma_wait3A_153 = tpu.memref_squeeze %dma_wait3A_152 : memref<1x32xf32, #tpu.memory_space<hbm>> -> memref<32xf32, #tpu.memory_space<hbm>>
      tpu.wait_dma2 semaphore(%arg38 : memref<!tpu.dma_semaphore, #tpu.memory_space<semaphore_mem>>) src(%dma_wait3A_153 : memref<32xf32, #tpu.memory_space<hbm>>) dst(%arg24 : memref<32xf32, #tpu.memory_space<vmem>>)
      %dma_wait3A_154 = arith.constant 0 : i32
      %dma_wait3A_155 = tpu.memref_slice %arg12[%arg1, %dma_wait3A_154] : memref<4x32xf32, #tpu.memory_space<hbm>> -> memref<1x32xf32, #tpu.memory_space<hbm>>
      %dma_wait3A_156 = tpu.memref_squeeze %dma_wait3A_155 : memref<1x32xf32, #tpu.memory_space<hbm>> -> memref<32xf32, #tpu.memory_space<hbm>>
      %dma_wait3A_157 = arith.constant 0 : i32
      %dma_wait3A_158 = tpu.memref_slice %arg12[%arg1, %dma_wait3A_157] : memref<4x32xf32, #tpu.memory_space<hbm>> -> memref<1x32xf32, #tpu.memory_space<hbm>>
      %dma_wait3A_159 = tpu.memref_squeeze %dma_wait3A_158 : memref<1x32xf32, #tpu.memory_space<hbm>> -> memref<32xf32, #tpu.memory_space<hbm>>
      tpu.wait_dma2 semaphore(%arg38 : memref<!tpu.dma_semaphore, #tpu.memory_space<semaphore_mem>>) src(%dma_wait3A_159 : memref<32xf32, #tpu.memory_space<hbm>>) dst(%arg25 : memref<32xf32, #tpu.memory_space<vmem>>)
      %dma_wait3A_160 = arith.constant 0 : i32
      %dma_wait3A_161 = tpu.memref_slice %arg13[%arg1, %dma_wait3A_160] : memref<4x32xf32, #tpu.memory_space<hbm>> -> memref<1x32xf32, #tpu.memory_space<hbm>>
      %dma_wait3A_162 = tpu.memref_squeeze %dma_wait3A_161 : memref<1x32xf32, #tpu.memory_space<hbm>> -> memref<32xf32, #tpu.memory_space<hbm>>
      %dma_wait3A_163 = arith.constant 0 : i32
      %dma_wait3A_164 = tpu.memref_slice %arg13[%arg1, %dma_wait3A_163] : memref<4x32xf32, #tpu.memory_space<hbm>> -> memref<1x32xf32, #tpu.memory_space<hbm>>
      %dma_wait3A_165 = tpu.memref_squeeze %dma_wait3A_164 : memref<1x32xf32, #tpu.memory_space<hbm>> -> memref<32xf32, #tpu.memory_space<hbm>>
      tpu.wait_dma2 semaphore(%arg38 : memref<!tpu.dma_semaphore, #tpu.memory_space<semaphore_mem>>) src(%dma_wait3A_165 : memref<32xf32, #tpu.memory_space<hbm>>) dst(%arg26 : memref<32xf32, #tpu.memory_space<vmem>>)
      %iota3A_166 = tpu.iota {dimensions = array<i32: 0>} : vector<16xi32>
      %add3A = arith.constant 0 : i32
      %add3A_167 = vector.broadcast %add3A : i32 to vector<16xi32>
      %add3A_168 = arith.addi %add3A_167, %iota3A_166 : vector<16xi32>
      %lt3A_169 = arith.cmpi slt, %add3A_168, %min3A_100 : vector<16xi32>
      %min3A_170 = arith.constant 31 : i32
      %min3A_171 = vector.broadcast %min3A_170 : i32 to vector<16xi32>
      %min3A_172 = arith.minsi %add3A_168, %min3A_171 : vector<16xi32>
      %gather3A = tpu.vector_load_idx %arg27[%min3A_172] : memref<32xi32, #tpu.memory_space<vmem>>[vector<16xi32>], vector<16xi32>,
      %sub3A = arith.subi %add3A_168, %min3A_100 : vector<16xi32>
      %max3A_173 = arith.constant 0 : i32
      %max3A_174 = vector.broadcast %max3A_173 : i32 to vector<16xi32>
      %max3A_175 = arith.maxsi %sub3A, %max3A_174 : vector<16xi32>
      %rem3A = arith.remsi %max3A_175, %min3A_105 : vector<16xi32>
      %gather3A_176 = tpu.vector_load_idx %arg28[%rem3A] : memref<128xi32, #tpu.memory_space<vmem>>[vector<16xi32>], vector<16xi32>,
      %select_n3A = arith.select %lt3A_169, %gather3A, %gather3A_176 : vector<16xi1>, vector<16xi32>
      %gather3A_177 = tpu.vector_load_idx %arg16[%select_n3A] : memref<5120xi32, #tpu.memory_space<vmem>>[vector<16xi32>], vector<16xi32>,
      %gather3A_178 = tpu.vector_load_idx %arg26[%gather3A_177] : memref<32xf32, #tpu.memory_space<vmem>>[vector<16xi32>], vector<16xf32>,
      %gather3A_179 = tpu.vector_load_idx %arg17[%select_n3A] : memref<5120xf32, #tpu.memory_space<vmem>>[vector<16xi32>], vector<16xf32>,
      %swap3A_180 = arith.constant 0 : index
      %swap3A_181 = tpu.vector_load %arg29[%swap3A_180] {strides = array<i32>} : memref<128xf32, #tpu.memory_space<vmem>>, vector<16xf32>,
      tpu.vector_store %arg29[%swap3A_180], %gather3A_179 {strides = array<i32>} : memref<128xf32, #tpu.memory_space<vmem>>, vector<16xf32>,
      %gather3A_182 = tpu.vector_load_idx %arg18[%select_n3A] : memref<5120xf32, #tpu.memory_space<vmem>>[vector<16xi32>], vector<16xf32>,
      %swap3A_183 = arith.constant 0 : index
      %swap3A_184 = tpu.vector_load %arg30[%swap3A_183] {strides = array<i32>} : memref<128xf32, #tpu.memory_space<vmem>>, vector<16xf32>,
      tpu.vector_store %arg30[%swap3A_183], %gather3A_182 {strides = array<i32>} : memref<128xf32, #tpu.memory_space<vmem>>, vector<16xf32>,
      %gather3A_185 = tpu.vector_load_idx %arg19[%select_n3A] : memref<5120xf32, #tpu.memory_space<vmem>>[vector<16xi32>], vector<16xf32>,
      %swap3A_186 = arith.constant 0 : index
      %swap3A_187 = tpu.vector_load %arg31[%swap3A_186] {strides = array<i32>} : memref<128xf32, #tpu.memory_space<vmem>>, vector<16xf32>,
      tpu.vector_store %arg31[%swap3A_186], %gather3A_185 {strides = array<i32>} : memref<128xf32, #tpu.memory_space<vmem>>, vector<16xf32>,
      %gather3A_188 = tpu.vector_load_idx %arg20[%select_n3A] : memref<5120xf32, #tpu.memory_space<vmem>>[vector<16xi32>], vector<16xf32>,
      %swap3A_189 = arith.constant 0 : index
      %swap3A_190 = tpu.vector_load %arg32[%swap3A_189] {strides = array<i32>} : memref<128xf32, #tpu.memory_space<vmem>>, vector<16xf32>,
      tpu.vector_store %arg32[%swap3A_189], %gather3A_188 {strides = array<i32>} : memref<128xf32, #tpu.memory_space<vmem>>, vector<16xf32>,
      %jit3A = arith.constant 0.000000e+00 : f32
      %broadcast_in_dim3A_191 = vector.broadcast %jit3A : f32 to vector<16xf32>
      %select_n3A_192 = arith.select %lt3A_169, %gather3A_178, %broadcast_in_dim3A_191 : vector<16xi1>, vector<16xf32>
      %swap3A_193 = arith.constant 0 : index
      %swap3A_194 = tpu.vector_load %arg33[%swap3A_193] {strides = array<i32>} : memref<128xf32, #tpu.memory_space<vmem>>, vector<16xf32>,
      tpu.vector_store %arg33[%swap3A_193], %select_n3A_192 {strides = array<i32>} : memref<128xf32, #tpu.memory_space<vmem>>, vector<16xf32>,
      %gather3A_195 = tpu.vector_load_idx %arg22[%gather3A_177] : memref<32xf32, #tpu.memory_space<vmem>>[vector<16xi32>], vector<16xf32>,
      %swap3A_196 = arith.constant 0 : index
      %swap3A_197 = tpu.vector_load %arg34[%swap3A_196] {strides = array<i32>} : memref<128xf32, #tpu.memory_space<vmem>>, vector<16xf32>,
      tpu.vector_store %arg34[%swap3A_196], %gather3A_195 {strides = array<i32>} : memref<128xf32, #tpu.memory_space<vmem>>, vector<16xf32>,
      %gather3A_198 = tpu.vector_load_idx %arg23[%gather3A_177] : memref<32xf32, #tpu.memory_space<vmem>>[vector<16xi32>], vector<16xf32>,
      %swap3A_199 = arith.constant 0 : index
      %swap3A_200 = tpu.vector_load %arg35[%swap3A_199] {strides = array<i32>} : memref<128xf32, #tpu.memory_space<vmem>>, vector<16xf32>,
      tpu.vector_store %arg35[%swap3A_199], %gather3A_198 {strides = array<i32>} : memref<128xf32, #tpu.memory_space<vmem>>, vector<16xf32>,
      %gather3A_201 = tpu.vector_load_idx %arg24[%gather3A_177] : memref<32xf32, #tpu.memory_space<vmem>>[vector<16xi32>], vector<16xf32>,
      %swap3A_202 = arith.constant 0 : index
      %swap3A_203 = tpu.vector_load %arg36[%swap3A_202] {strides = array<i32>} : memref<128xf32, #tpu.memory_space<vmem>>, vector<16xf32>,
      tpu.vector_store %arg36[%swap3A_202], %gather3A_201 {strides = array<i32>} : memref<128xf32, #tpu.memory_space<vmem>>, vector<16xf32>,
      %gather3A_204 = tpu.vector_load_idx %arg25[%gather3A_177] : memref<32xf32, #tpu.memory_space<vmem>>[vector<16xi32>], vector<16xf32>,
      %swap3A_205 = arith.constant 0 : index
      %swap3A_206 = tpu.vector_load %arg37[%swap3A_205] {strides = array<i32>} : memref<128xf32, #tpu.memory_space<vmem>>, vector<16xf32>,
      tpu.vector_store %arg37[%swap3A_205], %gather3A_204 {strides = array<i32>} : memref<128xf32, #tpu.memory_space<vmem>>, vector<16xf32>,
      %iota3A_207 = tpu.iota {dimensions = array<i32: 0>} : vector<16xi32>
      %add3A_208 = arith.constant 16 : i32
      %add3A_209 = vector.broadcast %add3A_208 : i32 to vector<16xi32>
      %add3A_210 = arith.addi %add3A_209, %iota3A_207 : vector<16xi32>
      %lt3A_211 = arith.cmpi slt, %add3A_210, %min3A_100 : vector<16xi32>
      %min3A_212 = arith.constant 31 : i32
      %min3A_213 = vector.broadcast %min3A_212 : i32 to vector<16xi32>
      %min3A_214 = arith.minsi %add3A_210, %min3A_213 : vector<16xi32>
      %gather3A_215 = tpu.vector_load_idx %arg27[%min3A_214] : memref<32xi32, #tpu.memory_space<vmem>>[vector<16xi32>], vector<16xi32>,
      %sub3A_216 = arith.subi %add3A_210, %min3A_100 : vector<16xi32>
      %max3A_217 = arith.constant 0 : i32
      %max3A_218 = vector.broadcast %max3A_217 : i32 to vector<16xi32>
      %max3A_219 = arith.maxsi %sub3A_216, %max3A_218 : vector<16xi32>
      %rem3A_220 = arith.remsi %max3A_219, %min3A_105 : vector<16xi32>
      %gather3A_221 = tpu.vector_load_idx %arg28[%rem3A_220] : memref<128xi32, #tpu.memory_space<vmem>>[vector<16xi32>], vector<16xi32>,
      %select_n3A_222 = arith.select %lt3A_211, %gather3A_215, %gather3A_221 : vector<16xi1>, vector<16xi32>
      %gather3A_223 = tpu.vector_load_idx %arg16[%select_n3A_222] : memref<5120xi32, #tpu.memory_space<vmem>>[vector<16xi32>], vector<16xi32>,
      %gather3A_224 = tpu.vector_load_idx %arg26[%gather3A_223] : memref<32xf32, #tpu.memory_space<vmem>>[vector<16xi32>], vector<16xf32>,
      %gather3A_225 = tpu.vector_load_idx %arg17[%select_n3A_222] : memref<5120xf32, #tpu.memory_space<vmem>>[vector<16xi32>], vector<16xf32>,
      %swap3A_226 = arith.constant 16 : index
      %swap3A_227 = tpu.vector_load %arg29[%swap3A_226] {strides = array<i32>} : memref<128xf32, #tpu.memory_space<vmem>>, vector<16xf32>,
      tpu.vector_store %arg29[%swap3A_226], %gather3A_225 {strides = array<i32>} : memref<128xf32, #tpu.memory_space<vmem>>, vector<16xf32>,
      %gather3A_228 = tpu.vector_load_idx %arg18[%select_n3A_222] : memref<5120xf32, #tpu.memory_space<vmem>>[vector<16xi32>], vector<16xf32>,
      %swap3A_229 = arith.constant 16 : index
      %swap3A_230 = tpu.vector_load %arg30[%swap3A_229] {strides = array<i32>} : memref<128xf32, #tpu.memory_space<vmem>>, vector<16xf32>,
      tpu.vector_store %arg30[%swap3A_229], %gather3A_228 {strides = array<i32>} : memref<128xf32, #tpu.memory_space<vmem>>, vector<16xf32>,
      %gather3A_231 = tpu.vector_load_idx %arg19[%select_n3A_222] : memref<5120xf32, #tpu.memory_space<vmem>>[vector<16xi32>], vector<16xf32>,
      %swap3A_232 = arith.constant 16 : index
      %swap3A_233 = tpu.vector_load %arg31[%swap3A_232] {strides = array<i32>} : memref<128xf32, #tpu.memory_space<vmem>>, vector<16xf32>,
      tpu.vector_store %arg31[%swap3A_232], %gather3A_231 {strides = array<i32>} : memref<128xf32, #tpu.memory_space<vmem>>, vector<16xf32>,
      %gather3A_234 = tpu.vector_load_idx %arg20[%select_n3A_222] : memref<5120xf32, #tpu.memory_space<vmem>>[vector<16xi32>], vector<16xf32>,
      %swap3A_235 = arith.constant 16 : index
      %swap3A_236 = tpu.vector_load %arg32[%swap3A_235] {strides = array<i32>} : memref<128xf32, #tpu.memory_space<vmem>>, vector<16xf32>,
      tpu.vector_store %arg32[%swap3A_235], %gather3A_234 {strides = array<i32>} : memref<128xf32, #tpu.memory_space<vmem>>, vector<16xf32>,
      %jit3A_237 = arith.constant 0.000000e+00 : f32
      %broadcast_in_dim3A_238 = vector.broadcast %jit3A_237 : f32 to vector<16xf32>
      %select_n3A_239 = arith.select %lt3A_211, %gather3A_224, %broadcast_in_dim3A_238 : vector<16xi1>, vector<16xf32>
      %swap3A_240 = arith.constant 16 : index
      %swap3A_241 = tpu.vector_load %arg33[%swap3A_240] {strides = array<i32>} : memref<128xf32, #tpu.memory_space<vmem>>, vector<16xf32>,
      tpu.vector_store %arg33[%swap3A_240], %select_n3A_239 {strides = array<i32>} : memref<128xf32, #tpu.memory_space<vmem>>, vector<16xf32>,
      %gather3A_242 = tpu.vector_load_idx %arg22[%gather3A_223] : memref<32xf32, #tpu.memory_space<vmem>>[vector<16xi32>], vector<16xf32>,
      %swap3A_243 = arith.constant 16 : index
      %swap3A_244 = tpu.vector_load %arg34[%swap3A_243] {strides = array<i32>} : memref<128xf32, #tpu.memory_space<vmem>>, vector<16xf32>,
      tpu.vector_store %arg34[%swap3A_243], %gather3A_242 {strides = array<i32>} : memref<128xf32, #tpu.memory_space<vmem>>, vector<16xf32>,
      %gather3A_245 = tpu.vector_load_idx %arg23[%gather3A_223] : memref<32xf32, #tpu.memory_space<vmem>>[vector<16xi32>], vector<16xf32>,
      %swap3A_246 = arith.constant 16 : index
      %swap3A_247 = tpu.vector_load %arg35[%swap3A_246] {strides = array<i32>} : memref<128xf32, #tpu.memory_space<vmem>>, vector<16xf32>,
      tpu.vector_store %arg35[%swap3A_246], %gather3A_245 {strides = array<i32>} : memref<128xf32, #tpu.memory_space<vmem>>, vector<16xf32>,
      %gather3A_248 = tpu.vector_load_idx %arg24[%gather3A_223] : memref<32xf32, #tpu.memory_space<vmem>>[vector<16xi32>], vector<16xf32>,
      %swap3A_249 = arith.constant 16 : index
      %swap3A_250 = tpu.vector_load %arg36[%swap3A_249] {strides = array<i32>} : memref<128xf32, #tpu.memory_space<vmem>>, vector<16xf32>,
      tpu.vector_store %arg36[%swap3A_249], %gather3A_248 {strides = array<i32>} : memref<128xf32, #tpu.memory_space<vmem>>, vector<16xf32>,
      %gather3A_251 = tpu.vector_load_idx %arg25[%gather3A_223] : memref<32xf32, #tpu.memory_space<vmem>>[vector<16xi32>], vector<16xf32>,
      %swap3A_252 = arith.constant 16 : index
      %swap3A_253 = tpu.vector_load %arg37[%swap3A_252] {strides = array<i32>} : memref<128xf32, #tpu.memory_space<vmem>>, vector<16xf32>,
      tpu.vector_store %arg37[%swap3A_252], %gather3A_251 {strides = array<i32>} : memref<128xf32, #tpu.memory_space<vmem>>, vector<16xf32>,
      %iota3A_254 = tpu.iota {dimensions = array<i32: 0>} : vector<16xi32>
      %add3A_255 = arith.constant 32 : i32
      %add3A_256 = vector.broadcast %add3A_255 : i32 to vector<16xi32>
      %add3A_257 = arith.addi %add3A_256, %iota3A_254 : vector<16xi32>
      %lt3A_258 = arith.cmpi slt, %add3A_257, %min3A_100 : vector<16xi32>
      %min3A_259 = arith.constant 31 : i32
      %min3A_260 = vector.broadcast %min3A_259 : i32 to vector<16xi32>
      %min3A_261 = arith.minsi %add3A_257, %min3A_260 : vector<16xi32>
      %gather3A_262 = tpu.vector_load_idx %arg27[%min3A_261] : memref<32xi32, #tpu.memory_space<vmem>>[vector<16xi32>], vector<16xi32>,
      %sub3A_263 = arith.subi %add3A_257, %min3A_100 : vector<16xi32>
      %max3A_264 = arith.constant 0 : i32
      %max3A_265 = vector.broadcast %max3A_264 : i32 to vector<16xi32>
      %max3A_266 = arith.maxsi %sub3A_263, %max3A_265 : vector<16xi32>
      %rem3A_267 = arith.remsi %max3A_266, %min3A_105 : vector<16xi32>
      %gather3A_268 = tpu.vector_load_idx %arg28[%rem3A_267] : memref<128xi32, #tpu.memory_space<vmem>>[vector<16xi32>], vector<16xi32>,
      %select_n3A_269 = arith.select %lt3A_258, %gather3A_262, %gather3A_268 : vector<16xi1>, vector<16xi32>
      %gather3A_270 = tpu.vector_load_idx %arg16[%select_n3A_269] : memref<5120xi32, #tpu.memory_space<vmem>>[vector<16xi32>], vector<16xi32>,
      %gather3A_271 = tpu.vector_load_idx %arg26[%gather3A_270] : memref<32xf32, #tpu.memory_space<vmem>>[vector<16xi32>], vector<16xf32>,
      %gather3A_272 = tpu.vector_load_idx %arg17[%select_n3A_269] : memref<5120xf32, #tpu.memory_space<vmem>>[vector<16xi32>], vector<16xf32>,
      %swap3A_273 = arith.constant 32 : index
      %swap3A_274 = tpu.vector_load %arg29[%swap3A_273] {strides = array<i32>} : memref<128xf32, #tpu.memory_space<vmem>>, vector<16xf32>,
      tpu.vector_store %arg29[%swap3A_273], %gather3A_272 {strides = array<i32>} : memref<128xf32, #tpu.memory_space<vmem>>, vector<16xf32>,
      %gather3A_275 = tpu.vector_load_idx %arg18[%select_n3A_269] : memref<5120xf32, #tpu.memory_space<vmem>>[vector<16xi32>], vector<16xf32>,
      %swap3A_276 = arith.constant 32 : index
      %swap3A_277 = tpu.vector_load %arg30[%swap3A_276] {strides = array<i32>} : memref<128xf32, #tpu.memory_space<vmem>>, vector<16xf32>,
      tpu.vector_store %arg30[%swap3A_276], %gather3A_275 {strides = array<i32>} : memref<128xf32, #tpu.memory_space<vmem>>, vector<16xf32>,
      %gather3A_278 = tpu.vector_load_idx %arg19[%select_n3A_269] : memref<5120xf32, #tpu.memory_space<vmem>>[vector<16xi32>], vector<16xf32>,
      %swap3A_279 = arith.constant 32 : index
      %swap3A_280 = tpu.vector_load %arg31[%swap3A_279] {strides = array<i32>} : memref<128xf32, #tpu.memory_space<vmem>>, vector<16xf32>,
      tpu.vector_store %arg31[%swap3A_279], %gather3A_278 {strides = array<i32>} : memref<128xf32, #tpu.memory_space<vmem>>, vector<16xf32>,
      %gather3A_281 = tpu.vector_load_idx %arg20[%select_n3A_269] : memref<5120xf32, #tpu.memory_space<vmem>>[vector<16xi32>], vector<16xf32>,
      %swap3A_282 = arith.constant 32 : index
      %swap3A_283 = tpu.vector_load %arg32[%swap3A_282] {strides = array<i32>} : memref<128xf32, #tpu.memory_space<vmem>>, vector<16xf32>,
      tpu.vector_store %arg32[%swap3A_282], %gather3A_281 {strides = array<i32>} : memref<128xf32, #tpu.memory_space<vmem>>, vector<16xf32>,
      %jit3A_284 = arith.constant 0.000000e+00 : f32
      %broadcast_in_dim3A_285 = vector.broadcast %jit3A_284 : f32 to vector<16xf32>
      %select_n3A_286 = arith.select %lt3A_258, %gather3A_271, %broadcast_in_dim3A_285 : vector<16xi1>, vector<16xf32>
      %swap3A_287 = arith.constant 32 : index
      %swap3A_288 = tpu.vector_load %arg33[%swap3A_287] {strides = array<i32>} : memref<128xf32, #tpu.memory_space<vmem>>, vector<16xf32>,
      tpu.vector_store %arg33[%swap3A_287], %select_n3A_286 {strides = array<i32>} : memref<128xf32, #tpu.memory_space<vmem>>, vector<16xf32>,
      %gather3A_289 = tpu.vector_load_idx %arg22[%gather3A_270] : memref<32xf32, #tpu.memory_space<vmem>>[vector<16xi32>], vector<16xf32>,
      %swap3A_290 = arith.constant 32 : index
      %swap3A_291 = tpu.vector_load %arg34[%swap3A_290] {strides = array<i32>} : memref<128xf32, #tpu.memory_space<vmem>>, vector<16xf32>,
      tpu.vector_store %arg34[%swap3A_290], %gather3A_289 {strides = array<i32>} : memref<128xf32, #tpu.memory_space<vmem>>, vector<16xf32>,
      %gather3A_292 = tpu.vector_load_idx %arg23[%gather3A_270] : memref<32xf32, #tpu.memory_space<vmem>>[vector<16xi32>], vector<16xf32>,
      %swap3A_293 = arith.constant 32 : index
      %swap3A_294 = tpu.vector_load %arg35[%swap3A_293] {strides = array<i32>} : memref<128xf32, #tpu.memory_space<vmem>>, vector<16xf32>,
      tpu.vector_store %arg35[%swap3A_293], %gather3A_292 {strides = array<i32>} : memref<128xf32, #tpu.memory_space<vmem>>, vector<16xf32>,
      %gather3A_295 = tpu.vector_load_idx %arg24[%gather3A_270] : memref<32xf32, #tpu.memory_space<vmem>>[vector<16xi32>], vector<16xf32>,
      %swap3A_296 = arith.constant 32 : index
      %swap3A_297 = tpu.vector_load %arg36[%swap3A_296] {strides = array<i32>} : memref<128xf32, #tpu.memory_space<vmem>>, vector<16xf32>,
      tpu.vector_store %arg36[%swap3A_296], %gather3A_295 {strides = array<i32>} : memref<128xf32, #tpu.memory_space<vmem>>, vector<16xf32>,
      %gather3A_298 = tpu.vector_load_idx %arg25[%gather3A_270] : memref<32xf32, #tpu.memory_space<vmem>>[vector<16xi32>], vector<16xf32>,
      %swap3A_299 = arith.constant 32 : index
      %swap3A_300 = tpu.vector_load %arg37[%swap3A_299] {strides = array<i32>} : memref<128xf32, #tpu.memory_space<vmem>>, vector<16xf32>,
      tpu.vector_store %arg37[%swap3A_299], %gather3A_298 {strides = array<i32>} : memref<128xf32, #tpu.memory_space<vmem>>, vector<16xf32>,
      %iota3A_301 = tpu.iota {dimensions = array<i32: 0>} : vector<16xi32>
      %add3A_302 = arith.constant 48 : i32
      %add3A_303 = vector.broadcast %add3A_302 : i32 to vector<16xi32>
      %add3A_304 = arith.addi %add3A_303, %iota3A_301 : vector<16xi32>
      %lt3A_305 = arith.cmpi slt, %add3A_304, %min3A_100 : vector<16xi32>
      %min3A_306 = arith.constant 31 : i32
      %min3A_307 = vector.broadcast %min3A_306 : i32 to vector<16xi32>
      %min3A_308 = arith.minsi %add3A_304, %min3A_307 : vector<16xi32>
      %gather3A_309 = tpu.vector_load_idx %arg27[%min3A_308] : memref<32xi32, #tpu.memory_space<vmem>>[vector<16xi32>], vector<16xi32>,
      %sub3A_310 = arith.subi %add3A_304, %min3A_100 : vector<16xi32>
      %max3A_311 = arith.constant 0 : i32
      %max3A_312 = vector.broadcast %max3A_311 : i32 to vector<16xi32>
      %max3A_313 = arith.maxsi %sub3A_310, %max3A_312 : vector<16xi32>
      %rem3A_314 = arith.remsi %max3A_313, %min3A_105 : vector<16xi32>
      %gather3A_315 = tpu.vector_load_idx %arg28[%rem3A_314] : memref<128xi32, #tpu.memory_space<vmem>>[vector<16xi32>], vector<16xi32>,
      %select_n3A_316 = arith.select %lt3A_305, %gather3A_309, %gather3A_315 : vector<16xi1>, vector<16xi32>
      %gather3A_317 = tpu.vector_load_idx %arg16[%select_n3A_316] : memref<5120xi32, #tpu.memory_space<vmem>>[vector<16xi32>], vector<16xi32>,
      %gather3A_318 = tpu.vector_load_idx %arg26[%gather3A_317] : memref<32xf32, #tpu.memory_space<vmem>>[vector<16xi32>], vector<16xf32>,
      %gather3A_319 = tpu.vector_load_idx %arg17[%select_n3A_316] : memref<5120xf32, #tpu.memory_space<vmem>>[vector<16xi32>], vector<16xf32>,
      %swap3A_320 = arith.constant 48 : index
      %swap3A_321 = tpu.vector_load %arg29[%swap3A_320] {strides = array<i32>} : memref<128xf32, #tpu.memory_space<vmem>>, vector<16xf32>,
      tpu.vector_store %arg29[%swap3A_320], %gather3A_319 {strides = array<i32>} : memref<128xf32, #tpu.memory_space<vmem>>, vector<16xf32>,
      %gather3A_322 = tpu.vector_load_idx %arg18[%select_n3A_316] : memref<5120xf32, #tpu.memory_space<vmem>>[vector<16xi32>], vector<16xf32>,
      %swap3A_323 = arith.constant 48 : index
      %swap3A_324 = tpu.vector_load %arg30[%swap3A_323] {strides = array<i32>} : memref<128xf32, #tpu.memory_space<vmem>>, vector<16xf32>,
      tpu.vector_store %arg30[%swap3A_323], %gather3A_322 {strides = array<i32>} : memref<128xf32, #tpu.memory_space<vmem>>, vector<16xf32>,
      %gather3A_325 = tpu.vector_load_idx %arg19[%select_n3A_316] : memref<5120xf32, #tpu.memory_space<vmem>>[vector<16xi32>], vector<16xf32>,
      %swap3A_326 = arith.constant 48 : index
      %swap3A_327 = tpu.vector_load %arg31[%swap3A_326] {strides = array<i32>} : memref<128xf32, #tpu.memory_space<vmem>>, vector<16xf32>,
      tpu.vector_store %arg31[%swap3A_326], %gather3A_325 {strides = array<i32>} : memref<128xf32, #tpu.memory_space<vmem>>, vector<16xf32>,
      %gather3A_328 = tpu.vector_load_idx %arg20[%select_n3A_316] : memref<5120xf32, #tpu.memory_space<vmem>>[vector<16xi32>], vector<16xf32>,
      %swap3A_329 = arith.constant 48 : index
      %swap3A_330 = tpu.vector_load %arg32[%swap3A_329] {strides = array<i32>} : memref<128xf32, #tpu.memory_space<vmem>>, vector<16xf32>,
      tpu.vector_store %arg32[%swap3A_329], %gather3A_328 {strides = array<i32>} : memref<128xf32, #tpu.memory_space<vmem>>, vector<16xf32>,
      %jit3A_331 = arith.constant 0.000000e+00 : f32
      %broadcast_in_dim3A_332 = vector.broadcast %jit3A_331 : f32 to vector<16xf32>
      %select_n3A_333 = arith.select %lt3A_305, %gather3A_318, %broadcast_in_dim3A_332 : vector<16xi1>, vector<16xf32>
      %swap3A_334 = arith.constant 48 : index
      %swap3A_335 = tpu.vector_load %arg33[%swap3A_334] {strides = array<i32>} : memref<128xf32, #tpu.memory_space<vmem>>, vector<16xf32>,
      tpu.vector_store %arg33[%swap3A_334], %select_n3A_333 {strides = array<i32>} : memref<128xf32, #tpu.memory_space<vmem>>, vector<16xf32>,
      %gather3A_336 = tpu.vector_load_idx %arg22[%gather3A_317] : memref<32xf32, #tpu.memory_space<vmem>>[vector<16xi32>], vector<16xf32>,
      %swap3A_337 = arith.constant 48 : index
      %swap3A_338 = tpu.vector_load %arg34[%swap3A_337] {strides = array<i32>} : memref<128xf32, #tpu.memory_space<vmem>>, vector<16xf32>,
      tpu.vector_store %arg34[%swap3A_337], %gather3A_336 {strides = array<i32>} : memref<128xf32, #tpu.memory_space<vmem>>, vector<16xf32>,
      %gather3A_339 = tpu.vector_load_idx %arg23[%gather3A_317] : memref<32xf32, #tpu.memory_space<vmem>>[vector<16xi32>], vector<16xf32>,
      %swap3A_340 = arith.constant 48 : index
      %swap3A_341 = tpu.vector_load %arg35[%swap3A_340] {strides = array<i32>} : memref<128xf32, #tpu.memory_space<vmem>>, vector<16xf32>,
      tpu.vector_store %arg35[%swap3A_340], %gather3A_339 {strides = array<i32>} : memref<128xf32, #tpu.memory_space<vmem>>, vector<16xf32>,
      %gather3A_342 = tpu.vector_load_idx %arg24[%gather3A_317] : memref<32xf32, #tpu.memory_space<vmem>>[vector<16xi32>], vector<16xf32>,
      %swap3A_343 = arith.constant 48 : index
      %swap3A_344 = tpu.vector_load %arg36[%swap3A_343] {strides = array<i32>} : memref<128xf32, #tpu.memory_space<vmem>>, vector<16xf32>,
      tpu.vector_store %arg36[%swap3A_343], %gather3A_342 {strides = array<i32>} : memref<128xf32, #tpu.memory_space<vmem>>, vector<16xf32>,
      %gather3A_345 = tpu.vector_load_idx %arg25[%gather3A_317] : memref<32xf32, #tpu.memory_space<vmem>>[vector<16xi32>], vector<16xf32>,
      %swap3A_346 = arith.constant 48 : index
      %swap3A_347 = tpu.vector_load %arg37[%swap3A_346] {strides = array<i32>} : memref<128xf32, #tpu.memory_space<vmem>>, vector<16xf32>,
      tpu.vector_store %arg37[%swap3A_346], %gather3A_345 {strides = array<i32>} : memref<128xf32, #tpu.memory_space<vmem>>, vector<16xf32>,
      %iota3A_348 = tpu.iota {dimensions = array<i32: 0>} : vector<16xi32>
      %add3A_349 = arith.constant 64 : i32
      %add3A_350 = vector.broadcast %add3A_349 : i32 to vector<16xi32>
      %add3A_351 = arith.addi %add3A_350, %iota3A_348 : vector<16xi32>
      %lt3A_352 = arith.cmpi slt, %add3A_351, %min3A_100 : vector<16xi32>
      %min3A_353 = arith.constant 31 : i32
      %min3A_354 = vector.broadcast %min3A_353 : i32 to vector<16xi32>
      %min3A_355 = arith.minsi %add3A_351, %min3A_354 : vector<16xi32>
      %gather3A_356 = tpu.vector_load_idx %arg27[%min3A_355] : memref<32xi32, #tpu.memory_space<vmem>>[vector<16xi32>], vector<16xi32>,
      %sub3A_357 = arith.subi %add3A_351, %min3A_100 : vector<16xi32>
      %max3A_358 = arith.constant 0 : i32
      %max3A_359 = vector.broadcast %max3A_358 : i32 to vector<16xi32>
      %max3A_360 = arith.maxsi %sub3A_357, %max3A_359 : vector<16xi32>
      %rem3A_361 = arith.remsi %max3A_360, %min3A_105 : vector<16xi32>
      %gather3A_362 = tpu.vector_load_idx %arg28[%rem3A_361] : memref<128xi32, #tpu.memory_space<vmem>>[vector<16xi32>], vector<16xi32>,
      %select_n3A_363 = arith.select %lt3A_352, %gather3A_356, %gather3A_362 : vector<16xi1>, vector<16xi32>
      %gather3A_364 = tpu.vector_load_idx %arg16[%select_n3A_363] : memref<5120xi32, #tpu.memory_space<vmem>>[vector<16xi32>], vector<16xi32>,
      %gather3A_365 = tpu.vector_load_idx %arg26[%gather3A_364] : memref<32xf32, #tpu.memory_space<vmem>>[vector<16xi32>], vector<16xf32>,
      %gather3A_366 = tpu.vector_load_idx %arg17[%select_n3A_363] : memref<5120xf32, #tpu.memory_space<vmem>>[vector<16xi32>], vector<16xf32>,
      %swap3A_367 = arith.constant 64 : index
      %swap3A_368 = tpu.vector_load %arg29[%swap3A_367] {strides = array<i32>} : memref<128xf32, #tpu.memory_space<vmem>>, vector<16xf32>,
      tpu.vector_store %arg29[%swap3A_367], %gather3A_366 {strides = array<i32>} : memref<128xf32, #tpu.memory_space<vmem>>, vector<16xf32>,
      %gather3A_369 = tpu.vector_load_idx %arg18[%select_n3A_363] : memref<5120xf32, #tpu.memory_space<vmem>>[vector<16xi32>], vector<16xf32>,
      %swap3A_370 = arith.constant 64 : index
      %swap3A_371 = tpu.vector_load %arg30[%swap3A_370] {strides = array<i32>} : memref<128xf32, #tpu.memory_space<vmem>>, vector<16xf32>,
      tpu.vector_store %arg30[%swap3A_370], %gather3A_369 {strides = array<i32>} : memref<128xf32, #tpu.memory_space<vmem>>, vector<16xf32>,
      %gather3A_372 = tpu.vector_load_idx %arg19[%select_n3A_363] : memref<5120xf32, #tpu.memory_space<vmem>>[vector<16xi32>], vector<16xf32>,
      %swap3A_373 = arith.constant 64 : index
      %swap3A_374 = tpu.vector_load %arg31[%swap3A_373] {strides = array<i32>} : memref<128xf32, #tpu.memory_space<vmem>>, vector<16xf32>,
      tpu.vector_store %arg31[%swap3A_373], %gather3A_372 {strides = array<i32>} : memref<128xf32, #tpu.memory_space<vmem>>, vector<16xf32>,
      %gather3A_375 = tpu.vector_load_idx %arg20[%select_n3A_363] : memref<5120xf32, #tpu.memory_space<vmem>>[vector<16xi32>], vector<16xf32>,
      %swap3A_376 = arith.constant 64 : index
      %swap3A_377 = tpu.vector_load %arg32[%swap3A_376] {strides = array<i32>} : memref<128xf32, #tpu.memory_space<vmem>>, vector<16xf32>,
      tpu.vector_store %arg32[%swap3A_376], %gather3A_375 {strides = array<i32>} : memref<128xf32, #tpu.memory_space<vmem>>, vector<16xf32>,
      %jit3A_378 = arith.constant 0.000000e+00 : f32
      %broadcast_in_dim3A_379 = vector.broadcast %jit3A_378 : f32 to vector<16xf32>
      %select_n3A_380 = arith.select %lt3A_352, %gather3A_365, %broadcast_in_dim3A_379 : vector<16xi1>, vector<16xf32>
      %swap3A_381 = arith.constant 64 : index
      %swap3A_382 = tpu.vector_load %arg33[%swap3A_381] {strides = array<i32>} : memref<128xf32, #tpu.memory_space<vmem>>, vector<16xf32>,
      tpu.vector_store %arg33[%swap3A_381], %select_n3A_380 {strides = array<i32>} : memref<128xf32, #tpu.memory_space<vmem>>, vector<16xf32>,
      %gather3A_383 = tpu.vector_load_idx %arg22[%gather3A_364] : memref<32xf32, #tpu.memory_space<vmem>>[vector<16xi32>], vector<16xf32>,
      %swap3A_384 = arith.constant 64 : index
      %swap3A_385 = tpu.vector_load %arg34[%swap3A_384] {strides = array<i32>} : memref<128xf32, #tpu.memory_space<vmem>>, vector<16xf32>,
      tpu.vector_store %arg34[%swap3A_384], %gather3A_383 {strides = array<i32>} : memref<128xf32, #tpu.memory_space<vmem>>, vector<16xf32>,
      %gather3A_386 = tpu.vector_load_idx %arg23[%gather3A_364] : memref<32xf32, #tpu.memory_space<vmem>>[vector<16xi32>], vector<16xf32>,
      %swap3A_387 = arith.constant 64 : index
      %swap3A_388 = tpu.vector_load %arg35[%swap3A_387] {strides = array<i32>} : memref<128xf32, #tpu.memory_space<vmem>>, vector<16xf32>,
      tpu.vector_store %arg35[%swap3A_387], %gather3A_386 {strides = array<i32>} : memref<128xf32, #tpu.memory_space<vmem>>, vector<16xf32>,
      %gather3A_389 = tpu.vector_load_idx %arg24[%gather3A_364] : memref<32xf32, #tpu.memory_space<vmem>>[vector<16xi32>], vector<16xf32>,
      %swap3A_390 = arith.constant 64 : index
      %swap3A_391 = tpu.vector_load %arg36[%swap3A_390] {strides = array<i32>} : memref<128xf32, #tpu.memory_space<vmem>>, vector<16xf32>,
      tpu.vector_store %arg36[%swap3A_390], %gather3A_389 {strides = array<i32>} : memref<128xf32, #tpu.memory_space<vmem>>, vector<16xf32>,
      %gather3A_392 = tpu.vector_load_idx %arg25[%gather3A_364] : memref<32xf32, #tpu.memory_space<vmem>>[vector<16xi32>], vector<16xf32>,
      %swap3A_393 = arith.constant 64 : index
      %swap3A_394 = tpu.vector_load %arg37[%swap3A_393] {strides = array<i32>} : memref<128xf32, #tpu.memory_space<vmem>>, vector<16xf32>,
      tpu.vector_store %arg37[%swap3A_393], %gather3A_392 {strides = array<i32>} : memref<128xf32, #tpu.memory_space<vmem>>, vector<16xf32>,
      %iota3A_395 = tpu.iota {dimensions = array<i32: 0>} : vector<16xi32>
      %add3A_396 = arith.constant 80 : i32
      %add3A_397 = vector.broadcast %add3A_396 : i32 to vector<16xi32>
      %add3A_398 = arith.addi %add3A_397, %iota3A_395 : vector<16xi32>
      %lt3A_399 = arith.cmpi slt, %add3A_398, %min3A_100 : vector<16xi32>
      %min3A_400 = arith.constant 31 : i32
      %min3A_401 = vector.broadcast %min3A_400 : i32 to vector<16xi32>
      %min3A_402 = arith.minsi %add3A_398, %min3A_401 : vector<16xi32>
      %gather3A_403 = tpu.vector_load_idx %arg27[%min3A_402] : memref<32xi32, #tpu.memory_space<vmem>>[vector<16xi32>], vector<16xi32>,
      %sub3A_404 = arith.subi %add3A_398, %min3A_100 : vector<16xi32>
      %max3A_405 = arith.constant 0 : i32
      %max3A_406 = vector.broadcast %max3A_405 : i32 to vector<16xi32>
      %max3A_407 = arith.maxsi %sub3A_404, %max3A_406 : vector<16xi32>
      %rem3A_408 = arith.remsi %max3A_407, %min3A_105 : vector<16xi32>
      %gather3A_409 = tpu.vector_load_idx %arg28[%rem3A_408] : memref<128xi32, #tpu.memory_space<vmem>>[vector<16xi32>], vector<16xi32>,
      %select_n3A_410 = arith.select %lt3A_399, %gather3A_403, %gather3A_409 : vector<16xi1>, vector<16xi32>
      %gather3A_411 = tpu.vector_load_idx %arg16[%select_n3A_410] : memref<5120xi32, #tpu.memory_space<vmem>>[vector<16xi32>], vector<16xi32>,
      %gather3A_412 = tpu.vector_load_idx %arg26[%gather3A_411] : memref<32xf32, #tpu.memory_space<vmem>>[vector<16xi32>], vector<16xf32>,
      %gather3A_413 = tpu.vector_load_idx %arg17[%select_n3A_410] : memref<5120xf32, #tpu.memory_space<vmem>>[vector<16xi32>], vector<16xf32>,
      %swap3A_414 = arith.constant 80 : index
      %swap3A_415 = tpu.vector_load %arg29[%swap3A_414] {strides = array<i32>} : memref<128xf32, #tpu.memory_space<vmem>>, vector<16xf32>,
      tpu.vector_store %arg29[%swap3A_414], %gather3A_413 {strides = array<i32>} : memref<128xf32, #tpu.memory_space<vmem>>, vector<16xf32>,
      %gather3A_416 = tpu.vector_load_idx %arg18[%select_n3A_410] : memref<5120xf32, #tpu.memory_space<vmem>>[vector<16xi32>], vector<16xf32>,
      %swap3A_417 = arith.constant 80 : index
      %swap3A_418 = tpu.vector_load %arg30[%swap3A_417] {strides = array<i32>} : memref<128xf32, #tpu.memory_space<vmem>>, vector<16xf32>,
      tpu.vector_store %arg30[%swap3A_417], %gather3A_416 {strides = array<i32>} : memref<128xf32, #tpu.memory_space<vmem>>, vector<16xf32>,
      %gather3A_419 = tpu.vector_load_idx %arg19[%select_n3A_410] : memref<5120xf32, #tpu.memory_space<vmem>>[vector<16xi32>], vector<16xf32>,
      %swap3A_420 = arith.constant 80 : index
      %swap3A_421 = tpu.vector_load %arg31[%swap3A_420] {strides = array<i32>} : memref<128xf32, #tpu.memory_space<vmem>>, vector<16xf32>,
      tpu.vector_store %arg31[%swap3A_420], %gather3A_419 {strides = array<i32>} : memref<128xf32, #tpu.memory_space<vmem>>, vector<16xf32>,
      %gather3A_422 = tpu.vector_load_idx %arg20[%select_n3A_410] : memref<5120xf32, #tpu.memory_space<vmem>>[vector<16xi32>], vector<16xf32>,
      %swap3A_423 = arith.constant 80 : index
      %swap3A_424 = tpu.vector_load %arg32[%swap3A_423] {strides = array<i32>} : memref<128xf32, #tpu.memory_space<vmem>>, vector<16xf32>,
      tpu.vector_store %arg32[%swap3A_423], %gather3A_422 {strides = array<i32>} : memref<128xf32, #tpu.memory_space<vmem>>, vector<16xf32>,
      %jit3A_425 = arith.constant 0.000000e+00 : f32
      %broadcast_in_dim3A_426 = vector.broadcast %jit3A_425 : f32 to vector<16xf32>
      %select_n3A_427 = arith.select %lt3A_399, %gather3A_412, %broadcast_in_dim3A_426 : vector<16xi1>, vector<16xf32>
      %swap3A_428 = arith.constant 80 : index
      %swap3A_429 = tpu.vector_load %arg33[%swap3A_428] {strides = array<i32>} : memref<128xf32, #tpu.memory_space<vmem>>, vector<16xf32>,
      tpu.vector_store %arg33[%swap3A_428], %select_n3A_427 {strides = array<i32>} : memref<128xf32, #tpu.memory_space<vmem>>, vector<16xf32>,
      %gather3A_430 = tpu.vector_load_idx %arg22[%gather3A_411] : memref<32xf32, #tpu.memory_space<vmem>>[vector<16xi32>], vector<16xf32>,
      %swap3A_431 = arith.constant 80 : index
      %swap3A_432 = tpu.vector_load %arg34[%swap3A_431] {strides = array<i32>} : memref<128xf32, #tpu.memory_space<vmem>>, vector<16xf32>,
      tpu.vector_store %arg34[%swap3A_431], %gather3A_430 {strides = array<i32>} : memref<128xf32, #tpu.memory_space<vmem>>, vector<16xf32>,
      %gather3A_433 = tpu.vector_load_idx %arg23[%gather3A_411] : memref<32xf32, #tpu.memory_space<vmem>>[vector<16xi32>], vector<16xf32>,
      %swap3A_434 = arith.constant 80 : index
      %swap3A_435 = tpu.vector_load %arg35[%swap3A_434] {strides = array<i32>} : memref<128xf32, #tpu.memory_space<vmem>>, vector<16xf32>,
      tpu.vector_store %arg35[%swap3A_434], %gather3A_433 {strides = array<i32>} : memref<128xf32, #tpu.memory_space<vmem>>, vector<16xf32>,
      %gather3A_436 = tpu.vector_load_idx %arg24[%gather3A_411] : memref<32xf32, #tpu.memory_space<vmem>>[vector<16xi32>], vector<16xf32>,
      %swap3A_437 = arith.constant 80 : index
      %swap3A_438 = tpu.vector_load %arg36[%swap3A_437] {strides = array<i32>} : memref<128xf32, #tpu.memory_space<vmem>>, vector<16xf32>,
      tpu.vector_store %arg36[%swap3A_437], %gather3A_436 {strides = array<i32>} : memref<128xf32, #tpu.memory_space<vmem>>, vector<16xf32>,
      %gather3A_439 = tpu.vector_load_idx %arg25[%gather3A_411] : memref<32xf32, #tpu.memory_space<vmem>>[vector<16xi32>], vector<16xf32>,
      %swap3A_440 = arith.constant 80 : index
      %swap3A_441 = tpu.vector_load %arg37[%swap3A_440] {strides = array<i32>} : memref<128xf32, #tpu.memory_space<vmem>>, vector<16xf32>,
      tpu.vector_store %arg37[%swap3A_440], %gather3A_439 {strides = array<i32>} : memref<128xf32, #tpu.memory_space<vmem>>, vector<16xf32>,
      %iota3A_442 = tpu.iota {dimensions = array<i32: 0>} : vector<16xi32>
      %add3A_443 = arith.constant 96 : i32
      %add3A_444 = vector.broadcast %add3A_443 : i32 to vector<16xi32>
      %add3A_445 = arith.addi %add3A_444, %iota3A_442 : vector<16xi32>
      %lt3A_446 = arith.cmpi slt, %add3A_445, %min3A_100 : vector<16xi32>
      %min3A_447 = arith.constant 31 : i32
      %min3A_448 = vector.broadcast %min3A_447 : i32 to vector<16xi32>
      %min3A_449 = arith.minsi %add3A_445, %min3A_448 : vector<16xi32>
      %gather3A_450 = tpu.vector_load_idx %arg27[%min3A_449] : memref<32xi32, #tpu.memory_space<vmem>>[vector<16xi32>], vector<16xi32>,
      %sub3A_451 = arith.subi %add3A_445, %min3A_100 : vector<16xi32>
      %max3A_452 = arith.constant 0 : i32
      %max3A_453 = vector.broadcast %max3A_452 : i32 to vector<16xi32>
      %max3A_454 = arith.maxsi %sub3A_451, %max3A_453 : vector<16xi32>
      %rem3A_455 = arith.remsi %max3A_454, %min3A_105 : vector<16xi32>
      %gather3A_456 = tpu.vector_load_idx %arg28[%rem3A_455] : memref<128xi32, #tpu.memory_space<vmem>>[vector<16xi32>], vector<16xi32>,
      %select_n3A_457 = arith.select %lt3A_446, %gather3A_450, %gather3A_456 : vector<16xi1>, vector<16xi32>
      %gather3A_458 = tpu.vector_load_idx %arg16[%select_n3A_457] : memref<5120xi32, #tpu.memory_space<vmem>>[vector<16xi32>], vector<16xi32>,
      %gather3A_459 = tpu.vector_load_idx %arg26[%gather3A_458] : memref<32xf32, #tpu.memory_space<vmem>>[vector<16xi32>], vector<16xf32>,
      %gather3A_460 = tpu.vector_load_idx %arg17[%select_n3A_457] : memref<5120xf32, #tpu.memory_space<vmem>>[vector<16xi32>], vector<16xf32>,
      %swap3A_461 = arith.constant 96 : index
      %swap3A_462 = tpu.vector_load %arg29[%swap3A_461] {strides = array<i32>} : memref<128xf32, #tpu.memory_space<vmem>>, vector<16xf32>,
      tpu.vector_store %arg29[%swap3A_461], %gather3A_460 {strides = array<i32>} : memref<128xf32, #tpu.memory_space<vmem>>, vector<16xf32>,
      %gather3A_463 = tpu.vector_load_idx %arg18[%select_n3A_457] : memref<5120xf32, #tpu.memory_space<vmem>>[vector<16xi32>], vector<16xf32>,
      %swap3A_464 = arith.constant 96 : index
      %swap3A_465 = tpu.vector_load %arg30[%swap3A_464] {strides = array<i32>} : memref<128xf32, #tpu.memory_space<vmem>>, vector<16xf32>,
      tpu.vector_store %arg30[%swap3A_464], %gather3A_463 {strides = array<i32>} : memref<128xf32, #tpu.memory_space<vmem>>, vector<16xf32>,
      %gather3A_466 = tpu.vector_load_idx %arg19[%select_n3A_457] : memref<5120xf32, #tpu.memory_space<vmem>>[vector<16xi32>], vector<16xf32>,
      %swap3A_467 = arith.constant 96 : index
      %swap3A_468 = tpu.vector_load %arg31[%swap3A_467] {strides = array<i32>} : memref<128xf32, #tpu.memory_space<vmem>>, vector<16xf32>,
      tpu.vector_store %arg31[%swap3A_467], %gather3A_466 {strides = array<i32>} : memref<128xf32, #tpu.memory_space<vmem>>, vector<16xf32>,
      %gather3A_469 = tpu.vector_load_idx %arg20[%select_n3A_457] : memref<5120xf32, #tpu.memory_space<vmem>>[vector<16xi32>], vector<16xf32>,
      %swap3A_470 = arith.constant 96 : index
      %swap3A_471 = tpu.vector_load %arg32[%swap3A_470] {strides = array<i32>} : memref<128xf32, #tpu.memory_space<vmem>>, vector<16xf32>,
      tpu.vector_store %arg32[%swap3A_470], %gather3A_469 {strides = array<i32>} : memref<128xf32, #tpu.memory_space<vmem>>, vector<16xf32>,
      %jit3A_472 = arith.constant 0.000000e+00 : f32
      %broadcast_in_dim3A_473 = vector.broadcast %jit3A_472 : f32 to vector<16xf32>
      %select_n3A_474 = arith.select %lt3A_446, %gather3A_459, %broadcast_in_dim3A_473 : vector<16xi1>, vector<16xf32>
      %swap3A_475 = arith.constant 96 : index
      %swap3A_476 = tpu.vector_load %arg33[%swap3A_475] {strides = array<i32>} : memref<128xf32, #tpu.memory_space<vmem>>, vector<16xf32>,
      tpu.vector_store %arg33[%swap3A_475], %select_n3A_474 {strides = array<i32>} : memref<128xf32, #tpu.memory_space<vmem>>, vector<16xf32>,
      %gather3A_477 = tpu.vector_load_idx %arg22[%gather3A_458] : memref<32xf32, #tpu.memory_space<vmem>>[vector<16xi32>], vector<16xf32>,
      %swap3A_478 = arith.constant 96 : index
      %swap3A_479 = tpu.vector_load %arg34[%swap3A_478] {strides = array<i32>} : memref<128xf32, #tpu.memory_space<vmem>>, vector<16xf32>,
      tpu.vector_store %arg34[%swap3A_478], %gather3A_477 {strides = array<i32>} : memref<128xf32, #tpu.memory_space<vmem>>, vector<16xf32>,
      %gather3A_480 = tpu.vector_load_idx %arg23[%gather3A_458] : memref<32xf32, #tpu.memory_space<vmem>>[vector<16xi32>], vector<16xf32>,
      %swap3A_481 = arith.constant 96 : index
      %swap3A_482 = tpu.vector_load %arg35[%swap3A_481] {strides = array<i32>} : memref<128xf32, #tpu.memory_space<vmem>>, vector<16xf32>,
      tpu.vector_store %arg35[%swap3A_481], %gather3A_480 {strides = array<i32>} : memref<128xf32, #tpu.memory_space<vmem>>, vector<16xf32>,
      %gather3A_483 = tpu.vector_load_idx %arg24[%gather3A_458] : memref<32xf32, #tpu.memory_space<vmem>>[vector<16xi32>], vector<16xf32>,
      %swap3A_484 = arith.constant 96 : index
      %swap3A_485 = tpu.vector_load %arg36[%swap3A_484] {strides = array<i32>} : memref<128xf32, #tpu.memory_space<vmem>>, vector<16xf32>,
      tpu.vector_store %arg36[%swap3A_484], %gather3A_483 {strides = array<i32>} : memref<128xf32, #tpu.memory_space<vmem>>, vector<16xf32>,
      %gather3A_486 = tpu.vector_load_idx %arg25[%gather3A_458] : memref<32xf32, #tpu.memory_space<vmem>>[vector<16xi32>], vector<16xf32>,
      %swap3A_487 = arith.constant 96 : index
      %swap3A_488 = tpu.vector_load %arg37[%swap3A_487] {strides = array<i32>} : memref<128xf32, #tpu.memory_space<vmem>>, vector<16xf32>,
      tpu.vector_store %arg37[%swap3A_487], %gather3A_486 {strides = array<i32>} : memref<128xf32, #tpu.memory_space<vmem>>, vector<16xf32>,
      %iota3A_489 = tpu.iota {dimensions = array<i32: 0>} : vector<16xi32>
      %add3A_490 = arith.constant 112 : i32
      %add3A_491 = vector.broadcast %add3A_490 : i32 to vector<16xi32>
      %add3A_492 = arith.addi %add3A_491, %iota3A_489 : vector<16xi32>
      %lt3A_493 = arith.cmpi slt, %add3A_492, %min3A_100 : vector<16xi32>
      %min3A_494 = arith.constant 31 : i32
      %min3A_495 = vector.broadcast %min3A_494 : i32 to vector<16xi32>
      %min3A_496 = arith.minsi %add3A_492, %min3A_495 : vector<16xi32>
      %gather3A_497 = tpu.vector_load_idx %arg27[%min3A_496] : memref<32xi32, #tpu.memory_space<vmem>>[vector<16xi32>], vector<16xi32>,
      %sub3A_498 = arith.subi %add3A_492, %min3A_100 : vector<16xi32>
      %max3A_499 = arith.constant 0 : i32
      %max3A_500 = vector.broadcast %max3A_499 : i32 to vector<16xi32>
      %max3A_501 = arith.maxsi %sub3A_498, %max3A_500 : vector<16xi32>
      %rem3A_502 = arith.remsi %max3A_501, %min3A_105 : vector<16xi32>
      %gather3A_503 = tpu.vector_load_idx %arg28[%rem3A_502] : memref<128xi32, #tpu.memory_space<vmem>>[vector<16xi32>], vector<16xi32>,
      %select_n3A_504 = arith.select %lt3A_493, %gather3A_497, %gather3A_503 : vector<16xi1>, vector<16xi32>
      %gather3A_505 = tpu.vector_load_idx %arg16[%select_n3A_504] : memref<5120xi32, #tpu.memory_space<vmem>>[vector<16xi32>], vector<16xi32>,
      %gather3A_506 = tpu.vector_load_idx %arg26[%gather3A_505] : memref<32xf32, #tpu.memory_space<vmem>>[vector<16xi32>], vector<16xf32>,
      %gather3A_507 = tpu.vector_load_idx %arg17[%select_n3A_504] : memref<5120xf32, #tpu.memory_space<vmem>>[vector<16xi32>], vector<16xf32>,
      %swap3A_508 = arith.constant 112 : index
      %swap3A_509 = tpu.vector_load %arg29[%swap3A_508] {strides = array<i32>} : memref<128xf32, #tpu.memory_space<vmem>>, vector<16xf32>,
      tpu.vector_store %arg29[%swap3A_508], %gather3A_507 {strides = array<i32>} : memref<128xf32, #tpu.memory_space<vmem>>, vector<16xf32>,
      %gather3A_510 = tpu.vector_load_idx %arg18[%select_n3A_504] : memref<5120xf32, #tpu.memory_space<vmem>>[vector<16xi32>], vector<16xf32>,
      %swap3A_511 = arith.constant 112 : index
      %swap3A_512 = tpu.vector_load %arg30[%swap3A_511] {strides = array<i32>} : memref<128xf32, #tpu.memory_space<vmem>>, vector<16xf32>,
      tpu.vector_store %arg30[%swap3A_511], %gather3A_510 {strides = array<i32>} : memref<128xf32, #tpu.memory_space<vmem>>, vector<16xf32>,
      %gather3A_513 = tpu.vector_load_idx %arg19[%select_n3A_504] : memref<5120xf32, #tpu.memory_space<vmem>>[vector<16xi32>], vector<16xf32>,
      %swap3A_514 = arith.constant 112 : index
      %swap3A_515 = tpu.vector_load %arg31[%swap3A_514] {strides = array<i32>} : memref<128xf32, #tpu.memory_space<vmem>>, vector<16xf32>,
      tpu.vector_store %arg31[%swap3A_514], %gather3A_513 {strides = array<i32>} : memref<128xf32, #tpu.memory_space<vmem>>, vector<16xf32>,
      %gather3A_516 = tpu.vector_load_idx %arg20[%select_n3A_504] : memref<5120xf32, #tpu.memory_space<vmem>>[vector<16xi32>], vector<16xf32>,
      %swap3A_517 = arith.constant 112 : index
      %swap3A_518 = tpu.vector_load %arg32[%swap3A_517] {strides = array<i32>} : memref<128xf32, #tpu.memory_space<vmem>>, vector<16xf32>,
      tpu.vector_store %arg32[%swap3A_517], %gather3A_516 {strides = array<i32>} : memref<128xf32, #tpu.memory_space<vmem>>, vector<16xf32>,
      %jit3A_519 = arith.constant 0.000000e+00 : f32
      %broadcast_in_dim3A_520 = vector.broadcast %jit3A_519 : f32 to vector<16xf32>
      %select_n3A_521 = arith.select %lt3A_493, %gather3A_506, %broadcast_in_dim3A_520 : vector<16xi1>, vector<16xf32>
      %swap3A_522 = arith.constant 112 : index
      %swap3A_523 = tpu.vector_load %arg33[%swap3A_522] {strides = array<i32>} : memref<128xf32, #tpu.memory_space<vmem>>, vector<16xf32>,
      tpu.vector_store %arg33[%swap3A_522], %select_n3A_521 {strides = array<i32>} : memref<128xf32, #tpu.memory_space<vmem>>, vector<16xf32>,
      %gather3A_524 = tpu.vector_load_idx %arg22[%gather3A_505] : memref<32xf32, #tpu.memory_space<vmem>>[vector<16xi32>], vector<16xf32>,
      %swap3A_525 = arith.constant 112 : index
      %swap3A_526 = tpu.vector_load %arg34[%swap3A_525] {strides = array<i32>} : memref<128xf32, #tpu.memory_space<vmem>>, vector<16xf32>,
      tpu.vector_store %arg34[%swap3A_525], %gather3A_524 {strides = array<i32>} : memref<128xf32, #tpu.memory_space<vmem>>, vector<16xf32>,
      %gather3A_527 = tpu.vector_load_idx %arg23[%gather3A_505] : memref<32xf32, #tpu.memory_space<vmem>>[vector<16xi32>], vector<16xf32>,
      %swap3A_528 = arith.constant 112 : index
      %swap3A_529 = tpu.vector_load %arg35[%swap3A_528] {strides = array<i32>} : memref<128xf32, #tpu.memory_space<vmem>>, vector<16xf32>,
      tpu.vector_store %arg35[%swap3A_528], %gather3A_527 {strides = array<i32>} : memref<128xf32, #tpu.memory_space<vmem>>, vector<16xf32>,
      %gather3A_530 = tpu.vector_load_idx %arg24[%gather3A_505] : memref<32xf32, #tpu.memory_space<vmem>>[vector<16xi32>], vector<16xf32>,
      %swap3A_531 = arith.constant 112 : index
      %swap3A_532 = tpu.vector_load %arg36[%swap3A_531] {strides = array<i32>} : memref<128xf32, #tpu.memory_space<vmem>>, vector<16xf32>,
      tpu.vector_store %arg36[%swap3A_531], %gather3A_530 {strides = array<i32>} : memref<128xf32, #tpu.memory_space<vmem>>, vector<16xf32>,
      %gather3A_533 = tpu.vector_load_idx %arg25[%gather3A_505] : memref<32xf32, #tpu.memory_space<vmem>>[vector<16xi32>], vector<16xf32>,
      %swap3A_534 = arith.constant 112 : index
      %swap3A_535 = tpu.vector_load %arg37[%swap3A_534] {strides = array<i32>} : memref<128xf32, #tpu.memory_space<vmem>>, vector<16xf32>,
      tpu.vector_store %arg37[%swap3A_534], %gather3A_533 {strides = array<i32>} : memref<128xf32, #tpu.memory_space<vmem>>, vector<16xf32>,
      %add3A_536 = arith.constant 0 : i32
      %add3A_537 = arith.addi %add3A_536, %arg1 : i32
      %dma_start3A_538 = arith.constant 0 : i32
      %dma_start3A_539 = tpu.memref_slice %arg14[%add3A_537, %dma_start3A_538] : memref<36x128xf32, #tpu.memory_space<hbm>> -> memref<1x128xf32, #tpu.memory_space<hbm>>
      %dma_start3A_540 = tpu.memref_squeeze %dma_start3A_539 : memref<1x128xf32, #tpu.memory_space<hbm>> -> memref<128xf32, #tpu.memory_space<hbm>>
      %dma_start3A_541 = arith.constant 0 : i32
      %dma_start3A_542 = tpu.memref_slice %arg14[%add3A_537, %dma_start3A_541] : memref<36x128xf32, #tpu.memory_space<hbm>> -> memref<1x128xf32, #tpu.memory_space<hbm>>
      %dma_start3A_543 = tpu.memref_squeeze %dma_start3A_542 : memref<1x128xf32, #tpu.memory_space<hbm>> -> memref<128xf32, #tpu.memory_space<hbm>>
      tpu.enqueue_dma source(%arg29 : memref<128xf32, #tpu.memory_space<vmem>>) target(%dma_start3A_543 : memref<128xf32, #tpu.memory_space<hbm>>) target_semaphore(%arg39 : memref<!tpu.dma_semaphore, #tpu.memory_space<semaphore_mem>>)
      %add3A_544 = arith.constant 4 : i32
      %add3A_545 = arith.addi %add3A_544, %arg1 : i32
      %dma_start3A_546 = arith.constant 0 : i32
      %dma_start3A_547 = tpu.memref_slice %arg14[%add3A_545, %dma_start3A_546] : memref<36x128xf32, #tpu.memory_space<hbm>> -> memref<1x128xf32, #tpu.memory_space<hbm>>
      %dma_start3A_548 = tpu.memref_squeeze %dma_start3A_547 : memref<1x128xf32, #tpu.memory_space<hbm>> -> memref<128xf32, #tpu.memory_space<hbm>>
      %dma_start3A_549 = arith.constant 0 : i32
      %dma_start3A_550 = tpu.memref_slice %arg14[%add3A_545, %dma_start3A_549] : memref<36x128xf32, #tpu.memory_space<hbm>> -> memref<1x128xf32, #tpu.memory_space<hbm>>
      %dma_start3A_551 = tpu.memref_squeeze %dma_start3A_550 : memref<1x128xf32, #tpu.memory_space<hbm>> -> memref<128xf32, #tpu.memory_space<hbm>>
      tpu.enqueue_dma source(%arg30 : memref<128xf32, #tpu.memory_space<vmem>>) target(%dma_start3A_551 : memref<128xf32, #tpu.memory_space<hbm>>) target_semaphore(%arg39 : memref<!tpu.dma_semaphore, #tpu.memory_space<semaphore_mem>>)
      %add3A_552 = arith.constant 8 : i32
      %add3A_553 = arith.addi %add3A_552, %arg1 : i32
      %dma_start3A_554 = arith.constant 0 : i32
      %dma_start3A_555 = tpu.memref_slice %arg14[%add3A_553, %dma_start3A_554] : memref<36x128xf32, #tpu.memory_space<hbm>> -> memref<1x128xf32, #tpu.memory_space<hbm>>
      %dma_start3A_556 = tpu.memref_squeeze %dma_start3A_555 : memref<1x128xf32, #tpu.memory_space<hbm>> -> memref<128xf32, #tpu.memory_space<hbm>>
      %dma_start3A_557 = arith.constant 0 : i32
      %dma_start3A_558 = tpu.memref_slice %arg14[%add3A_553, %dma_start3A_557] : memref<36x128xf32, #tpu.memory_space<hbm>> -> memref<1x128xf32, #tpu.memory_space<hbm>>
      %dma_start3A_559 = tpu.memref_squeeze %dma_start3A_558 : memref<1x128xf32, #tpu.memory_space<hbm>> -> memref<128xf32, #tpu.memory_space<hbm>>
      tpu.enqueue_dma source(%arg31 : memref<128xf32, #tpu.memory_space<vmem>>) target(%dma_start3A_559 : memref<128xf32, #tpu.memory_space<hbm>>) target_semaphore(%arg39 : memref<!tpu.dma_semaphore, #tpu.memory_space<semaphore_mem>>)
      %add3A_560 = arith.constant 12 : i32
      %add3A_561 = arith.addi %add3A_560, %arg1 : i32
      %dma_start3A_562 = arith.constant 0 : i32
      %dma_start3A_563 = tpu.memref_slice %arg14[%add3A_561, %dma_start3A_562] : memref<36x128xf32, #tpu.memory_space<hbm>> -> memref<1x128xf32, #tpu.memory_space<hbm>>
      %dma_start3A_564 = tpu.memref_squeeze %dma_start3A_563 : memref<1x128xf32, #tpu.memory_space<hbm>> -> memref<128xf32, #tpu.memory_space<hbm>>
      %dma_start3A_565 = arith.constant 0 : i32
      %dma_start3A_566 = tpu.memref_slice %arg14[%add3A_561, %dma_start3A_565] : memref<36x128xf32, #tpu.memory_space<hbm>> -> memref<1x128xf32, #tpu.memory_space<hbm>>
      %dma_start3A_567 = tpu.memref_squeeze %dma_start3A_566 : memref<1x128xf32, #tpu.memory_space<hbm>> -> memref<128xf32, #tpu.memory_space<hbm>>
      tpu.enqueue_dma source(%arg32 : memref<128xf32, #tpu.memory_space<vmem>>) target(%dma_start3A_567 : memref<128xf32, #tpu.memory_space<hbm>>) target_semaphore(%arg39 : memref<!tpu.dma_semaphore, #tpu.memory_space<semaphore_mem>>)
      %add3A_568 = arith.constant 16 : i32
      %add3A_569 = arith.addi %add3A_568, %arg1 : i32
      %dma_start3A_570 = arith.constant 0 : i32
      %dma_start3A_571 = tpu.memref_slice %arg14[%add3A_569, %dma_start3A_570] : memref<36x128xf32, #tpu.memory_space<hbm>> -> memref<1x128xf32, #tpu.memory_space<hbm>>
      %dma_start3A_572 = tpu.memref_squeeze %dma_start3A_571 : memref<1x128xf32, #tpu.memory_space<hbm>> -> memref<128xf32, #tpu.memory_space<hbm>>
      %dma_start3A_573 = arith.constant 0 : i32
      %dma_start3A_574 = tpu.memref_slice %arg14[%add3A_569, %dma_start3A_573] : memref<36x128xf32, #tpu.memory_space<hbm>> -> memref<1x128xf32, #tpu.memory_space<hbm>>
      %dma_start3A_575 = tpu.memref_squeeze %dma_start3A_574 : memref<1x128xf32, #tpu.memory_space<hbm>> -> memref<128xf32, #tpu.memory_space<hbm>>
      tpu.enqueue_dma source(%arg33 : memref<128xf32, #tpu.memory_space<vmem>>) target(%dma_start3A_575 : memref<128xf32, #tpu.memory_space<hbm>>) target_semaphore(%arg39 : memref<!tpu.dma_semaphore, #tpu.memory_space<semaphore_mem>>)
      %add3A_576 = arith.constant 20 : i32
      %add3A_577 = arith.addi %add3A_576, %arg1 : i32
      %dma_start3A_578 = arith.constant 0 : i32
      %dma_start3A_579 = tpu.memref_slice %arg14[%add3A_577, %dma_start3A_578] : memref<36x128xf32, #tpu.memory_space<hbm>> -> memref<1x128xf32, #tpu.memory_space<hbm>>
      %dma_start3A_580 = tpu.memref_squeeze %dma_start3A_579 : memref<1x128xf32, #tpu.memory_space<hbm>> -> memref<128xf32, #tpu.memory_space<hbm>>
      %dma_start3A_581 = arith.constant 0 : i32
      %dma_start3A_582 = tpu.memref_slice %arg14[%add3A_577, %dma_start3A_581] : memref<36x128xf32, #tpu.memory_space<hbm>> -> memref<1x128xf32, #tpu.memory_space<hbm>>
      %dma_start3A_583 = tpu.memref_squeeze %dma_start3A_582 : memref<1x128xf32, #tpu.memory_space<hbm>> -> memref<128xf32, #tpu.memory_space<hbm>>
      tpu.enqueue_dma source(%arg34 : memref<128xf32, #tpu.memory_space<vmem>>) target(%dma_start3A_583 : memref<128xf32, #tpu.memory_space<hbm>>) target_semaphore(%arg39 : memref<!tpu.dma_semaphore, #tpu.memory_space<semaphore_mem>>)
      %add3A_584 = arith.constant 24 : i32
      %add3A_585 = arith.addi %add3A_584, %arg1 : i32
      %dma_start3A_586 = arith.constant 0 : i32
      %dma_start3A_587 = tpu.memref_slice %arg14[%add3A_585, %dma_start3A_586] : memref<36x128xf32, #tpu.memory_space<hbm>> -> memref<1x128xf32, #tpu.memory_space<hbm>>
      %dma_start3A_588 = tpu.memref_squeeze %dma_start3A_587 : memref<1x128xf32, #tpu.memory_space<hbm>> -> memref<128xf32, #tpu.memory_space<hbm>>
      %dma_start3A_589 = arith.constant 0 : i32
      %dma_start3A_590 = tpu.memref_slice %arg14[%add3A_585, %dma_start3A_589] : memref<36x128xf32, #tpu.memory_space<hbm>> -> memref<1x128xf32, #tpu.memory_space<hbm>>
      %dma_start3A_591 = tpu.memref_squeeze %dma_start3A_590 : memref<1x128xf32, #tpu.memory_space<hbm>> -> memref<128xf32, #tpu.memory_space<hbm>>
      tpu.enqueue_dma source(%arg35 : memref<128xf32, #tpu.memory_space<vmem>>) target(%dma_start3A_591 : memref<128xf32, #tpu.memory_space<hbm>>) target_semaphore(%arg39 : memref<!tpu.dma_semaphore, #tpu.memory_space<semaphore_mem>>)
      %add3A_592 = arith.constant 28 : i32
      %add3A_593 = arith.addi %add3A_592, %arg1 : i32
      %dma_start3A_594 = arith.constant 0 : i32
      %dma_start3A_595 = tpu.memref_slice %arg14[%add3A_593, %dma_start3A_594] : memref<36x128xf32, #tpu.memory_space<hbm>> -> memref<1x128xf32, #tpu.memory_space<hbm>>
      %dma_start3A_596 = tpu.memref_squeeze %dma_start3A_595 : memref<1x128xf32, #tpu.memory_space<hbm>> -> memref<128xf32, #tpu.memory_space<hbm>>
      %dma_start3A_597 = arith.constant 0 : i32
      %dma_start3A_598 = tpu.memref_slice %arg14[%add3A_593, %dma_start3A_597] : memref<36x128xf32, #tpu.memory_space<hbm>> -> memref<1x128xf32, #tpu.memory_space<hbm>>
      %dma_start3A_599 = tpu.memref_squeeze %dma_start3A_598 : memref<1x128xf32, #tpu.memory_space<hbm>> -> memref<128xf32, #tpu.memory_space<hbm>>
      tpu.enqueue_dma source(%arg36 : memref<128xf32, #tpu.memory_space<vmem>>) target(%dma_start3A_599 : memref<128xf32, #tpu.memory_space<hbm>>) target_semaphore(%arg39 : memref<!tpu.dma_semaphore, #tpu.memory_space<semaphore_mem>>)
      %add3A_600 = arith.constant 32 : i32
      %add3A_601 = arith.addi %add3A_600, %arg1 : i32
      %dma_start3A_602 = arith.constant 0 : i32
      %dma_start3A_603 = tpu.memref_slice %arg14[%add3A_601, %dma_start3A_602] : memref<36x128xf32, #tpu.memory_space<hbm>> -> memref<1x128xf32, #tpu.memory_space<hbm>>
      %dma_start3A_604 = tpu.memref_squeeze %dma_start3A_603 : memref<1x128xf32, #tpu.memory_space<hbm>> -> memref<128xf32, #tpu.memory_space<hbm>>
      %dma_start3A_605 = arith.constant 0 : i32
      %dma_start3A_606 = tpu.memref_slice %arg14[%add3A_601, %dma_start3A_605] : memref<36x128xf32, #tpu.memory_space<hbm>> -> memref<1x128xf32, #tpu.memory_space<hbm>>
      %dma_start3A_607 = tpu.memref_squeeze %dma_start3A_606 : memref<1x128xf32, #tpu.memory_space<hbm>> -> memref<128xf32, #tpu.memory_space<hbm>>
      tpu.enqueue_dma source(%arg37 : memref<128xf32, #tpu.memory_space<vmem>>) target(%dma_start3A_607 : memref<128xf32, #tpu.memory_space<hbm>>) target_semaphore(%arg39 : memref<!tpu.dma_semaphore, #tpu.memory_space<semaphore_mem>>)
      %dma_wait3A_608 = arith.constant 0 : i32
      %dma_wait3A_609 = tpu.memref_slice %arg14[%add3A_537, %dma_wait3A_608] : memref<36x128xf32, #tpu.memory_space<hbm>> -> memref<1x128xf32, #tpu.memory_space<hbm>>
      %dma_wait3A_610 = tpu.memref_squeeze %dma_wait3A_609 : memref<1x128xf32, #tpu.memory_space<hbm>> -> memref<128xf32, #tpu.memory_space<hbm>>
      %dma_wait3A_611 = arith.constant 0 : i32
      %dma_wait3A_612 = tpu.memref_slice %arg14[%add3A_537, %dma_wait3A_611] : memref<36x128xf32, #tpu.memory_space<hbm>> -> memref<1x128xf32, #tpu.memory_space<hbm>>
      %dma_wait3A_613 = tpu.memref_squeeze %dma_wait3A_612 : memref<1x128xf32, #tpu.memory_space<hbm>> -> memref<128xf32, #tpu.memory_space<hbm>>
      tpu.wait_dma2 semaphore(%arg39 : memref<!tpu.dma_semaphore, #tpu.memory_space<semaphore_mem>>) src(%arg29 : memref<128xf32, #tpu.memory_space<vmem>>) dst(%dma_wait3A_613 : memref<128xf32, #tpu.memory_space<hbm>>)
      %dma_wait3A_614 = arith.constant 0 : i32
      %dma_wait3A_615 = tpu.memref_slice %arg14[%add3A_545, %dma_wait3A_614] : memref<36x128xf32, #tpu.memory_space<hbm>> -> memref<1x128xf32, #tpu.memory_space<hbm>>
      %dma_wait3A_616 = tpu.memref_squeeze %dma_wait3A_615 : memref<1x128xf32, #tpu.memory_space<hbm>> -> memref<128xf32, #tpu.memory_space<hbm>>
      %dma_wait3A_617 = arith.constant 0 : i32
      %dma_wait3A_618 = tpu.memref_slice %arg14[%add3A_545, %dma_wait3A_617] : memref<36x128xf32, #tpu.memory_space<hbm>> -> memref<1x128xf32, #tpu.memory_space<hbm>>
      %dma_wait3A_619 = tpu.memref_squeeze %dma_wait3A_618 : memref<1x128xf32, #tpu.memory_space<hbm>> -> memref<128xf32, #tpu.memory_space<hbm>>
      tpu.wait_dma2 semaphore(%arg39 : memref<!tpu.dma_semaphore, #tpu.memory_space<semaphore_mem>>) src(%arg30 : memref<128xf32, #tpu.memory_space<vmem>>) dst(%dma_wait3A_619 : memref<128xf32, #tpu.memory_space<hbm>>)
      %dma_wait3A_620 = arith.constant 0 : i32
      %dma_wait3A_621 = tpu.memref_slice %arg14[%add3A_553, %dma_wait3A_620] : memref<36x128xf32, #tpu.memory_space<hbm>> -> memref<1x128xf32, #tpu.memory_space<hbm>>
      %dma_wait3A_622 = tpu.memref_squeeze %dma_wait3A_621 : memref<1x128xf32, #tpu.memory_space<hbm>> -> memref<128xf32, #tpu.memory_space<hbm>>
      %dma_wait3A_623 = arith.constant 0 : i32
      %dma_wait3A_624 = tpu.memref_slice %arg14[%add3A_553, %dma_wait3A_623] : memref<36x128xf32, #tpu.memory_space<hbm>> -> memref<1x128xf32, #tpu.memory_space<hbm>>
      %dma_wait3A_625 = tpu.memref_squeeze %dma_wait3A_624 : memref<1x128xf32, #tpu.memory_space<hbm>> -> memref<128xf32, #tpu.memory_space<hbm>>
      tpu.wait_dma2 semaphore(%arg39 : memref<!tpu.dma_semaphore, #tpu.memory_space<semaphore_mem>>) src(%arg31 : memref<128xf32, #tpu.memory_space<vmem>>) dst(%dma_wait3A_625 : memref<128xf32, #tpu.memory_space<hbm>>)
      %dma_wait3A_626 = arith.constant 0 : i32
      %dma_wait3A_627 = tpu.memref_slice %arg14[%add3A_561, %dma_wait3A_626] : memref<36x128xf32, #tpu.memory_space<hbm>> -> memref<1x128xf32, #tpu.memory_space<hbm>>
      %dma_wait3A_628 = tpu.memref_squeeze %dma_wait3A_627 : memref<1x128xf32, #tpu.memory_space<hbm>> -> memref<128xf32, #tpu.memory_space<hbm>>
      %dma_wait3A_629 = arith.constant 0 : i32
      %dma_wait3A_630 = tpu.memref_slice %arg14[%add3A_561, %dma_wait3A_629] : memref<36x128xf32, #tpu.memory_space<hbm>> -> memref<1x128xf32, #tpu.memory_space<hbm>>
      %dma_wait3A_631 = tpu.memref_squeeze %dma_wait3A_630 : memref<1x128xf32, #tpu.memory_space<hbm>> -> memref<128xf32, #tpu.memory_space<hbm>>
      tpu.wait_dma2 semaphore(%arg39 : memref<!tpu.dma_semaphore, #tpu.memory_space<semaphore_mem>>) src(%arg32 : memref<128xf32, #tpu.memory_space<vmem>>) dst(%dma_wait3A_631 : memref<128xf32, #tpu.memory_space<hbm>>)
      %dma_wait3A_632 = arith.constant 0 : i32
      %dma_wait3A_633 = tpu.memref_slice %arg14[%add3A_569, %dma_wait3A_632] : memref<36x128xf32, #tpu.memory_space<hbm>> -> memref<1x128xf32, #tpu.memory_space<hbm>>
      %dma_wait3A_634 = tpu.memref_squeeze %dma_wait3A_633 : memref<1x128xf32, #tpu.memory_space<hbm>> -> memref<128xf32, #tpu.memory_space<hbm>>
      %dma_wait3A_635 = arith.constant 0 : i32
      %dma_wait3A_636 = tpu.memref_slice %arg14[%add3A_569, %dma_wait3A_635] : memref<36x128xf32, #tpu.memory_space<hbm>> -> memref<1x128xf32, #tpu.memory_space<hbm>>
      %dma_wait3A_637 = tpu.memref_squeeze %dma_wait3A_636 : memref<1x128xf32, #tpu.memory_space<hbm>> -> memref<128xf32, #tpu.memory_space<hbm>>
      tpu.wait_dma2 semaphore(%arg39 : memref<!tpu.dma_semaphore, #tpu.memory_space<semaphore_mem>>) src(%arg33 : memref<128xf32, #tpu.memory_space<vmem>>) dst(%dma_wait3A_637 : memref<128xf32, #tpu.memory_space<hbm>>)
      %dma_wait3A_638 = arith.constant 0 : i32
      %dma_wait3A_639 = tpu.memref_slice %arg14[%add3A_577, %dma_wait3A_638] : memref<36x128xf32, #tpu.memory_space<hbm>> -> memref<1x128xf32, #tpu.memory_space<hbm>>
      %dma_wait3A_640 = tpu.memref_squeeze %dma_wait3A_639 : memref<1x128xf32, #tpu.memory_space<hbm>> -> memref<128xf32, #tpu.memory_space<hbm>>
      %dma_wait3A_641 = arith.constant 0 : i32
      %dma_wait3A_642 = tpu.memref_slice %arg14[%add3A_577, %dma_wait3A_641] : memref<36x128xf32, #tpu.memory_space<hbm>> -> memref<1x128xf32, #tpu.memory_space<hbm>>
      %dma_wait3A_643 = tpu.memref_squeeze %dma_wait3A_642 : memref<1x128xf32, #tpu.memory_space<hbm>> -> memref<128xf32, #tpu.memory_space<hbm>>
      tpu.wait_dma2 semaphore(%arg39 : memref<!tpu.dma_semaphore, #tpu.memory_space<semaphore_mem>>) src(%arg34 : memref<128xf32, #tpu.memory_space<vmem>>) dst(%dma_wait3A_643 : memref<128xf32, #tpu.memory_space<hbm>>)
      %dma_wait3A_644 = arith.constant 0 : i32
      %dma_wait3A_645 = tpu.memref_slice %arg14[%add3A_585, %dma_wait3A_644] : memref<36x128xf32, #tpu.memory_space<hbm>> -> memref<1x128xf32, #tpu.memory_space<hbm>>
      %dma_wait3A_646 = tpu.memref_squeeze %dma_wait3A_645 : memref<1x128xf32, #tpu.memory_space<hbm>> -> memref<128xf32, #tpu.memory_space<hbm>>
      %dma_wait3A_647 = arith.constant 0 : i32
      %dma_wait3A_648 = tpu.memref_slice %arg14[%add3A_585, %dma_wait3A_647] : memref<36x128xf32, #tpu.memory_space<hbm>> -> memref<1x128xf32, #tpu.memory_space<hbm>>
      %dma_wait3A_649 = tpu.memref_squeeze %dma_wait3A_648 : memref<1x128xf32, #tpu.memory_space<hbm>> -> memref<128xf32, #tpu.memory_space<hbm>>
      tpu.wait_dma2 semaphore(%arg39 : memref<!tpu.dma_semaphore, #tpu.memory_space<semaphore_mem>>) src(%arg35 : memref<128xf32, #tpu.memory_space<vmem>>) dst(%dma_wait3A_649 : memref<128xf32, #tpu.memory_space<hbm>>)
      %dma_wait3A_650 = arith.constant 0 : i32
      %dma_wait3A_651 = tpu.memref_slice %arg14[%add3A_593, %dma_wait3A_650] : memref<36x128xf32, #tpu.memory_space<hbm>> -> memref<1x128xf32, #tpu.memory_space<hbm>>
      %dma_wait3A_652 = tpu.memref_squeeze %dma_wait3A_651 : memref<1x128xf32, #tpu.memory_space<hbm>> -> memref<128xf32, #tpu.memory_space<hbm>>
      %dma_wait3A_653 = arith.constant 0 : i32
      %dma_wait3A_654 = tpu.memref_slice %arg14[%add3A_593, %dma_wait3A_653] : memref<36x128xf32, #tpu.memory_space<hbm>> -> memref<1x128xf32, #tpu.memory_space<hbm>>
      %dma_wait3A_655 = tpu.memref_squeeze %dma_wait3A_654 : memref<1x128xf32, #tpu.memory_space<hbm>> -> memref<128xf32, #tpu.memory_space<hbm>>
      tpu.wait_dma2 semaphore(%arg39 : memref<!tpu.dma_semaphore, #tpu.memory_space<semaphore_mem>>) src(%arg36 : memref<128xf32, #tpu.memory_space<vmem>>) dst(%dma_wait3A_655 : memref<128xf32, #tpu.memory_space<hbm>>)
      %dma_wait3A_656 = arith.constant 0 : i32
      %dma_wait3A_657 = tpu.memref_slice %arg14[%add3A_601, %dma_wait3A_656] : memref<36x128xf32, #tpu.memory_space<hbm>> -> memref<1x128xf32, #tpu.memory_space<hbm>>
      %dma_wait3A_658 = tpu.memref_squeeze %dma_wait3A_657 : memref<1x128xf32, #tpu.memory_space<hbm>> -> memref<128xf32, #tpu.memory_space<hbm>>
      %dma_wait3A_659 = arith.constant 0 : i32
      %dma_wait3A_660 = tpu.memref_slice %arg14[%add3A_601, %dma_wait3A_659] : memref<36x128xf32, #tpu.memory_space<hbm>> -> memref<1x128xf32, #tpu.memory_space<hbm>>
      %dma_wait3A_661 = tpu.memref_squeeze %dma_wait3A_660 : memref<1x128xf32, #tpu.memory_space<hbm>> -> memref<128xf32, #tpu.memory_space<hbm>>
      tpu.wait_dma2 semaphore(%arg39 : memref<!tpu.dma_semaphore, #tpu.memory_space<semaphore_mem>>) src(%arg37 : memref<128xf32, #tpu.memory_space<vmem>>) dst(%dma_wait3A_661 : memref<128xf32, #tpu.memory_space<hbm>>)
    } else {
    }
    return
  }
}

module attributes {stable_mosaic.version = 14 : i64} {
  func.func @_iou_body(%arg0: memref<160x128xf32, #tpu.memory_space<vmem>>, %arg1: memref<160x128xf32, #tpu.memory_space<vmem>>, %arg2: memref<160x128xf32, #tpu.memory_space<vmem>>, %arg3: memref<160x128xf32, #tpu.memory_space<vmem>>, %arg4: memref<160x32xf32, #tpu.memory_space<vmem>>, %arg5: memref<160x32xf32, #tpu.memory_space<vmem>>, %arg6: memref<160x32xf32, #tpu.memory_space<vmem>>, %arg7: memref<160x32xf32, #tpu.memory_space<vmem>>, %arg8: memref<160x128xf32, #tpu.memory_space<vmem>>, %arg9: memref<160x128xi32, #tpu.memory_space<vmem>>) attributes {dimension_semantics = [], scalar_prefetch = 0 : i64, scratch_operands = 0 : i64, tpu.core_type = #tpu.core_type<tc>} {
    %get3A = arith.constant 0 : index
    %get3A_0 = arith.constant 0 : index
    %get3A_1 = vector.load %arg0[%get3A, %get3A_0] : memref<160x128xf32, #tpu.memory_space<vmem>>, vector<160x128xf32>
    %get3A_2 = arith.constant 0 : index
    %get3A_3 = arith.constant 0 : index
    %get3A_4 = vector.load %arg1[%get3A_2, %get3A_3] : memref<160x128xf32, #tpu.memory_space<vmem>>, vector<160x128xf32>
    %get3A_5 = arith.constant 0 : index
    %get3A_6 = arith.constant 0 : index
    %get3A_7 = vector.load %arg2[%get3A_5, %get3A_6] : memref<160x128xf32, #tpu.memory_space<vmem>>, vector<160x128xf32>
    %get3A_8 = arith.constant 0 : index
    %get3A_9 = arith.constant 0 : index
    %get3A_10 = vector.load %arg3[%get3A_8, %get3A_9] : memref<160x128xf32, #tpu.memory_space<vmem>>, vector<160x128xf32>
    %sub3A = arith.subf %get3A_7, %get3A_1 : vector<160x128xf32>
    %add3A = arith.constant 1.000000e+00 : f32
    %add3A_11 = vector.broadcast %add3A : f32 to vector<160x128xf32>
    %add3A_12 = arith.addf %sub3A, %add3A_11 : vector<160x128xf32>
    %sub3A_13 = arith.subf %get3A_10, %get3A_4 : vector<160x128xf32>
    %add3A_14 = arith.constant 1.000000e+00 : f32
    %add3A_15 = vector.broadcast %add3A_14 : f32 to vector<160x128xf32>
    %add3A_16 = arith.addf %sub3A_13, %add3A_15 : vector<160x128xf32>
    %mul3A = arith.mulf %add3A_12, %add3A_16 : vector<160x128xf32>
    %broadcast_in_dim3A = arith.constant -1.000000e+00 : f32
    %broadcast_in_dim3A_17 = vector.broadcast %broadcast_in_dim3A : f32 to vector<160x128xf32>
    %broadcast_in_dim3A_18 = arith.constant 0 : i32
    %broadcast_in_dim3A_19 = vector.broadcast %broadcast_in_dim3A_18 : i32 to vector<160x128xi32>
    %get3A_20 = arith.constant 0 : index
    %get3A_21 = arith.constant 1 : index
    %get3A_22 = vector.load %arg4[%get3A_20, %get3A_21] : memref<160x32xf32, #tpu.memory_space<vmem>>, vector<160x1xf32>
    %get3A_23 = arith.constant 0 : index
    %get3A_24 = arith.constant 1 : index
    %get3A_25 = vector.load %arg5[%get3A_23, %get3A_24] : memref<160x32xf32, #tpu.memory_space<vmem>>, vector<160x1xf32>
    %get3A_26 = arith.constant 0 : index
    %get3A_27 = arith.constant 1 : index
    %get3A_28 = vector.load %arg6[%get3A_26, %get3A_27] : memref<160x32xf32, #tpu.memory_space<vmem>>, vector<160x1xf32>
    %get3A_29 = arith.constant 0 : index
    %get3A_30 = arith.constant 1 : index
    %get3A_31 = vector.load %arg7[%get3A_29, %get3A_30] : memref<160x32xf32, #tpu.memory_space<vmem>>, vector<160x1xf32>
    %sub3A_32 = arith.subf %get3A_28, %get3A_22 : vector<160x1xf32>
    %add3A_33 = arith.constant 1.000000e+00 : f32
    %add3A_34 = vector.broadcast %add3A_33 : f32 to vector<160x1xf32>
    %add3A_35 = arith.addf %sub3A_32, %add3A_34 : vector<160x1xf32>
    %sub3A_36 = arith.subf %get3A_31, %get3A_25 : vector<160x1xf32>
    %add3A_37 = arith.constant 1.000000e+00 : f32
    %add3A_38 = vector.broadcast %add3A_37 : f32 to vector<160x1xf32>
    %add3A_39 = arith.addf %sub3A_36, %add3A_38 : vector<160x1xf32>
    %mul3A_40 = arith.mulf %add3A_35, %add3A_39 : vector<160x1xf32>
    %min3A = vector.broadcast %get3A_28 : vector<160x1xf32> to vector<160x128xf32>
    %min3A_41 = arith.minimumf %get3A_7, %min3A : vector<160x128xf32>
    %max3A = vector.broadcast %get3A_22 : vector<160x1xf32> to vector<160x128xf32>
    %max3A_42 = arith.maximumf %get3A_1, %max3A : vector<160x128xf32>
    %sub3A_43 = arith.subf %min3A_41, %max3A_42 : vector<160x128xf32>
    %add3A_44 = arith.constant 1.000000e+00 : f32
    %add3A_45 = vector.broadcast %add3A_44 : f32 to vector<160x128xf32>
    %add3A_46 = arith.addf %sub3A_43, %add3A_45 : vector<160x128xf32>
    %min3A_47 = vector.broadcast %get3A_31 : vector<160x1xf32> to vector<160x128xf32>
    %min3A_48 = arith.minimumf %get3A_10, %min3A_47 : vector<160x128xf32>
    %max3A_49 = vector.broadcast %get3A_25 : vector<160x1xf32> to vector<160x128xf32>
    %max3A_50 = arith.maximumf %get3A_4, %max3A_49 : vector<160x128xf32>
    %sub3A_51 = arith.subf %min3A_48, %max3A_50 : vector<160x128xf32>
    %add3A_52 = arith.constant 1.000000e+00 : f32
    %add3A_53 = vector.broadcast %add3A_52 : f32 to vector<160x128xf32>
    %add3A_54 = arith.addf %sub3A_51, %add3A_53 : vector<160x128xf32>
    %max3A_55 = arith.constant 0.000000e+00 : f32
    %max3A_56 = vector.broadcast %max3A_55 : f32 to vector<160x128xf32>
    %max3A_57 = arith.maximumf %add3A_46, %max3A_56 : vector<160x128xf32>
    %max3A_58 = arith.constant 0.000000e+00 : f32
    %max3A_59 = vector.broadcast %max3A_58 : f32 to vector<160x128xf32>
    %max3A_60 = arith.maximumf %add3A_54, %max3A_59 : vector<160x128xf32>
    %mul3A_61 = arith.mulf %max3A_57, %max3A_60 : vector<160x128xf32>
    %add3A_62 = vector.broadcast %mul3A_40 : vector<160x1xf32> to vector<160x128xf32>
    %add3A_63 = arith.addf %mul3A, %add3A_62 : vector<160x128xf32>
    %sub3A_64 = arith.subf %add3A_63, %mul3A_61 : vector<160x128xf32>
    %div3A = arith.divf %mul3A_61, %sub3A_64 : vector<160x128xf32>
    %gt3A = arith.cmpf ogt, %div3A, %broadcast_in_dim3A_17 : vector<160x128xf32>
    %select_n3A = arith.select %gt3A, %div3A, %broadcast_in_dim3A_17 : vector<160x128xi1>, vector<160x128xf32>
    %jit3A = arith.constant 1 : i32
    %broadcast_in_dim3A_65 = vector.broadcast %jit3A : i32 to vector<160x128xi32>
    %select_n3A_66 = arith.select %gt3A, %broadcast_in_dim3A_65, %broadcast_in_dim3A_19 : vector<160x128xi1>, vector<160x128xi32>
    %get3A_67 = arith.constant 0 : index
    %get3A_68 = arith.constant 2 : index
    %get3A_69 = vector.load %arg4[%get3A_67, %get3A_68] : memref<160x32xf32, #tpu.memory_space<vmem>>, vector<160x1xf32>
    %get3A_70 = arith.constant 0 : index
    %get3A_71 = arith.constant 2 : index
    %get3A_72 = vector.load %arg5[%get3A_70, %get3A_71] : memref<160x32xf32, #tpu.memory_space<vmem>>, vector<160x1xf32>
    %get3A_73 = arith.constant 0 : index
    %get3A_74 = arith.constant 2 : index
    %get3A_75 = vector.load %arg6[%get3A_73, %get3A_74] : memref<160x32xf32, #tpu.memory_space<vmem>>, vector<160x1xf32>
    %get3A_76 = arith.constant 0 : index
    %get3A_77 = arith.constant 2 : index
    %get3A_78 = vector.load %arg7[%get3A_76, %get3A_77] : memref<160x32xf32, #tpu.memory_space<vmem>>, vector<160x1xf32>
    %sub3A_79 = arith.subf %get3A_75, %get3A_69 : vector<160x1xf32>
    %add3A_80 = arith.constant 1.000000e+00 : f32
    %add3A_81 = vector.broadcast %add3A_80 : f32 to vector<160x1xf32>
    %add3A_82 = arith.addf %sub3A_79, %add3A_81 : vector<160x1xf32>
    %sub3A_83 = arith.subf %get3A_78, %get3A_72 : vector<160x1xf32>
    %add3A_84 = arith.constant 1.000000e+00 : f32
    %add3A_85 = vector.broadcast %add3A_84 : f32 to vector<160x1xf32>
    %add3A_86 = arith.addf %sub3A_83, %add3A_85 : vector<160x1xf32>
    %mul3A_87 = arith.mulf %add3A_82, %add3A_86 : vector<160x1xf32>
    %min3A_88 = vector.broadcast %get3A_75 : vector<160x1xf32> to vector<160x128xf32>
    %min3A_89 = arith.minimumf %get3A_7, %min3A_88 : vector<160x128xf32>
    %max3A_90 = vector.broadcast %get3A_69 : vector<160x1xf32> to vector<160x128xf32>
    %max3A_91 = arith.maximumf %get3A_1, %max3A_90 : vector<160x128xf32>
    %sub3A_92 = arith.subf %min3A_89, %max3A_91 : vector<160x128xf32>
    %add3A_93 = arith.constant 1.000000e+00 : f32
    %add3A_94 = vector.broadcast %add3A_93 : f32 to vector<160x128xf32>
    %add3A_95 = arith.addf %sub3A_92, %add3A_94 : vector<160x128xf32>
    %min3A_96 = vector.broadcast %get3A_78 : vector<160x1xf32> to vector<160x128xf32>
    %min3A_97 = arith.minimumf %get3A_10, %min3A_96 : vector<160x128xf32>
    %max3A_98 = vector.broadcast %get3A_72 : vector<160x1xf32> to vector<160x128xf32>
    %max3A_99 = arith.maximumf %get3A_4, %max3A_98 : vector<160x128xf32>
    %sub3A_100 = arith.subf %min3A_97, %max3A_99 : vector<160x128xf32>
    %add3A_101 = arith.constant 1.000000e+00 : f32
    %add3A_102 = vector.broadcast %add3A_101 : f32 to vector<160x128xf32>
    %add3A_103 = arith.addf %sub3A_100, %add3A_102 : vector<160x128xf32>
    %max3A_104 = arith.constant 0.000000e+00 : f32
    %max3A_105 = vector.broadcast %max3A_104 : f32 to vector<160x128xf32>
    %max3A_106 = arith.maximumf %add3A_95, %max3A_105 : vector<160x128xf32>
    %max3A_107 = arith.constant 0.000000e+00 : f32
    %max3A_108 = vector.broadcast %max3A_107 : f32 to vector<160x128xf32>
    %max3A_109 = arith.maximumf %add3A_103, %max3A_108 : vector<160x128xf32>
    %mul3A_110 = arith.mulf %max3A_106, %max3A_109 : vector<160x128xf32>
    %add3A_111 = vector.broadcast %mul3A_87 : vector<160x1xf32> to vector<160x128xf32>
    %add3A_112 = arith.addf %mul3A, %add3A_111 : vector<160x128xf32>
    %sub3A_113 = arith.subf %add3A_112, %mul3A_110 : vector<160x128xf32>
    %div3A_114 = arith.divf %mul3A_110, %sub3A_113 : vector<160x128xf32>
    %gt3A_115 = arith.cmpf ogt, %div3A_114, %select_n3A : vector<160x128xf32>
    %select_n3A_116 = arith.select %gt3A_115, %div3A_114, %select_n3A : vector<160x128xi1>, vector<160x128xf32>
    %jit3A_117 = arith.constant 2 : i32
    %broadcast_in_dim3A_118 = vector.broadcast %jit3A_117 : i32 to vector<160x128xi32>
    %select_n3A_119 = arith.select %gt3A_115, %broadcast_in_dim3A_118, %select_n3A_66 : vector<160x128xi1>, vector<160x128xi32>
    %get3A_120 = arith.constant 0 : index
    %get3A_121 = arith.constant 3 : index
    %get3A_122 = vector.load %arg4[%get3A_120, %get3A_121] : memref<160x32xf32, #tpu.memory_space<vmem>>, vector<160x1xf32>
    %get3A_123 = arith.constant 0 : index
    %get3A_124 = arith.constant 3 : index
    %get3A_125 = vector.load %arg5[%get3A_123, %get3A_124] : memref<160x32xf32, #tpu.memory_space<vmem>>, vector<160x1xf32>
    %get3A_126 = arith.constant 0 : index
    %get3A_127 = arith.constant 3 : index
    %get3A_128 = vector.load %arg6[%get3A_126, %get3A_127] : memref<160x32xf32, #tpu.memory_space<vmem>>, vector<160x1xf32>
    %get3A_129 = arith.constant 0 : index
    %get3A_130 = arith.constant 3 : index
    %get3A_131 = vector.load %arg7[%get3A_129, %get3A_130] : memref<160x32xf32, #tpu.memory_space<vmem>>, vector<160x1xf32>
    %sub3A_132 = arith.subf %get3A_128, %get3A_122 : vector<160x1xf32>
    %add3A_133 = arith.constant 1.000000e+00 : f32
    %add3A_134 = vector.broadcast %add3A_133 : f32 to vector<160x1xf32>
    %add3A_135 = arith.addf %sub3A_132, %add3A_134 : vector<160x1xf32>
    %sub3A_136 = arith.subf %get3A_131, %get3A_125 : vector<160x1xf32>
    %add3A_137 = arith.constant 1.000000e+00 : f32
    %add3A_138 = vector.broadcast %add3A_137 : f32 to vector<160x1xf32>
    %add3A_139 = arith.addf %sub3A_136, %add3A_138 : vector<160x1xf32>
    %mul3A_140 = arith.mulf %add3A_135, %add3A_139 : vector<160x1xf32>
    %min3A_141 = vector.broadcast %get3A_128 : vector<160x1xf32> to vector<160x128xf32>
    %min3A_142 = arith.minimumf %get3A_7, %min3A_141 : vector<160x128xf32>
    %max3A_143 = vector.broadcast %get3A_122 : vector<160x1xf32> to vector<160x128xf32>
    %max3A_144 = arith.maximumf %get3A_1, %max3A_143 : vector<160x128xf32>
    %sub3A_145 = arith.subf %min3A_142, %max3A_144 : vector<160x128xf32>
    %add3A_146 = arith.constant 1.000000e+00 : f32
    %add3A_147 = vector.broadcast %add3A_146 : f32 to vector<160x128xf32>
    %add3A_148 = arith.addf %sub3A_145, %add3A_147 : vector<160x128xf32>
    %min3A_149 = vector.broadcast %get3A_131 : vector<160x1xf32> to vector<160x128xf32>
    %min3A_150 = arith.minimumf %get3A_10, %min3A_149 : vector<160x128xf32>
    %max3A_151 = vector.broadcast %get3A_125 : vector<160x1xf32> to vector<160x128xf32>
    %max3A_152 = arith.maximumf %get3A_4, %max3A_151 : vector<160x128xf32>
    %sub3A_153 = arith.subf %min3A_150, %max3A_152 : vector<160x128xf32>
    %add3A_154 = arith.constant 1.000000e+00 : f32
    %add3A_155 = vector.broadcast %add3A_154 : f32 to vector<160x128xf32>
    %add3A_156 = arith.addf %sub3A_153, %add3A_155 : vector<160x128xf32>
    %max3A_157 = arith.constant 0.000000e+00 : f32
    %max3A_158 = vector.broadcast %max3A_157 : f32 to vector<160x128xf32>
    %max3A_159 = arith.maximumf %add3A_148, %max3A_158 : vector<160x128xf32>
    %max3A_160 = arith.constant 0.000000e+00 : f32
    %max3A_161 = vector.broadcast %max3A_160 : f32 to vector<160x128xf32>
    %max3A_162 = arith.maximumf %add3A_156, %max3A_161 : vector<160x128xf32>
    %mul3A_163 = arith.mulf %max3A_159, %max3A_162 : vector<160x128xf32>
    %add3A_164 = vector.broadcast %mul3A_140 : vector<160x1xf32> to vector<160x128xf32>
    %add3A_165 = arith.addf %mul3A, %add3A_164 : vector<160x128xf32>
    %sub3A_166 = arith.subf %add3A_165, %mul3A_163 : vector<160x128xf32>
    %div3A_167 = arith.divf %mul3A_163, %sub3A_166 : vector<160x128xf32>
    %gt3A_168 = arith.cmpf ogt, %div3A_167, %select_n3A_116 : vector<160x128xf32>
    %select_n3A_169 = arith.select %gt3A_168, %div3A_167, %select_n3A_116 : vector<160x128xi1>, vector<160x128xf32>
    %jit3A_170 = arith.constant 3 : i32
    %broadcast_in_dim3A_171 = vector.broadcast %jit3A_170 : i32 to vector<160x128xi32>
    %select_n3A_172 = arith.select %gt3A_168, %broadcast_in_dim3A_171, %select_n3A_119 : vector<160x128xi1>, vector<160x128xi32>
    %get3A_173 = arith.constant 0 : index
    %get3A_174 = arith.constant 4 : index
    %get3A_175 = vector.load %arg4[%get3A_173, %get3A_174] : memref<160x32xf32, #tpu.memory_space<vmem>>, vector<160x1xf32>
    %get3A_176 = arith.constant 0 : index
    %get3A_177 = arith.constant 4 : index
    %get3A_178 = vector.load %arg5[%get3A_176, %get3A_177] : memref<160x32xf32, #tpu.memory_space<vmem>>, vector<160x1xf32>
    %get3A_179 = arith.constant 0 : index
    %get3A_180 = arith.constant 4 : index
    %get3A_181 = vector.load %arg6[%get3A_179, %get3A_180] : memref<160x32xf32, #tpu.memory_space<vmem>>, vector<160x1xf32>
    %get3A_182 = arith.constant 0 : index
    %get3A_183 = arith.constant 4 : index
    %get3A_184 = vector.load %arg7[%get3A_182, %get3A_183] : memref<160x32xf32, #tpu.memory_space<vmem>>, vector<160x1xf32>
    %sub3A_185 = arith.subf %get3A_181, %get3A_175 : vector<160x1xf32>
    %add3A_186 = arith.constant 1.000000e+00 : f32
    %add3A_187 = vector.broadcast %add3A_186 : f32 to vector<160x1xf32>
    %add3A_188 = arith.addf %sub3A_185, %add3A_187 : vector<160x1xf32>
    %sub3A_189 = arith.subf %get3A_184, %get3A_178 : vector<160x1xf32>
    %add3A_190 = arith.constant 1.000000e+00 : f32
    %add3A_191 = vector.broadcast %add3A_190 : f32 to vector<160x1xf32>
    %add3A_192 = arith.addf %sub3A_189, %add3A_191 : vector<160x1xf32>
    %mul3A_193 = arith.mulf %add3A_188, %add3A_192 : vector<160x1xf32>
    %min3A_194 = vector.broadcast %get3A_181 : vector<160x1xf32> to vector<160x128xf32>
    %min3A_195 = arith.minimumf %get3A_7, %min3A_194 : vector<160x128xf32>
    %max3A_196 = vector.broadcast %get3A_175 : vector<160x1xf32> to vector<160x128xf32>
    %max3A_197 = arith.maximumf %get3A_1, %max3A_196 : vector<160x128xf32>
    %sub3A_198 = arith.subf %min3A_195, %max3A_197 : vector<160x128xf32>
    %add3A_199 = arith.constant 1.000000e+00 : f32
    %add3A_200 = vector.broadcast %add3A_199 : f32 to vector<160x128xf32>
    %add3A_201 = arith.addf %sub3A_198, %add3A_200 : vector<160x128xf32>
    %min3A_202 = vector.broadcast %get3A_184 : vector<160x1xf32> to vector<160x128xf32>
    %min3A_203 = arith.minimumf %get3A_10, %min3A_202 : vector<160x128xf32>
    %max3A_204 = vector.broadcast %get3A_178 : vector<160x1xf32> to vector<160x128xf32>
    %max3A_205 = arith.maximumf %get3A_4, %max3A_204 : vector<160x128xf32>
    %sub3A_206 = arith.subf %min3A_203, %max3A_205 : vector<160x128xf32>
    %add3A_207 = arith.constant 1.000000e+00 : f32
    %add3A_208 = vector.broadcast %add3A_207 : f32 to vector<160x128xf32>
    %add3A_209 = arith.addf %sub3A_206, %add3A_208 : vector<160x128xf32>
    %max3A_210 = arith.constant 0.000000e+00 : f32
    %max3A_211 = vector.broadcast %max3A_210 : f32 to vector<160x128xf32>
    %max3A_212 = arith.maximumf %add3A_201, %max3A_211 : vector<160x128xf32>
    %max3A_213 = arith.constant 0.000000e+00 : f32
    %max3A_214 = vector.broadcast %max3A_213 : f32 to vector<160x128xf32>
    %max3A_215 = arith.maximumf %add3A_209, %max3A_214 : vector<160x128xf32>
    %mul3A_216 = arith.mulf %max3A_212, %max3A_215 : vector<160x128xf32>
    %add3A_217 = vector.broadcast %mul3A_193 : vector<160x1xf32> to vector<160x128xf32>
    %add3A_218 = arith.addf %mul3A, %add3A_217 : vector<160x128xf32>
    %sub3A_219 = arith.subf %add3A_218, %mul3A_216 : vector<160x128xf32>
    %div3A_220 = arith.divf %mul3A_216, %sub3A_219 : vector<160x128xf32>
    %gt3A_221 = arith.cmpf ogt, %div3A_220, %select_n3A_169 : vector<160x128xf32>
    %select_n3A_222 = arith.select %gt3A_221, %div3A_220, %select_n3A_169 : vector<160x128xi1>, vector<160x128xf32>
    %jit3A_223 = arith.constant 4 : i32
    %broadcast_in_dim3A_224 = vector.broadcast %jit3A_223 : i32 to vector<160x128xi32>
    %select_n3A_225 = arith.select %gt3A_221, %broadcast_in_dim3A_224, %select_n3A_172 : vector<160x128xi1>, vector<160x128xi32>
    %get3A_226 = arith.constant 0 : index
    %get3A_227 = arith.constant 5 : index
    %get3A_228 = vector.load %arg4[%get3A_226, %get3A_227] : memref<160x32xf32, #tpu.memory_space<vmem>>, vector<160x1xf32>
    %get3A_229 = arith.constant 0 : index
    %get3A_230 = arith.constant 5 : index
    %get3A_231 = vector.load %arg5[%get3A_229, %get3A_230] : memref<160x32xf32, #tpu.memory_space<vmem>>, vector<160x1xf32>
    %get3A_232 = arith.constant 0 : index
    %get3A_233 = arith.constant 5 : index
    %get3A_234 = vector.load %arg6[%get3A_232, %get3A_233] : memref<160x32xf32, #tpu.memory_space<vmem>>, vector<160x1xf32>
    %get3A_235 = arith.constant 0 : index
    %get3A_236 = arith.constant 5 : index
    %get3A_237 = vector.load %arg7[%get3A_235, %get3A_236] : memref<160x32xf32, #tpu.memory_space<vmem>>, vector<160x1xf32>
    %sub3A_238 = arith.subf %get3A_234, %get3A_228 : vector<160x1xf32>
    %add3A_239 = arith.constant 1.000000e+00 : f32
    %add3A_240 = vector.broadcast %add3A_239 : f32 to vector<160x1xf32>
    %add3A_241 = arith.addf %sub3A_238, %add3A_240 : vector<160x1xf32>
    %sub3A_242 = arith.subf %get3A_237, %get3A_231 : vector<160x1xf32>
    %add3A_243 = arith.constant 1.000000e+00 : f32
    %add3A_244 = vector.broadcast %add3A_243 : f32 to vector<160x1xf32>
    %add3A_245 = arith.addf %sub3A_242, %add3A_244 : vector<160x1xf32>
    %mul3A_246 = arith.mulf %add3A_241, %add3A_245 : vector<160x1xf32>
    %min3A_247 = vector.broadcast %get3A_234 : vector<160x1xf32> to vector<160x128xf32>
    %min3A_248 = arith.minimumf %get3A_7, %min3A_247 : vector<160x128xf32>
    %max3A_249 = vector.broadcast %get3A_228 : vector<160x1xf32> to vector<160x128xf32>
    %max3A_250 = arith.maximumf %get3A_1, %max3A_249 : vector<160x128xf32>
    %sub3A_251 = arith.subf %min3A_248, %max3A_250 : vector<160x128xf32>
    %add3A_252 = arith.constant 1.000000e+00 : f32
    %add3A_253 = vector.broadcast %add3A_252 : f32 to vector<160x128xf32>
    %add3A_254 = arith.addf %sub3A_251, %add3A_253 : vector<160x128xf32>
    %min3A_255 = vector.broadcast %get3A_237 : vector<160x1xf32> to vector<160x128xf32>
    %min3A_256 = arith.minimumf %get3A_10, %min3A_255 : vector<160x128xf32>
    %max3A_257 = vector.broadcast %get3A_231 : vector<160x1xf32> to vector<160x128xf32>
    %max3A_258 = arith.maximumf %get3A_4, %max3A_257 : vector<160x128xf32>
    %sub3A_259 = arith.subf %min3A_256, %max3A_258 : vector<160x128xf32>
    %add3A_260 = arith.constant 1.000000e+00 : f32
    %add3A_261 = vector.broadcast %add3A_260 : f32 to vector<160x128xf32>
    %add3A_262 = arith.addf %sub3A_259, %add3A_261 : vector<160x128xf32>
    %max3A_263 = arith.constant 0.000000e+00 : f32
    %max3A_264 = vector.broadcast %max3A_263 : f32 to vector<160x128xf32>
    %max3A_265 = arith.maximumf %add3A_254, %max3A_264 : vector<160x128xf32>
    %max3A_266 = arith.constant 0.000000e+00 : f32
    %max3A_267 = vector.broadcast %max3A_266 : f32 to vector<160x128xf32>
    %max3A_268 = arith.maximumf %add3A_262, %max3A_267 : vector<160x128xf32>
    %mul3A_269 = arith.mulf %max3A_265, %max3A_268 : vector<160x128xf32>
    %add3A_270 = vector.broadcast %mul3A_246 : vector<160x1xf32> to vector<160x128xf32>
    %add3A_271 = arith.addf %mul3A, %add3A_270 : vector<160x128xf32>
    %sub3A_272 = arith.subf %add3A_271, %mul3A_269 : vector<160x128xf32>
    %div3A_273 = arith.divf %mul3A_269, %sub3A_272 : vector<160x128xf32>
    %gt3A_274 = arith.cmpf ogt, %div3A_273, %select_n3A_222 : vector<160x128xf32>
    %select_n3A_275 = arith.select %gt3A_274, %div3A_273, %select_n3A_222 : vector<160x128xi1>, vector<160x128xf32>
    %jit3A_276 = arith.constant 5 : i32
    %broadcast_in_dim3A_277 = vector.broadcast %jit3A_276 : i32 to vector<160x128xi32>
    %select_n3A_278 = arith.select %gt3A_274, %broadcast_in_dim3A_277, %select_n3A_225 : vector<160x128xi1>, vector<160x128xi32>
    %get3A_279 = arith.constant 0 : index
    %get3A_280 = arith.constant 6 : index
    %get3A_281 = vector.load %arg4[%get3A_279, %get3A_280] : memref<160x32xf32, #tpu.memory_space<vmem>>, vector<160x1xf32>
    %get3A_282 = arith.constant 0 : index
    %get3A_283 = arith.constant 6 : index
    %get3A_284 = vector.load %arg5[%get3A_282, %get3A_283] : memref<160x32xf32, #tpu.memory_space<vmem>>, vector<160x1xf32>
    %get3A_285 = arith.constant 0 : index
    %get3A_286 = arith.constant 6 : index
    %get3A_287 = vector.load %arg6[%get3A_285, %get3A_286] : memref<160x32xf32, #tpu.memory_space<vmem>>, vector<160x1xf32>
    %get3A_288 = arith.constant 0 : index
    %get3A_289 = arith.constant 6 : index
    %get3A_290 = vector.load %arg7[%get3A_288, %get3A_289] : memref<160x32xf32, #tpu.memory_space<vmem>>, vector<160x1xf32>
    %sub3A_291 = arith.subf %get3A_287, %get3A_281 : vector<160x1xf32>
    %add3A_292 = arith.constant 1.000000e+00 : f32
    %add3A_293 = vector.broadcast %add3A_292 : f32 to vector<160x1xf32>
    %add3A_294 = arith.addf %sub3A_291, %add3A_293 : vector<160x1xf32>
    %sub3A_295 = arith.subf %get3A_290, %get3A_284 : vector<160x1xf32>
    %add3A_296 = arith.constant 1.000000e+00 : f32
    %add3A_297 = vector.broadcast %add3A_296 : f32 to vector<160x1xf32>
    %add3A_298 = arith.addf %sub3A_295, %add3A_297 : vector<160x1xf32>
    %mul3A_299 = arith.mulf %add3A_294, %add3A_298 : vector<160x1xf32>
    %min3A_300 = vector.broadcast %get3A_287 : vector<160x1xf32> to vector<160x128xf32>
    %min3A_301 = arith.minimumf %get3A_7, %min3A_300 : vector<160x128xf32>
    %max3A_302 = vector.broadcast %get3A_281 : vector<160x1xf32> to vector<160x128xf32>
    %max3A_303 = arith.maximumf %get3A_1, %max3A_302 : vector<160x128xf32>
    %sub3A_304 = arith.subf %min3A_301, %max3A_303 : vector<160x128xf32>
    %add3A_305 = arith.constant 1.000000e+00 : f32
    %add3A_306 = vector.broadcast %add3A_305 : f32 to vector<160x128xf32>
    %add3A_307 = arith.addf %sub3A_304, %add3A_306 : vector<160x128xf32>
    %min3A_308 = vector.broadcast %get3A_290 : vector<160x1xf32> to vector<160x128xf32>
    %min3A_309 = arith.minimumf %get3A_10, %min3A_308 : vector<160x128xf32>
    %max3A_310 = vector.broadcast %get3A_284 : vector<160x1xf32> to vector<160x128xf32>
    %max3A_311 = arith.maximumf %get3A_4, %max3A_310 : vector<160x128xf32>
    %sub3A_312 = arith.subf %min3A_309, %max3A_311 : vector<160x128xf32>
    %add3A_313 = arith.constant 1.000000e+00 : f32
    %add3A_314 = vector.broadcast %add3A_313 : f32 to vector<160x128xf32>
    %add3A_315 = arith.addf %sub3A_312, %add3A_314 : vector<160x128xf32>
    %max3A_316 = arith.constant 0.000000e+00 : f32
    %max3A_317 = vector.broadcast %max3A_316 : f32 to vector<160x128xf32>
    %max3A_318 = arith.maximumf %add3A_307, %max3A_317 : vector<160x128xf32>
    %max3A_319 = arith.constant 0.000000e+00 : f32
    %max3A_320 = vector.broadcast %max3A_319 : f32 to vector<160x128xf32>
    %max3A_321 = arith.maximumf %add3A_315, %max3A_320 : vector<160x128xf32>
    %mul3A_322 = arith.mulf %max3A_318, %max3A_321 : vector<160x128xf32>
    %add3A_323 = vector.broadcast %mul3A_299 : vector<160x1xf32> to vector<160x128xf32>
    %add3A_324 = arith.addf %mul3A, %add3A_323 : vector<160x128xf32>
    %sub3A_325 = arith.subf %add3A_324, %mul3A_322 : vector<160x128xf32>
    %div3A_326 = arith.divf %mul3A_322, %sub3A_325 : vector<160x128xf32>
    %gt3A_327 = arith.cmpf ogt, %div3A_326, %select_n3A_275 : vector<160x128xf32>
    %select_n3A_328 = arith.select %gt3A_327, %div3A_326, %select_n3A_275 : vector<160x128xi1>, vector<160x128xf32>
    %jit3A_329 = arith.constant 6 : i32
    %broadcast_in_dim3A_330 = vector.broadcast %jit3A_329 : i32 to vector<160x128xi32>
    %select_n3A_331 = arith.select %gt3A_327, %broadcast_in_dim3A_330, %select_n3A_278 : vector<160x128xi1>, vector<160x128xi32>
    %get3A_332 = arith.constant 0 : index
    %get3A_333 = arith.constant 7 : index
    %get3A_334 = vector.load %arg4[%get3A_332, %get3A_333] : memref<160x32xf32, #tpu.memory_space<vmem>>, vector<160x1xf32>
    %get3A_335 = arith.constant 0 : index
    %get3A_336 = arith.constant 7 : index
    %get3A_337 = vector.load %arg5[%get3A_335, %get3A_336] : memref<160x32xf32, #tpu.memory_space<vmem>>, vector<160x1xf32>
    %get3A_338 = arith.constant 0 : index
    %get3A_339 = arith.constant 7 : index
    %get3A_340 = vector.load %arg6[%get3A_338, %get3A_339] : memref<160x32xf32, #tpu.memory_space<vmem>>, vector<160x1xf32>
    %get3A_341 = arith.constant 0 : index
    %get3A_342 = arith.constant 7 : index
    %get3A_343 = vector.load %arg7[%get3A_341, %get3A_342] : memref<160x32xf32, #tpu.memory_space<vmem>>, vector<160x1xf32>
    %sub3A_344 = arith.subf %get3A_340, %get3A_334 : vector<160x1xf32>
    %add3A_345 = arith.constant 1.000000e+00 : f32
    %add3A_346 = vector.broadcast %add3A_345 : f32 to vector<160x1xf32>
    %add3A_347 = arith.addf %sub3A_344, %add3A_346 : vector<160x1xf32>
    %sub3A_348 = arith.subf %get3A_343, %get3A_337 : vector<160x1xf32>
    %add3A_349 = arith.constant 1.000000e+00 : f32
    %add3A_350 = vector.broadcast %add3A_349 : f32 to vector<160x1xf32>
    %add3A_351 = arith.addf %sub3A_348, %add3A_350 : vector<160x1xf32>
    %mul3A_352 = arith.mulf %add3A_347, %add3A_351 : vector<160x1xf32>
    %min3A_353 = vector.broadcast %get3A_340 : vector<160x1xf32> to vector<160x128xf32>
    %min3A_354 = arith.minimumf %get3A_7, %min3A_353 : vector<160x128xf32>
    %max3A_355 = vector.broadcast %get3A_334 : vector<160x1xf32> to vector<160x128xf32>
    %max3A_356 = arith.maximumf %get3A_1, %max3A_355 : vector<160x128xf32>
    %sub3A_357 = arith.subf %min3A_354, %max3A_356 : vector<160x128xf32>
    %add3A_358 = arith.constant 1.000000e+00 : f32
    %add3A_359 = vector.broadcast %add3A_358 : f32 to vector<160x128xf32>
    %add3A_360 = arith.addf %sub3A_357, %add3A_359 : vector<160x128xf32>
    %min3A_361 = vector.broadcast %get3A_343 : vector<160x1xf32> to vector<160x128xf32>
    %min3A_362 = arith.minimumf %get3A_10, %min3A_361 : vector<160x128xf32>
    %max3A_363 = vector.broadcast %get3A_337 : vector<160x1xf32> to vector<160x128xf32>
    %max3A_364 = arith.maximumf %get3A_4, %max3A_363 : vector<160x128xf32>
    %sub3A_365 = arith.subf %min3A_362, %max3A_364 : vector<160x128xf32>
    %add3A_366 = arith.constant 1.000000e+00 : f32
    %add3A_367 = vector.broadcast %add3A_366 : f32 to vector<160x128xf32>
    %add3A_368 = arith.addf %sub3A_365, %add3A_367 : vector<160x128xf32>
    %max3A_369 = arith.constant 0.000000e+00 : f32
    %max3A_370 = vector.broadcast %max3A_369 : f32 to vector<160x128xf32>
    %max3A_371 = arith.maximumf %add3A_360, %max3A_370 : vector<160x128xf32>
    %max3A_372 = arith.constant 0.000000e+00 : f32
    %max3A_373 = vector.broadcast %max3A_372 : f32 to vector<160x128xf32>
    %max3A_374 = arith.maximumf %add3A_368, %max3A_373 : vector<160x128xf32>
    %mul3A_375 = arith.mulf %max3A_371, %max3A_374 : vector<160x128xf32>
    %add3A_376 = vector.broadcast %mul3A_352 : vector<160x1xf32> to vector<160x128xf32>
    %add3A_377 = arith.addf %mul3A, %add3A_376 : vector<160x128xf32>
    %sub3A_378 = arith.subf %add3A_377, %mul3A_375 : vector<160x128xf32>
    %div3A_379 = arith.divf %mul3A_375, %sub3A_378 : vector<160x128xf32>
    %gt3A_380 = arith.cmpf ogt, %div3A_379, %select_n3A_328 : vector<160x128xf32>
    %select_n3A_381 = arith.select %gt3A_380, %div3A_379, %select_n3A_328 : vector<160x128xi1>, vector<160x128xf32>
    %jit3A_382 = arith.constant 7 : i32
    %broadcast_in_dim3A_383 = vector.broadcast %jit3A_382 : i32 to vector<160x128xi32>
    %select_n3A_384 = arith.select %gt3A_380, %broadcast_in_dim3A_383, %select_n3A_331 : vector<160x128xi1>, vector<160x128xi32>
    %get3A_385 = arith.constant 0 : index
    %get3A_386 = arith.constant 8 : index
    %get3A_387 = vector.load %arg4[%get3A_385, %get3A_386] : memref<160x32xf32, #tpu.memory_space<vmem>>, vector<160x1xf32>
    %get3A_388 = arith.constant 0 : index
    %get3A_389 = arith.constant 8 : index
    %get3A_390 = vector.load %arg5[%get3A_388, %get3A_389] : memref<160x32xf32, #tpu.memory_space<vmem>>, vector<160x1xf32>
    %get3A_391 = arith.constant 0 : index
    %get3A_392 = arith.constant 8 : index
    %get3A_393 = vector.load %arg6[%get3A_391, %get3A_392] : memref<160x32xf32, #tpu.memory_space<vmem>>, vector<160x1xf32>
    %get3A_394 = arith.constant 0 : index
    %get3A_395 = arith.constant 8 : index
    %get3A_396 = vector.load %arg7[%get3A_394, %get3A_395] : memref<160x32xf32, #tpu.memory_space<vmem>>, vector<160x1xf32>
    %sub3A_397 = arith.subf %get3A_393, %get3A_387 : vector<160x1xf32>
    %add3A_398 = arith.constant 1.000000e+00 : f32
    %add3A_399 = vector.broadcast %add3A_398 : f32 to vector<160x1xf32>
    %add3A_400 = arith.addf %sub3A_397, %add3A_399 : vector<160x1xf32>
    %sub3A_401 = arith.subf %get3A_396, %get3A_390 : vector<160x1xf32>
    %add3A_402 = arith.constant 1.000000e+00 : f32
    %add3A_403 = vector.broadcast %add3A_402 : f32 to vector<160x1xf32>
    %add3A_404 = arith.addf %sub3A_401, %add3A_403 : vector<160x1xf32>
    %mul3A_405 = arith.mulf %add3A_400, %add3A_404 : vector<160x1xf32>
    %min3A_406 = vector.broadcast %get3A_393 : vector<160x1xf32> to vector<160x128xf32>
    %min3A_407 = arith.minimumf %get3A_7, %min3A_406 : vector<160x128xf32>
    %max3A_408 = vector.broadcast %get3A_387 : vector<160x1xf32> to vector<160x128xf32>
    %max3A_409 = arith.maximumf %get3A_1, %max3A_408 : vector<160x128xf32>
    %sub3A_410 = arith.subf %min3A_407, %max3A_409 : vector<160x128xf32>
    %add3A_411 = arith.constant 1.000000e+00 : f32
    %add3A_412 = vector.broadcast %add3A_411 : f32 to vector<160x128xf32>
    %add3A_413 = arith.addf %sub3A_410, %add3A_412 : vector<160x128xf32>
    %min3A_414 = vector.broadcast %get3A_396 : vector<160x1xf32> to vector<160x128xf32>
    %min3A_415 = arith.minimumf %get3A_10, %min3A_414 : vector<160x128xf32>
    %max3A_416 = vector.broadcast %get3A_390 : vector<160x1xf32> to vector<160x128xf32>
    %max3A_417 = arith.maximumf %get3A_4, %max3A_416 : vector<160x128xf32>
    %sub3A_418 = arith.subf %min3A_415, %max3A_417 : vector<160x128xf32>
    %add3A_419 = arith.constant 1.000000e+00 : f32
    %add3A_420 = vector.broadcast %add3A_419 : f32 to vector<160x128xf32>
    %add3A_421 = arith.addf %sub3A_418, %add3A_420 : vector<160x128xf32>
    %max3A_422 = arith.constant 0.000000e+00 : f32
    %max3A_423 = vector.broadcast %max3A_422 : f32 to vector<160x128xf32>
    %max3A_424 = arith.maximumf %add3A_413, %max3A_423 : vector<160x128xf32>
    %max3A_425 = arith.constant 0.000000e+00 : f32
    %max3A_426 = vector.broadcast %max3A_425 : f32 to vector<160x128xf32>
    %max3A_427 = arith.maximumf %add3A_421, %max3A_426 : vector<160x128xf32>
    %mul3A_428 = arith.mulf %max3A_424, %max3A_427 : vector<160x128xf32>
    %add3A_429 = vector.broadcast %mul3A_405 : vector<160x1xf32> to vector<160x128xf32>
    %add3A_430 = arith.addf %mul3A, %add3A_429 : vector<160x128xf32>
    %sub3A_431 = arith.subf %add3A_430, %mul3A_428 : vector<160x128xf32>
    %div3A_432 = arith.divf %mul3A_428, %sub3A_431 : vector<160x128xf32>
    %gt3A_433 = arith.cmpf ogt, %div3A_432, %select_n3A_381 : vector<160x128xf32>
    %select_n3A_434 = arith.select %gt3A_433, %div3A_432, %select_n3A_381 : vector<160x128xi1>, vector<160x128xf32>
    %jit3A_435 = arith.constant 8 : i32
    %broadcast_in_dim3A_436 = vector.broadcast %jit3A_435 : i32 to vector<160x128xi32>
    %select_n3A_437 = arith.select %gt3A_433, %broadcast_in_dim3A_436, %select_n3A_384 : vector<160x128xi1>, vector<160x128xi32>
    %get3A_438 = arith.constant 0 : index
    %get3A_439 = arith.constant 9 : index
    %get3A_440 = vector.load %arg4[%get3A_438, %get3A_439] : memref<160x32xf32, #tpu.memory_space<vmem>>, vector<160x1xf32>
    %get3A_441 = arith.constant 0 : index
    %get3A_442 = arith.constant 9 : index
    %get3A_443 = vector.load %arg5[%get3A_441, %get3A_442] : memref<160x32xf32, #tpu.memory_space<vmem>>, vector<160x1xf32>
    %get3A_444 = arith.constant 0 : index
    %get3A_445 = arith.constant 9 : index
    %get3A_446 = vector.load %arg6[%get3A_444, %get3A_445] : memref<160x32xf32, #tpu.memory_space<vmem>>, vector<160x1xf32>
    %get3A_447 = arith.constant 0 : index
    %get3A_448 = arith.constant 9 : index
    %get3A_449 = vector.load %arg7[%get3A_447, %get3A_448] : memref<160x32xf32, #tpu.memory_space<vmem>>, vector<160x1xf32>
    %sub3A_450 = arith.subf %get3A_446, %get3A_440 : vector<160x1xf32>
    %add3A_451 = arith.constant 1.000000e+00 : f32
    %add3A_452 = vector.broadcast %add3A_451 : f32 to vector<160x1xf32>
    %add3A_453 = arith.addf %sub3A_450, %add3A_452 : vector<160x1xf32>
    %sub3A_454 = arith.subf %get3A_449, %get3A_443 : vector<160x1xf32>
    %add3A_455 = arith.constant 1.000000e+00 : f32
    %add3A_456 = vector.broadcast %add3A_455 : f32 to vector<160x1xf32>
    %add3A_457 = arith.addf %sub3A_454, %add3A_456 : vector<160x1xf32>
    %mul3A_458 = arith.mulf %add3A_453, %add3A_457 : vector<160x1xf32>
    %min3A_459 = vector.broadcast %get3A_446 : vector<160x1xf32> to vector<160x128xf32>
    %min3A_460 = arith.minimumf %get3A_7, %min3A_459 : vector<160x128xf32>
    %max3A_461 = vector.broadcast %get3A_440 : vector<160x1xf32> to vector<160x128xf32>
    %max3A_462 = arith.maximumf %get3A_1, %max3A_461 : vector<160x128xf32>
    %sub3A_463 = arith.subf %min3A_460, %max3A_462 : vector<160x128xf32>
    %add3A_464 = arith.constant 1.000000e+00 : f32
    %add3A_465 = vector.broadcast %add3A_464 : f32 to vector<160x128xf32>
    %add3A_466 = arith.addf %sub3A_463, %add3A_465 : vector<160x128xf32>
    %min3A_467 = vector.broadcast %get3A_449 : vector<160x1xf32> to vector<160x128xf32>
    %min3A_468 = arith.minimumf %get3A_10, %min3A_467 : vector<160x128xf32>
    %max3A_469 = vector.broadcast %get3A_443 : vector<160x1xf32> to vector<160x128xf32>
    %max3A_470 = arith.maximumf %get3A_4, %max3A_469 : vector<160x128xf32>
    %sub3A_471 = arith.subf %min3A_468, %max3A_470 : vector<160x128xf32>
    %add3A_472 = arith.constant 1.000000e+00 : f32
    %add3A_473 = vector.broadcast %add3A_472 : f32 to vector<160x128xf32>
    %add3A_474 = arith.addf %sub3A_471, %add3A_473 : vector<160x128xf32>
    %max3A_475 = arith.constant 0.000000e+00 : f32
    %max3A_476 = vector.broadcast %max3A_475 : f32 to vector<160x128xf32>
    %max3A_477 = arith.maximumf %add3A_466, %max3A_476 : vector<160x128xf32>
    %max3A_478 = arith.constant 0.000000e+00 : f32
    %max3A_479 = vector.broadcast %max3A_478 : f32 to vector<160x128xf32>
    %max3A_480 = arith.maximumf %add3A_474, %max3A_479 : vector<160x128xf32>
    %mul3A_481 = arith.mulf %max3A_477, %max3A_480 : vector<160x128xf32>
    %add3A_482 = vector.broadcast %mul3A_458 : vector<160x1xf32> to vector<160x128xf32>
    %add3A_483 = arith.addf %mul3A, %add3A_482 : vector<160x128xf32>
    %sub3A_484 = arith.subf %add3A_483, %mul3A_481 : vector<160x128xf32>
    %div3A_485 = arith.divf %mul3A_481, %sub3A_484 : vector<160x128xf32>
    %gt3A_486 = arith.cmpf ogt, %div3A_485, %select_n3A_434 : vector<160x128xf32>
    %select_n3A_487 = arith.select %gt3A_486, %div3A_485, %select_n3A_434 : vector<160x128xi1>, vector<160x128xf32>
    %jit3A_488 = arith.constant 9 : i32
    %broadcast_in_dim3A_489 = vector.broadcast %jit3A_488 : i32 to vector<160x128xi32>
    %select_n3A_490 = arith.select %gt3A_486, %broadcast_in_dim3A_489, %select_n3A_437 : vector<160x128xi1>, vector<160x128xi32>
    %get3A_491 = arith.constant 0 : index
    %get3A_492 = arith.constant 10 : index
    %get3A_493 = vector.load %arg4[%get3A_491, %get3A_492] : memref<160x32xf32, #tpu.memory_space<vmem>>, vector<160x1xf32>
    %get3A_494 = arith.constant 0 : index
    %get3A_495 = arith.constant 10 : index
    %get3A_496 = vector.load %arg5[%get3A_494, %get3A_495] : memref<160x32xf32, #tpu.memory_space<vmem>>, vector<160x1xf32>
    %get3A_497 = arith.constant 0 : index
    %get3A_498 = arith.constant 10 : index
    %get3A_499 = vector.load %arg6[%get3A_497, %get3A_498] : memref<160x32xf32, #tpu.memory_space<vmem>>, vector<160x1xf32>
    %get3A_500 = arith.constant 0 : index
    %get3A_501 = arith.constant 10 : index
    %get3A_502 = vector.load %arg7[%get3A_500, %get3A_501] : memref<160x32xf32, #tpu.memory_space<vmem>>, vector<160x1xf32>
    %sub3A_503 = arith.subf %get3A_499, %get3A_493 : vector<160x1xf32>
    %add3A_504 = arith.constant 1.000000e+00 : f32
    %add3A_505 = vector.broadcast %add3A_504 : f32 to vector<160x1xf32>
    %add3A_506 = arith.addf %sub3A_503, %add3A_505 : vector<160x1xf32>
    %sub3A_507 = arith.subf %get3A_502, %get3A_496 : vector<160x1xf32>
    %add3A_508 = arith.constant 1.000000e+00 : f32
    %add3A_509 = vector.broadcast %add3A_508 : f32 to vector<160x1xf32>
    %add3A_510 = arith.addf %sub3A_507, %add3A_509 : vector<160x1xf32>
    %mul3A_511 = arith.mulf %add3A_506, %add3A_510 : vector<160x1xf32>
    %min3A_512 = vector.broadcast %get3A_499 : vector<160x1xf32> to vector<160x128xf32>
    %min3A_513 = arith.minimumf %get3A_7, %min3A_512 : vector<160x128xf32>
    %max3A_514 = vector.broadcast %get3A_493 : vector<160x1xf32> to vector<160x128xf32>
    %max3A_515 = arith.maximumf %get3A_1, %max3A_514 : vector<160x128xf32>
    %sub3A_516 = arith.subf %min3A_513, %max3A_515 : vector<160x128xf32>
    %add3A_517 = arith.constant 1.000000e+00 : f32
    %add3A_518 = vector.broadcast %add3A_517 : f32 to vector<160x128xf32>
    %add3A_519 = arith.addf %sub3A_516, %add3A_518 : vector<160x128xf32>
    %min3A_520 = vector.broadcast %get3A_502 : vector<160x1xf32> to vector<160x128xf32>
    %min3A_521 = arith.minimumf %get3A_10, %min3A_520 : vector<160x128xf32>
    %max3A_522 = vector.broadcast %get3A_496 : vector<160x1xf32> to vector<160x128xf32>
    %max3A_523 = arith.maximumf %get3A_4, %max3A_522 : vector<160x128xf32>
    %sub3A_524 = arith.subf %min3A_521, %max3A_523 : vector<160x128xf32>
    %add3A_525 = arith.constant 1.000000e+00 : f32
    %add3A_526 = vector.broadcast %add3A_525 : f32 to vector<160x128xf32>
    %add3A_527 = arith.addf %sub3A_524, %add3A_526 : vector<160x128xf32>
    %max3A_528 = arith.constant 0.000000e+00 : f32
    %max3A_529 = vector.broadcast %max3A_528 : f32 to vector<160x128xf32>
    %max3A_530 = arith.maximumf %add3A_519, %max3A_529 : vector<160x128xf32>
    %max3A_531 = arith.constant 0.000000e+00 : f32
    %max3A_532 = vector.broadcast %max3A_531 : f32 to vector<160x128xf32>
    %max3A_533 = arith.maximumf %add3A_527, %max3A_532 : vector<160x128xf32>
    %mul3A_534 = arith.mulf %max3A_530, %max3A_533 : vector<160x128xf32>
    %add3A_535 = vector.broadcast %mul3A_511 : vector<160x1xf32> to vector<160x128xf32>
    %add3A_536 = arith.addf %mul3A, %add3A_535 : vector<160x128xf32>
    %sub3A_537 = arith.subf %add3A_536, %mul3A_534 : vector<160x128xf32>
    %div3A_538 = arith.divf %mul3A_534, %sub3A_537 : vector<160x128xf32>
    %gt3A_539 = arith.cmpf ogt, %div3A_538, %select_n3A_487 : vector<160x128xf32>
    %select_n3A_540 = arith.select %gt3A_539, %div3A_538, %select_n3A_487 : vector<160x128xi1>, vector<160x128xf32>
    %jit3A_541 = arith.constant 10 : i32
    %broadcast_in_dim3A_542 = vector.broadcast %jit3A_541 : i32 to vector<160x128xi32>
    %select_n3A_543 = arith.select %gt3A_539, %broadcast_in_dim3A_542, %select_n3A_490 : vector<160x128xi1>, vector<160x128xi32>
    %get3A_544 = arith.constant 0 : index
    %get3A_545 = arith.constant 11 : index
    %get3A_546 = vector.load %arg4[%get3A_544, %get3A_545] : memref<160x32xf32, #tpu.memory_space<vmem>>, vector<160x1xf32>
    %get3A_547 = arith.constant 0 : index
    %get3A_548 = arith.constant 11 : index
    %get3A_549 = vector.load %arg5[%get3A_547, %get3A_548] : memref<160x32xf32, #tpu.memory_space<vmem>>, vector<160x1xf32>
    %get3A_550 = arith.constant 0 : index
    %get3A_551 = arith.constant 11 : index
    %get3A_552 = vector.load %arg6[%get3A_550, %get3A_551] : memref<160x32xf32, #tpu.memory_space<vmem>>, vector<160x1xf32>
    %get3A_553 = arith.constant 0 : index
    %get3A_554 = arith.constant 11 : index
    %get3A_555 = vector.load %arg7[%get3A_553, %get3A_554] : memref<160x32xf32, #tpu.memory_space<vmem>>, vector<160x1xf32>
    %sub3A_556 = arith.subf %get3A_552, %get3A_546 : vector<160x1xf32>
    %add3A_557 = arith.constant 1.000000e+00 : f32
    %add3A_558 = vector.broadcast %add3A_557 : f32 to vector<160x1xf32>
    %add3A_559 = arith.addf %sub3A_556, %add3A_558 : vector<160x1xf32>
    %sub3A_560 = arith.subf %get3A_555, %get3A_549 : vector<160x1xf32>
    %add3A_561 = arith.constant 1.000000e+00 : f32
    %add3A_562 = vector.broadcast %add3A_561 : f32 to vector<160x1xf32>
    %add3A_563 = arith.addf %sub3A_560, %add3A_562 : vector<160x1xf32>
    %mul3A_564 = arith.mulf %add3A_559, %add3A_563 : vector<160x1xf32>
    %min3A_565 = vector.broadcast %get3A_552 : vector<160x1xf32> to vector<160x128xf32>
    %min3A_566 = arith.minimumf %get3A_7, %min3A_565 : vector<160x128xf32>
    %max3A_567 = vector.broadcast %get3A_546 : vector<160x1xf32> to vector<160x128xf32>
    %max3A_568 = arith.maximumf %get3A_1, %max3A_567 : vector<160x128xf32>
    %sub3A_569 = arith.subf %min3A_566, %max3A_568 : vector<160x128xf32>
    %add3A_570 = arith.constant 1.000000e+00 : f32
    %add3A_571 = vector.broadcast %add3A_570 : f32 to vector<160x128xf32>
    %add3A_572 = arith.addf %sub3A_569, %add3A_571 : vector<160x128xf32>
    %min3A_573 = vector.broadcast %get3A_555 : vector<160x1xf32> to vector<160x128xf32>
    %min3A_574 = arith.minimumf %get3A_10, %min3A_573 : vector<160x128xf32>
    %max3A_575 = vector.broadcast %get3A_549 : vector<160x1xf32> to vector<160x128xf32>
    %max3A_576 = arith.maximumf %get3A_4, %max3A_575 : vector<160x128xf32>
    %sub3A_577 = arith.subf %min3A_574, %max3A_576 : vector<160x128xf32>
    %add3A_578 = arith.constant 1.000000e+00 : f32
    %add3A_579 = vector.broadcast %add3A_578 : f32 to vector<160x128xf32>
    %add3A_580 = arith.addf %sub3A_577, %add3A_579 : vector<160x128xf32>
    %max3A_581 = arith.constant 0.000000e+00 : f32
    %max3A_582 = vector.broadcast %max3A_581 : f32 to vector<160x128xf32>
    %max3A_583 = arith.maximumf %add3A_572, %max3A_582 : vector<160x128xf32>
    %max3A_584 = arith.constant 0.000000e+00 : f32
    %max3A_585 = vector.broadcast %max3A_584 : f32 to vector<160x128xf32>
    %max3A_586 = arith.maximumf %add3A_580, %max3A_585 : vector<160x128xf32>
    %mul3A_587 = arith.mulf %max3A_583, %max3A_586 : vector<160x128xf32>
    %add3A_588 = vector.broadcast %mul3A_564 : vector<160x1xf32> to vector<160x128xf32>
    %add3A_589 = arith.addf %mul3A, %add3A_588 : vector<160x128xf32>
    %sub3A_590 = arith.subf %add3A_589, %mul3A_587 : vector<160x128xf32>
    %div3A_591 = arith.divf %mul3A_587, %sub3A_590 : vector<160x128xf32>
    %gt3A_592 = arith.cmpf ogt, %div3A_591, %select_n3A_540 : vector<160x128xf32>
    %select_n3A_593 = arith.select %gt3A_592, %div3A_591, %select_n3A_540 : vector<160x128xi1>, vector<160x128xf32>
    %jit3A_594 = arith.constant 11 : i32
    %broadcast_in_dim3A_595 = vector.broadcast %jit3A_594 : i32 to vector<160x128xi32>
    %select_n3A_596 = arith.select %gt3A_592, %broadcast_in_dim3A_595, %select_n3A_543 : vector<160x128xi1>, vector<160x128xi32>
    %get3A_597 = arith.constant 0 : index
    %get3A_598 = arith.constant 12 : index
    %get3A_599 = vector.load %arg4[%get3A_597, %get3A_598] : memref<160x32xf32, #tpu.memory_space<vmem>>, vector<160x1xf32>
    %get3A_600 = arith.constant 0 : index
    %get3A_601 = arith.constant 12 : index
    %get3A_602 = vector.load %arg5[%get3A_600, %get3A_601] : memref<160x32xf32, #tpu.memory_space<vmem>>, vector<160x1xf32>
    %get3A_603 = arith.constant 0 : index
    %get3A_604 = arith.constant 12 : index
    %get3A_605 = vector.load %arg6[%get3A_603, %get3A_604] : memref<160x32xf32, #tpu.memory_space<vmem>>, vector<160x1xf32>
    %get3A_606 = arith.constant 0 : index
    %get3A_607 = arith.constant 12 : index
    %get3A_608 = vector.load %arg7[%get3A_606, %get3A_607] : memref<160x32xf32, #tpu.memory_space<vmem>>, vector<160x1xf32>
    %sub3A_609 = arith.subf %get3A_605, %get3A_599 : vector<160x1xf32>
    %add3A_610 = arith.constant 1.000000e+00 : f32
    %add3A_611 = vector.broadcast %add3A_610 : f32 to vector<160x1xf32>
    %add3A_612 = arith.addf %sub3A_609, %add3A_611 : vector<160x1xf32>
    %sub3A_613 = arith.subf %get3A_608, %get3A_602 : vector<160x1xf32>
    %add3A_614 = arith.constant 1.000000e+00 : f32
    %add3A_615 = vector.broadcast %add3A_614 : f32 to vector<160x1xf32>
    %add3A_616 = arith.addf %sub3A_613, %add3A_615 : vector<160x1xf32>
    %mul3A_617 = arith.mulf %add3A_612, %add3A_616 : vector<160x1xf32>
    %min3A_618 = vector.broadcast %get3A_605 : vector<160x1xf32> to vector<160x128xf32>
    %min3A_619 = arith.minimumf %get3A_7, %min3A_618 : vector<160x128xf32>
    %max3A_620 = vector.broadcast %get3A_599 : vector<160x1xf32> to vector<160x128xf32>
    %max3A_621 = arith.maximumf %get3A_1, %max3A_620 : vector<160x128xf32>
    %sub3A_622 = arith.subf %min3A_619, %max3A_621 : vector<160x128xf32>
    %add3A_623 = arith.constant 1.000000e+00 : f32
    %add3A_624 = vector.broadcast %add3A_623 : f32 to vector<160x128xf32>
    %add3A_625 = arith.addf %sub3A_622, %add3A_624 : vector<160x128xf32>
    %min3A_626 = vector.broadcast %get3A_608 : vector<160x1xf32> to vector<160x128xf32>
    %min3A_627 = arith.minimumf %get3A_10, %min3A_626 : vector<160x128xf32>
    %max3A_628 = vector.broadcast %get3A_602 : vector<160x1xf32> to vector<160x128xf32>
    %max3A_629 = arith.maximumf %get3A_4, %max3A_628 : vector<160x128xf32>
    %sub3A_630 = arith.subf %min3A_627, %max3A_629 : vector<160x128xf32>
    %add3A_631 = arith.constant 1.000000e+00 : f32
    %add3A_632 = vector.broadcast %add3A_631 : f32 to vector<160x128xf32>
    %add3A_633 = arith.addf %sub3A_630, %add3A_632 : vector<160x128xf32>
    %max3A_634 = arith.constant 0.000000e+00 : f32
    %max3A_635 = vector.broadcast %max3A_634 : f32 to vector<160x128xf32>
    %max3A_636 = arith.maximumf %add3A_625, %max3A_635 : vector<160x128xf32>
    %max3A_637 = arith.constant 0.000000e+00 : f32
    %max3A_638 = vector.broadcast %max3A_637 : f32 to vector<160x128xf32>
    %max3A_639 = arith.maximumf %add3A_633, %max3A_638 : vector<160x128xf32>
    %mul3A_640 = arith.mulf %max3A_636, %max3A_639 : vector<160x128xf32>
    %add3A_641 = vector.broadcast %mul3A_617 : vector<160x1xf32> to vector<160x128xf32>
    %add3A_642 = arith.addf %mul3A, %add3A_641 : vector<160x128xf32>
    %sub3A_643 = arith.subf %add3A_642, %mul3A_640 : vector<160x128xf32>
    %div3A_644 = arith.divf %mul3A_640, %sub3A_643 : vector<160x128xf32>
    %gt3A_645 = arith.cmpf ogt, %div3A_644, %select_n3A_593 : vector<160x128xf32>
    %select_n3A_646 = arith.select %gt3A_645, %div3A_644, %select_n3A_593 : vector<160x128xi1>, vector<160x128xf32>
    %jit3A_647 = arith.constant 12 : i32
    %broadcast_in_dim3A_648 = vector.broadcast %jit3A_647 : i32 to vector<160x128xi32>
    %select_n3A_649 = arith.select %gt3A_645, %broadcast_in_dim3A_648, %select_n3A_596 : vector<160x128xi1>, vector<160x128xi32>
    %get3A_650 = arith.constant 0 : index
    %get3A_651 = arith.constant 13 : index
    %get3A_652 = vector.load %arg4[%get3A_650, %get3A_651] : memref<160x32xf32, #tpu.memory_space<vmem>>, vector<160x1xf32>
    %get3A_653 = arith.constant 0 : index
    %get3A_654 = arith.constant 13 : index
    %get3A_655 = vector.load %arg5[%get3A_653, %get3A_654] : memref<160x32xf32, #tpu.memory_space<vmem>>, vector<160x1xf32>
    %get3A_656 = arith.constant 0 : index
    %get3A_657 = arith.constant 13 : index
    %get3A_658 = vector.load %arg6[%get3A_656, %get3A_657] : memref<160x32xf32, #tpu.memory_space<vmem>>, vector<160x1xf32>
    %get3A_659 = arith.constant 0 : index
    %get3A_660 = arith.constant 13 : index
    %get3A_661 = vector.load %arg7[%get3A_659, %get3A_660] : memref<160x32xf32, #tpu.memory_space<vmem>>, vector<160x1xf32>
    %sub3A_662 = arith.subf %get3A_658, %get3A_652 : vector<160x1xf32>
    %add3A_663 = arith.constant 1.000000e+00 : f32
    %add3A_664 = vector.broadcast %add3A_663 : f32 to vector<160x1xf32>
    %add3A_665 = arith.addf %sub3A_662, %add3A_664 : vector<160x1xf32>
    %sub3A_666 = arith.subf %get3A_661, %get3A_655 : vector<160x1xf32>
    %add3A_667 = arith.constant 1.000000e+00 : f32
    %add3A_668 = vector.broadcast %add3A_667 : f32 to vector<160x1xf32>
    %add3A_669 = arith.addf %sub3A_666, %add3A_668 : vector<160x1xf32>
    %mul3A_670 = arith.mulf %add3A_665, %add3A_669 : vector<160x1xf32>
    %min3A_671 = vector.broadcast %get3A_658 : vector<160x1xf32> to vector<160x128xf32>
    %min3A_672 = arith.minimumf %get3A_7, %min3A_671 : vector<160x128xf32>
    %max3A_673 = vector.broadcast %get3A_652 : vector<160x1xf32> to vector<160x128xf32>
    %max3A_674 = arith.maximumf %get3A_1, %max3A_673 : vector<160x128xf32>
    %sub3A_675 = arith.subf %min3A_672, %max3A_674 : vector<160x128xf32>
    %add3A_676 = arith.constant 1.000000e+00 : f32
    %add3A_677 = vector.broadcast %add3A_676 : f32 to vector<160x128xf32>
    %add3A_678 = arith.addf %sub3A_675, %add3A_677 : vector<160x128xf32>
    %min3A_679 = vector.broadcast %get3A_661 : vector<160x1xf32> to vector<160x128xf32>
    %min3A_680 = arith.minimumf %get3A_10, %min3A_679 : vector<160x128xf32>
    %max3A_681 = vector.broadcast %get3A_655 : vector<160x1xf32> to vector<160x128xf32>
    %max3A_682 = arith.maximumf %get3A_4, %max3A_681 : vector<160x128xf32>
    %sub3A_683 = arith.subf %min3A_680, %max3A_682 : vector<160x128xf32>
    %add3A_684 = arith.constant 1.000000e+00 : f32
    %add3A_685 = vector.broadcast %add3A_684 : f32 to vector<160x128xf32>
    %add3A_686 = arith.addf %sub3A_683, %add3A_685 : vector<160x128xf32>
    %max3A_687 = arith.constant 0.000000e+00 : f32
    %max3A_688 = vector.broadcast %max3A_687 : f32 to vector<160x128xf32>
    %max3A_689 = arith.maximumf %add3A_678, %max3A_688 : vector<160x128xf32>
    %max3A_690 = arith.constant 0.000000e+00 : f32
    %max3A_691 = vector.broadcast %max3A_690 : f32 to vector<160x128xf32>
    %max3A_692 = arith.maximumf %add3A_686, %max3A_691 : vector<160x128xf32>
    %mul3A_693 = arith.mulf %max3A_689, %max3A_692 : vector<160x128xf32>
    %add3A_694 = vector.broadcast %mul3A_670 : vector<160x1xf32> to vector<160x128xf32>
    %add3A_695 = arith.addf %mul3A, %add3A_694 : vector<160x128xf32>
    %sub3A_696 = arith.subf %add3A_695, %mul3A_693 : vector<160x128xf32>
    %div3A_697 = arith.divf %mul3A_693, %sub3A_696 : vector<160x128xf32>
    %gt3A_698 = arith.cmpf ogt, %div3A_697, %select_n3A_646 : vector<160x128xf32>
    %select_n3A_699 = arith.select %gt3A_698, %div3A_697, %select_n3A_646 : vector<160x128xi1>, vector<160x128xf32>
    %jit3A_700 = arith.constant 13 : i32
    %broadcast_in_dim3A_701 = vector.broadcast %jit3A_700 : i32 to vector<160x128xi32>
    %select_n3A_702 = arith.select %gt3A_698, %broadcast_in_dim3A_701, %select_n3A_649 : vector<160x128xi1>, vector<160x128xi32>
    %get3A_703 = arith.constant 0 : index
    %get3A_704 = arith.constant 14 : index
    %get3A_705 = vector.load %arg4[%get3A_703, %get3A_704] : memref<160x32xf32, #tpu.memory_space<vmem>>, vector<160x1xf32>
    %get3A_706 = arith.constant 0 : index
    %get3A_707 = arith.constant 14 : index
    %get3A_708 = vector.load %arg5[%get3A_706, %get3A_707] : memref<160x32xf32, #tpu.memory_space<vmem>>, vector<160x1xf32>
    %get3A_709 = arith.constant 0 : index
    %get3A_710 = arith.constant 14 : index
    %get3A_711 = vector.load %arg6[%get3A_709, %get3A_710] : memref<160x32xf32, #tpu.memory_space<vmem>>, vector<160x1xf32>
    %get3A_712 = arith.constant 0 : index
    %get3A_713 = arith.constant 14 : index
    %get3A_714 = vector.load %arg7[%get3A_712, %get3A_713] : memref<160x32xf32, #tpu.memory_space<vmem>>, vector<160x1xf32>
    %sub3A_715 = arith.subf %get3A_711, %get3A_705 : vector<160x1xf32>
    %add3A_716 = arith.constant 1.000000e+00 : f32
    %add3A_717 = vector.broadcast %add3A_716 : f32 to vector<160x1xf32>
    %add3A_718 = arith.addf %sub3A_715, %add3A_717 : vector<160x1xf32>
    %sub3A_719 = arith.subf %get3A_714, %get3A_708 : vector<160x1xf32>
    %add3A_720 = arith.constant 1.000000e+00 : f32
    %add3A_721 = vector.broadcast %add3A_720 : f32 to vector<160x1xf32>
    %add3A_722 = arith.addf %sub3A_719, %add3A_721 : vector<160x1xf32>
    %mul3A_723 = arith.mulf %add3A_718, %add3A_722 : vector<160x1xf32>
    %min3A_724 = vector.broadcast %get3A_711 : vector<160x1xf32> to vector<160x128xf32>
    %min3A_725 = arith.minimumf %get3A_7, %min3A_724 : vector<160x128xf32>
    %max3A_726 = vector.broadcast %get3A_705 : vector<160x1xf32> to vector<160x128xf32>
    %max3A_727 = arith.maximumf %get3A_1, %max3A_726 : vector<160x128xf32>
    %sub3A_728 = arith.subf %min3A_725, %max3A_727 : vector<160x128xf32>
    %add3A_729 = arith.constant 1.000000e+00 : f32
    %add3A_730 = vector.broadcast %add3A_729 : f32 to vector<160x128xf32>
    %add3A_731 = arith.addf %sub3A_728, %add3A_730 : vector<160x128xf32>
    %min3A_732 = vector.broadcast %get3A_714 : vector<160x1xf32> to vector<160x128xf32>
    %min3A_733 = arith.minimumf %get3A_10, %min3A_732 : vector<160x128xf32>
    %max3A_734 = vector.broadcast %get3A_708 : vector<160x1xf32> to vector<160x128xf32>
    %max3A_735 = arith.maximumf %get3A_4, %max3A_734 : vector<160x128xf32>
    %sub3A_736 = arith.subf %min3A_733, %max3A_735 : vector<160x128xf32>
    %add3A_737 = arith.constant 1.000000e+00 : f32
    %add3A_738 = vector.broadcast %add3A_737 : f32 to vector<160x128xf32>
    %add3A_739 = arith.addf %sub3A_736, %add3A_738 : vector<160x128xf32>
    %max3A_740 = arith.constant 0.000000e+00 : f32
    %max3A_741 = vector.broadcast %max3A_740 : f32 to vector<160x128xf32>
    %max3A_742 = arith.maximumf %add3A_731, %max3A_741 : vector<160x128xf32>
    %max3A_743 = arith.constant 0.000000e+00 : f32
    %max3A_744 = vector.broadcast %max3A_743 : f32 to vector<160x128xf32>
    %max3A_745 = arith.maximumf %add3A_739, %max3A_744 : vector<160x128xf32>
    %mul3A_746 = arith.mulf %max3A_742, %max3A_745 : vector<160x128xf32>
    %add3A_747 = vector.broadcast %mul3A_723 : vector<160x1xf32> to vector<160x128xf32>
    %add3A_748 = arith.addf %mul3A, %add3A_747 : vector<160x128xf32>
    %sub3A_749 = arith.subf %add3A_748, %mul3A_746 : vector<160x128xf32>
    %div3A_750 = arith.divf %mul3A_746, %sub3A_749 : vector<160x128xf32>
    %gt3A_751 = arith.cmpf ogt, %div3A_750, %select_n3A_699 : vector<160x128xf32>
    %select_n3A_752 = arith.select %gt3A_751, %div3A_750, %select_n3A_699 : vector<160x128xi1>, vector<160x128xf32>
    %jit3A_753 = arith.constant 14 : i32
    %broadcast_in_dim3A_754 = vector.broadcast %jit3A_753 : i32 to vector<160x128xi32>
    %select_n3A_755 = arith.select %gt3A_751, %broadcast_in_dim3A_754, %select_n3A_702 : vector<160x128xi1>, vector<160x128xi32>
    %get3A_756 = arith.constant 0 : index
    %get3A_757 = arith.constant 15 : index
    %get3A_758 = vector.load %arg4[%get3A_756, %get3A_757] : memref<160x32xf32, #tpu.memory_space<vmem>>, vector<160x1xf32>
    %get3A_759 = arith.constant 0 : index
    %get3A_760 = arith.constant 15 : index
    %get3A_761 = vector.load %arg5[%get3A_759, %get3A_760] : memref<160x32xf32, #tpu.memory_space<vmem>>, vector<160x1xf32>
    %get3A_762 = arith.constant 0 : index
    %get3A_763 = arith.constant 15 : index
    %get3A_764 = vector.load %arg6[%get3A_762, %get3A_763] : memref<160x32xf32, #tpu.memory_space<vmem>>, vector<160x1xf32>
    %get3A_765 = arith.constant 0 : index
    %get3A_766 = arith.constant 15 : index
    %get3A_767 = vector.load %arg7[%get3A_765, %get3A_766] : memref<160x32xf32, #tpu.memory_space<vmem>>, vector<160x1xf32>
    %sub3A_768 = arith.subf %get3A_764, %get3A_758 : vector<160x1xf32>
    %add3A_769 = arith.constant 1.000000e+00 : f32
    %add3A_770 = vector.broadcast %add3A_769 : f32 to vector<160x1xf32>
    %add3A_771 = arith.addf %sub3A_768, %add3A_770 : vector<160x1xf32>
    %sub3A_772 = arith.subf %get3A_767, %get3A_761 : vector<160x1xf32>
    %add3A_773 = arith.constant 1.000000e+00 : f32
    %add3A_774 = vector.broadcast %add3A_773 : f32 to vector<160x1xf32>
    %add3A_775 = arith.addf %sub3A_772, %add3A_774 : vector<160x1xf32>
    %mul3A_776 = arith.mulf %add3A_771, %add3A_775 : vector<160x1xf32>
    %min3A_777 = vector.broadcast %get3A_764 : vector<160x1xf32> to vector<160x128xf32>
    %min3A_778 = arith.minimumf %get3A_7, %min3A_777 : vector<160x128xf32>
    %max3A_779 = vector.broadcast %get3A_758 : vector<160x1xf32> to vector<160x128xf32>
    %max3A_780 = arith.maximumf %get3A_1, %max3A_779 : vector<160x128xf32>
    %sub3A_781 = arith.subf %min3A_778, %max3A_780 : vector<160x128xf32>
    %add3A_782 = arith.constant 1.000000e+00 : f32
    %add3A_783 = vector.broadcast %add3A_782 : f32 to vector<160x128xf32>
    %add3A_784 = arith.addf %sub3A_781, %add3A_783 : vector<160x128xf32>
    %min3A_785 = vector.broadcast %get3A_767 : vector<160x1xf32> to vector<160x128xf32>
    %min3A_786 = arith.minimumf %get3A_10, %min3A_785 : vector<160x128xf32>
    %max3A_787 = vector.broadcast %get3A_761 : vector<160x1xf32> to vector<160x128xf32>
    %max3A_788 = arith.maximumf %get3A_4, %max3A_787 : vector<160x128xf32>
    %sub3A_789 = arith.subf %min3A_786, %max3A_788 : vector<160x128xf32>
    %add3A_790 = arith.constant 1.000000e+00 : f32
    %add3A_791 = vector.broadcast %add3A_790 : f32 to vector<160x128xf32>
    %add3A_792 = arith.addf %sub3A_789, %add3A_791 : vector<160x128xf32>
    %max3A_793 = arith.constant 0.000000e+00 : f32
    %max3A_794 = vector.broadcast %max3A_793 : f32 to vector<160x128xf32>
    %max3A_795 = arith.maximumf %add3A_784, %max3A_794 : vector<160x128xf32>
    %max3A_796 = arith.constant 0.000000e+00 : f32
    %max3A_797 = vector.broadcast %max3A_796 : f32 to vector<160x128xf32>
    %max3A_798 = arith.maximumf %add3A_792, %max3A_797 : vector<160x128xf32>
    %mul3A_799 = arith.mulf %max3A_795, %max3A_798 : vector<160x128xf32>
    %add3A_800 = vector.broadcast %mul3A_776 : vector<160x1xf32> to vector<160x128xf32>
    %add3A_801 = arith.addf %mul3A, %add3A_800 : vector<160x128xf32>
    %sub3A_802 = arith.subf %add3A_801, %mul3A_799 : vector<160x128xf32>
    %div3A_803 = arith.divf %mul3A_799, %sub3A_802 : vector<160x128xf32>
    %gt3A_804 = arith.cmpf ogt, %div3A_803, %select_n3A_752 : vector<160x128xf32>
    %select_n3A_805 = arith.select %gt3A_804, %div3A_803, %select_n3A_752 : vector<160x128xi1>, vector<160x128xf32>
    %jit3A_806 = arith.constant 15 : i32
    %broadcast_in_dim3A_807 = vector.broadcast %jit3A_806 : i32 to vector<160x128xi32>
    %select_n3A_808 = arith.select %gt3A_804, %broadcast_in_dim3A_807, %select_n3A_755 : vector<160x128xi1>, vector<160x128xi32>
    %get3A_809 = arith.constant 0 : index
    %get3A_810 = arith.constant 16 : index
    %get3A_811 = vector.load %arg4[%get3A_809, %get3A_810] : memref<160x32xf32, #tpu.memory_space<vmem>>, vector<160x1xf32>
    %get3A_812 = arith.constant 0 : index
    %get3A_813 = arith.constant 16 : index
    %get3A_814 = vector.load %arg5[%get3A_812, %get3A_813] : memref<160x32xf32, #tpu.memory_space<vmem>>, vector<160x1xf32>
    %get3A_815 = arith.constant 0 : index
    %get3A_816 = arith.constant 16 : index
    %get3A_817 = vector.load %arg6[%get3A_815, %get3A_816] : memref<160x32xf32, #tpu.memory_space<vmem>>, vector<160x1xf32>
    %get3A_818 = arith.constant 0 : index
    %get3A_819 = arith.constant 16 : index
    %get3A_820 = vector.load %arg7[%get3A_818, %get3A_819] : memref<160x32xf32, #tpu.memory_space<vmem>>, vector<160x1xf32>
    %sub3A_821 = arith.subf %get3A_817, %get3A_811 : vector<160x1xf32>
    %add3A_822 = arith.constant 1.000000e+00 : f32
    %add3A_823 = vector.broadcast %add3A_822 : f32 to vector<160x1xf32>
    %add3A_824 = arith.addf %sub3A_821, %add3A_823 : vector<160x1xf32>
    %sub3A_825 = arith.subf %get3A_820, %get3A_814 : vector<160x1xf32>
    %add3A_826 = arith.constant 1.000000e+00 : f32
    %add3A_827 = vector.broadcast %add3A_826 : f32 to vector<160x1xf32>
    %add3A_828 = arith.addf %sub3A_825, %add3A_827 : vector<160x1xf32>
    %mul3A_829 = arith.mulf %add3A_824, %add3A_828 : vector<160x1xf32>
    %min3A_830 = vector.broadcast %get3A_817 : vector<160x1xf32> to vector<160x128xf32>
    %min3A_831 = arith.minimumf %get3A_7, %min3A_830 : vector<160x128xf32>
    %max3A_832 = vector.broadcast %get3A_811 : vector<160x1xf32> to vector<160x128xf32>
    %max3A_833 = arith.maximumf %get3A_1, %max3A_832 : vector<160x128xf32>
    %sub3A_834 = arith.subf %min3A_831, %max3A_833 : vector<160x128xf32>
    %add3A_835 = arith.constant 1.000000e+00 : f32
    %add3A_836 = vector.broadcast %add3A_835 : f32 to vector<160x128xf32>
    %add3A_837 = arith.addf %sub3A_834, %add3A_836 : vector<160x128xf32>
    %min3A_838 = vector.broadcast %get3A_820 : vector<160x1xf32> to vector<160x128xf32>
    %min3A_839 = arith.minimumf %get3A_10, %min3A_838 : vector<160x128xf32>
    %max3A_840 = vector.broadcast %get3A_814 : vector<160x1xf32> to vector<160x128xf32>
    %max3A_841 = arith.maximumf %get3A_4, %max3A_840 : vector<160x128xf32>
    %sub3A_842 = arith.subf %min3A_839, %max3A_841 : vector<160x128xf32>
    %add3A_843 = arith.constant 1.000000e+00 : f32
    %add3A_844 = vector.broadcast %add3A_843 : f32 to vector<160x128xf32>
    %add3A_845 = arith.addf %sub3A_842, %add3A_844 : vector<160x128xf32>
    %max3A_846 = arith.constant 0.000000e+00 : f32
    %max3A_847 = vector.broadcast %max3A_846 : f32 to vector<160x128xf32>
    %max3A_848 = arith.maximumf %add3A_837, %max3A_847 : vector<160x128xf32>
    %max3A_849 = arith.constant 0.000000e+00 : f32
    %max3A_850 = vector.broadcast %max3A_849 : f32 to vector<160x128xf32>
    %max3A_851 = arith.maximumf %add3A_845, %max3A_850 : vector<160x128xf32>
    %mul3A_852 = arith.mulf %max3A_848, %max3A_851 : vector<160x128xf32>
    %add3A_853 = vector.broadcast %mul3A_829 : vector<160x1xf32> to vector<160x128xf32>
    %add3A_854 = arith.addf %mul3A, %add3A_853 : vector<160x128xf32>
    %sub3A_855 = arith.subf %add3A_854, %mul3A_852 : vector<160x128xf32>
    %div3A_856 = arith.divf %mul3A_852, %sub3A_855 : vector<160x128xf32>
    %gt3A_857 = arith.cmpf ogt, %div3A_856, %select_n3A_805 : vector<160x128xf32>
    %select_n3A_858 = arith.select %gt3A_857, %div3A_856, %select_n3A_805 : vector<160x128xi1>, vector<160x128xf32>
    %jit3A_859 = arith.constant 16 : i32
    %broadcast_in_dim3A_860 = vector.broadcast %jit3A_859 : i32 to vector<160x128xi32>
    %select_n3A_861 = arith.select %gt3A_857, %broadcast_in_dim3A_860, %select_n3A_808 : vector<160x128xi1>, vector<160x128xi32>
    %get3A_862 = arith.constant 0 : index
    %get3A_863 = arith.constant 17 : index
    %get3A_864 = vector.load %arg4[%get3A_862, %get3A_863] : memref<160x32xf32, #tpu.memory_space<vmem>>, vector<160x1xf32>
    %get3A_865 = arith.constant 0 : index
    %get3A_866 = arith.constant 17 : index
    %get3A_867 = vector.load %arg5[%get3A_865, %get3A_866] : memref<160x32xf32, #tpu.memory_space<vmem>>, vector<160x1xf32>
    %get3A_868 = arith.constant 0 : index
    %get3A_869 = arith.constant 17 : index
    %get3A_870 = vector.load %arg6[%get3A_868, %get3A_869] : memref<160x32xf32, #tpu.memory_space<vmem>>, vector<160x1xf32>
    %get3A_871 = arith.constant 0 : index
    %get3A_872 = arith.constant 17 : index
    %get3A_873 = vector.load %arg7[%get3A_871, %get3A_872] : memref<160x32xf32, #tpu.memory_space<vmem>>, vector<160x1xf32>
    %sub3A_874 = arith.subf %get3A_870, %get3A_864 : vector<160x1xf32>
    %add3A_875 = arith.constant 1.000000e+00 : f32
    %add3A_876 = vector.broadcast %add3A_875 : f32 to vector<160x1xf32>
    %add3A_877 = arith.addf %sub3A_874, %add3A_876 : vector<160x1xf32>
    %sub3A_878 = arith.subf %get3A_873, %get3A_867 : vector<160x1xf32>
    %add3A_879 = arith.constant 1.000000e+00 : f32
    %add3A_880 = vector.broadcast %add3A_879 : f32 to vector<160x1xf32>
    %add3A_881 = arith.addf %sub3A_878, %add3A_880 : vector<160x1xf32>
    %mul3A_882 = arith.mulf %add3A_877, %add3A_881 : vector<160x1xf32>
    %min3A_883 = vector.broadcast %get3A_870 : vector<160x1xf32> to vector<160x128xf32>
    %min3A_884 = arith.minimumf %get3A_7, %min3A_883 : vector<160x128xf32>
    %max3A_885 = vector.broadcast %get3A_864 : vector<160x1xf32> to vector<160x128xf32>
    %max3A_886 = arith.maximumf %get3A_1, %max3A_885 : vector<160x128xf32>
    %sub3A_887 = arith.subf %min3A_884, %max3A_886 : vector<160x128xf32>
    %add3A_888 = arith.constant 1.000000e+00 : f32
    %add3A_889 = vector.broadcast %add3A_888 : f32 to vector<160x128xf32>
    %add3A_890 = arith.addf %sub3A_887, %add3A_889 : vector<160x128xf32>
    %min3A_891 = vector.broadcast %get3A_873 : vector<160x1xf32> to vector<160x128xf32>
    %min3A_892 = arith.minimumf %get3A_10, %min3A_891 : vector<160x128xf32>
    %max3A_893 = vector.broadcast %get3A_867 : vector<160x1xf32> to vector<160x128xf32>
    %max3A_894 = arith.maximumf %get3A_4, %max3A_893 : vector<160x128xf32>
    %sub3A_895 = arith.subf %min3A_892, %max3A_894 : vector<160x128xf32>
    %add3A_896 = arith.constant 1.000000e+00 : f32
    %add3A_897 = vector.broadcast %add3A_896 : f32 to vector<160x128xf32>
    %add3A_898 = arith.addf %sub3A_895, %add3A_897 : vector<160x128xf32>
    %max3A_899 = arith.constant 0.000000e+00 : f32
    %max3A_900 = vector.broadcast %max3A_899 : f32 to vector<160x128xf32>
    %max3A_901 = arith.maximumf %add3A_890, %max3A_900 : vector<160x128xf32>
    %max3A_902 = arith.constant 0.000000e+00 : f32
    %max3A_903 = vector.broadcast %max3A_902 : f32 to vector<160x128xf32>
    %max3A_904 = arith.maximumf %add3A_898, %max3A_903 : vector<160x128xf32>
    %mul3A_905 = arith.mulf %max3A_901, %max3A_904 : vector<160x128xf32>
    %add3A_906 = vector.broadcast %mul3A_882 : vector<160x1xf32> to vector<160x128xf32>
    %add3A_907 = arith.addf %mul3A, %add3A_906 : vector<160x128xf32>
    %sub3A_908 = arith.subf %add3A_907, %mul3A_905 : vector<160x128xf32>
    %div3A_909 = arith.divf %mul3A_905, %sub3A_908 : vector<160x128xf32>
    %gt3A_910 = arith.cmpf ogt, %div3A_909, %select_n3A_858 : vector<160x128xf32>
    %select_n3A_911 = arith.select %gt3A_910, %div3A_909, %select_n3A_858 : vector<160x128xi1>, vector<160x128xf32>
    %jit3A_912 = arith.constant 17 : i32
    %broadcast_in_dim3A_913 = vector.broadcast %jit3A_912 : i32 to vector<160x128xi32>
    %select_n3A_914 = arith.select %gt3A_910, %broadcast_in_dim3A_913, %select_n3A_861 : vector<160x128xi1>, vector<160x128xi32>
    %get3A_915 = arith.constant 0 : index
    %get3A_916 = arith.constant 18 : index
    %get3A_917 = vector.load %arg4[%get3A_915, %get3A_916] : memref<160x32xf32, #tpu.memory_space<vmem>>, vector<160x1xf32>
    %get3A_918 = arith.constant 0 : index
    %get3A_919 = arith.constant 18 : index
    %get3A_920 = vector.load %arg5[%get3A_918, %get3A_919] : memref<160x32xf32, #tpu.memory_space<vmem>>, vector<160x1xf32>
    %get3A_921 = arith.constant 0 : index
    %get3A_922 = arith.constant 18 : index
    %get3A_923 = vector.load %arg6[%get3A_921, %get3A_922] : memref<160x32xf32, #tpu.memory_space<vmem>>, vector<160x1xf32>
    %get3A_924 = arith.constant 0 : index
    %get3A_925 = arith.constant 18 : index
    %get3A_926 = vector.load %arg7[%get3A_924, %get3A_925] : memref<160x32xf32, #tpu.memory_space<vmem>>, vector<160x1xf32>
    %sub3A_927 = arith.subf %get3A_923, %get3A_917 : vector<160x1xf32>
    %add3A_928 = arith.constant 1.000000e+00 : f32
    %add3A_929 = vector.broadcast %add3A_928 : f32 to vector<160x1xf32>
    %add3A_930 = arith.addf %sub3A_927, %add3A_929 : vector<160x1xf32>
    %sub3A_931 = arith.subf %get3A_926, %get3A_920 : vector<160x1xf32>
    %add3A_932 = arith.constant 1.000000e+00 : f32
    %add3A_933 = vector.broadcast %add3A_932 : f32 to vector<160x1xf32>
    %add3A_934 = arith.addf %sub3A_931, %add3A_933 : vector<160x1xf32>
    %mul3A_935 = arith.mulf %add3A_930, %add3A_934 : vector<160x1xf32>
    %min3A_936 = vector.broadcast %get3A_923 : vector<160x1xf32> to vector<160x128xf32>
    %min3A_937 = arith.minimumf %get3A_7, %min3A_936 : vector<160x128xf32>
    %max3A_938 = vector.broadcast %get3A_917 : vector<160x1xf32> to vector<160x128xf32>
    %max3A_939 = arith.maximumf %get3A_1, %max3A_938 : vector<160x128xf32>
    %sub3A_940 = arith.subf %min3A_937, %max3A_939 : vector<160x128xf32>
    %add3A_941 = arith.constant 1.000000e+00 : f32
    %add3A_942 = vector.broadcast %add3A_941 : f32 to vector<160x128xf32>
    %add3A_943 = arith.addf %sub3A_940, %add3A_942 : vector<160x128xf32>
    %min3A_944 = vector.broadcast %get3A_926 : vector<160x1xf32> to vector<160x128xf32>
    %min3A_945 = arith.minimumf %get3A_10, %min3A_944 : vector<160x128xf32>
    %max3A_946 = vector.broadcast %get3A_920 : vector<160x1xf32> to vector<160x128xf32>
    %max3A_947 = arith.maximumf %get3A_4, %max3A_946 : vector<160x128xf32>
    %sub3A_948 = arith.subf %min3A_945, %max3A_947 : vector<160x128xf32>
    %add3A_949 = arith.constant 1.000000e+00 : f32
    %add3A_950 = vector.broadcast %add3A_949 : f32 to vector<160x128xf32>
    %add3A_951 = arith.addf %sub3A_948, %add3A_950 : vector<160x128xf32>
    %max3A_952 = arith.constant 0.000000e+00 : f32
    %max3A_953 = vector.broadcast %max3A_952 : f32 to vector<160x128xf32>
    %max3A_954 = arith.maximumf %add3A_943, %max3A_953 : vector<160x128xf32>
    %max3A_955 = arith.constant 0.000000e+00 : f32
    %max3A_956 = vector.broadcast %max3A_955 : f32 to vector<160x128xf32>
    %max3A_957 = arith.maximumf %add3A_951, %max3A_956 : vector<160x128xf32>
    %mul3A_958 = arith.mulf %max3A_954, %max3A_957 : vector<160x128xf32>
    %add3A_959 = vector.broadcast %mul3A_935 : vector<160x1xf32> to vector<160x128xf32>
    %add3A_960 = arith.addf %mul3A, %add3A_959 : vector<160x128xf32>
    %sub3A_961 = arith.subf %add3A_960, %mul3A_958 : vector<160x128xf32>
    %div3A_962 = arith.divf %mul3A_958, %sub3A_961 : vector<160x128xf32>
    %gt3A_963 = arith.cmpf ogt, %div3A_962, %select_n3A_911 : vector<160x128xf32>
    %select_n3A_964 = arith.select %gt3A_963, %div3A_962, %select_n3A_911 : vector<160x128xi1>, vector<160x128xf32>
    %jit3A_965 = arith.constant 18 : i32
    %broadcast_in_dim3A_966 = vector.broadcast %jit3A_965 : i32 to vector<160x128xi32>
    %select_n3A_967 = arith.select %gt3A_963, %broadcast_in_dim3A_966, %select_n3A_914 : vector<160x128xi1>, vector<160x128xi32>
    %get3A_968 = arith.constant 0 : index
    %get3A_969 = arith.constant 19 : index
    %get3A_970 = vector.load %arg4[%get3A_968, %get3A_969] : memref<160x32xf32, #tpu.memory_space<vmem>>, vector<160x1xf32>
    %get3A_971 = arith.constant 0 : index
    %get3A_972 = arith.constant 19 : index
    %get3A_973 = vector.load %arg5[%get3A_971, %get3A_972] : memref<160x32xf32, #tpu.memory_space<vmem>>, vector<160x1xf32>
    %get3A_974 = arith.constant 0 : index
    %get3A_975 = arith.constant 19 : index
    %get3A_976 = vector.load %arg6[%get3A_974, %get3A_975] : memref<160x32xf32, #tpu.memory_space<vmem>>, vector<160x1xf32>
    %get3A_977 = arith.constant 0 : index
    %get3A_978 = arith.constant 19 : index
    %get3A_979 = vector.load %arg7[%get3A_977, %get3A_978] : memref<160x32xf32, #tpu.memory_space<vmem>>, vector<160x1xf32>
    %sub3A_980 = arith.subf %get3A_976, %get3A_970 : vector<160x1xf32>
    %add3A_981 = arith.constant 1.000000e+00 : f32
    %add3A_982 = vector.broadcast %add3A_981 : f32 to vector<160x1xf32>
    %add3A_983 = arith.addf %sub3A_980, %add3A_982 : vector<160x1xf32>
    %sub3A_984 = arith.subf %get3A_979, %get3A_973 : vector<160x1xf32>
    %add3A_985 = arith.constant 1.000000e+00 : f32
    %add3A_986 = vector.broadcast %add3A_985 : f32 to vector<160x1xf32>
    %add3A_987 = arith.addf %sub3A_984, %add3A_986 : vector<160x1xf32>
    %mul3A_988 = arith.mulf %add3A_983, %add3A_987 : vector<160x1xf32>
    %min3A_989 = vector.broadcast %get3A_976 : vector<160x1xf32> to vector<160x128xf32>
    %min3A_990 = arith.minimumf %get3A_7, %min3A_989 : vector<160x128xf32>
    %max3A_991 = vector.broadcast %get3A_970 : vector<160x1xf32> to vector<160x128xf32>
    %max3A_992 = arith.maximumf %get3A_1, %max3A_991 : vector<160x128xf32>
    %sub3A_993 = arith.subf %min3A_990, %max3A_992 : vector<160x128xf32>
    %add3A_994 = arith.constant 1.000000e+00 : f32
    %add3A_995 = vector.broadcast %add3A_994 : f32 to vector<160x128xf32>
    %add3A_996 = arith.addf %sub3A_993, %add3A_995 : vector<160x128xf32>
    %min3A_997 = vector.broadcast %get3A_979 : vector<160x1xf32> to vector<160x128xf32>
    %min3A_998 = arith.minimumf %get3A_10, %min3A_997 : vector<160x128xf32>
    %max3A_999 = vector.broadcast %get3A_973 : vector<160x1xf32> to vector<160x128xf32>
    %max3A_1000 = arith.maximumf %get3A_4, %max3A_999 : vector<160x128xf32>
    %sub3A_1001 = arith.subf %min3A_998, %max3A_1000 : vector<160x128xf32>
    %add3A_1002 = arith.constant 1.000000e+00 : f32
    %add3A_1003 = vector.broadcast %add3A_1002 : f32 to vector<160x128xf32>
    %add3A_1004 = arith.addf %sub3A_1001, %add3A_1003 : vector<160x128xf32>
    %max3A_1005 = arith.constant 0.000000e+00 : f32
    %max3A_1006 = vector.broadcast %max3A_1005 : f32 to vector<160x128xf32>
    %max3A_1007 = arith.maximumf %add3A_996, %max3A_1006 : vector<160x128xf32>
    %max3A_1008 = arith.constant 0.000000e+00 : f32
    %max3A_1009 = vector.broadcast %max3A_1008 : f32 to vector<160x128xf32>
    %max3A_1010 = arith.maximumf %add3A_1004, %max3A_1009 : vector<160x128xf32>
    %mul3A_1011 = arith.mulf %max3A_1007, %max3A_1010 : vector<160x128xf32>
    %add3A_1012 = vector.broadcast %mul3A_988 : vector<160x1xf32> to vector<160x128xf32>
    %add3A_1013 = arith.addf %mul3A, %add3A_1012 : vector<160x128xf32>
    %sub3A_1014 = arith.subf %add3A_1013, %mul3A_1011 : vector<160x128xf32>
    %div3A_1015 = arith.divf %mul3A_1011, %sub3A_1014 : vector<160x128xf32>
    %gt3A_1016 = arith.cmpf ogt, %div3A_1015, %select_n3A_964 : vector<160x128xf32>
    %select_n3A_1017 = arith.select %gt3A_1016, %div3A_1015, %select_n3A_964 : vector<160x128xi1>, vector<160x128xf32>
    %jit3A_1018 = arith.constant 19 : i32
    %broadcast_in_dim3A_1019 = vector.broadcast %jit3A_1018 : i32 to vector<160x128xi32>
    %select_n3A_1020 = arith.select %gt3A_1016, %broadcast_in_dim3A_1019, %select_n3A_967 : vector<160x128xi1>, vector<160x128xi32>
    %get3A_1021 = arith.constant 0 : index
    %get3A_1022 = arith.constant 20 : index
    %get3A_1023 = vector.load %arg4[%get3A_1021, %get3A_1022] : memref<160x32xf32, #tpu.memory_space<vmem>>, vector<160x1xf32>
    %get3A_1024 = arith.constant 0 : index
    %get3A_1025 = arith.constant 20 : index
    %get3A_1026 = vector.load %arg5[%get3A_1024, %get3A_1025] : memref<160x32xf32, #tpu.memory_space<vmem>>, vector<160x1xf32>
    %get3A_1027 = arith.constant 0 : index
    %get3A_1028 = arith.constant 20 : index
    %get3A_1029 = vector.load %arg6[%get3A_1027, %get3A_1028] : memref<160x32xf32, #tpu.memory_space<vmem>>, vector<160x1xf32>
    %get3A_1030 = arith.constant 0 : index
    %get3A_1031 = arith.constant 20 : index
    %get3A_1032 = vector.load %arg7[%get3A_1030, %get3A_1031] : memref<160x32xf32, #tpu.memory_space<vmem>>, vector<160x1xf32>
    %sub3A_1033 = arith.subf %get3A_1029, %get3A_1023 : vector<160x1xf32>
    %add3A_1034 = arith.constant 1.000000e+00 : f32
    %add3A_1035 = vector.broadcast %add3A_1034 : f32 to vector<160x1xf32>
    %add3A_1036 = arith.addf %sub3A_1033, %add3A_1035 : vector<160x1xf32>
    %sub3A_1037 = arith.subf %get3A_1032, %get3A_1026 : vector<160x1xf32>
    %add3A_1038 = arith.constant 1.000000e+00 : f32
    %add3A_1039 = vector.broadcast %add3A_1038 : f32 to vector<160x1xf32>
    %add3A_1040 = arith.addf %sub3A_1037, %add3A_1039 : vector<160x1xf32>
    %mul3A_1041 = arith.mulf %add3A_1036, %add3A_1040 : vector<160x1xf32>
    %min3A_1042 = vector.broadcast %get3A_1029 : vector<160x1xf32> to vector<160x128xf32>
    %min3A_1043 = arith.minimumf %get3A_7, %min3A_1042 : vector<160x128xf32>
    %max3A_1044 = vector.broadcast %get3A_1023 : vector<160x1xf32> to vector<160x128xf32>
    %max3A_1045 = arith.maximumf %get3A_1, %max3A_1044 : vector<160x128xf32>
    %sub3A_1046 = arith.subf %min3A_1043, %max3A_1045 : vector<160x128xf32>
    %add3A_1047 = arith.constant 1.000000e+00 : f32
    %add3A_1048 = vector.broadcast %add3A_1047 : f32 to vector<160x128xf32>
    %add3A_1049 = arith.addf %sub3A_1046, %add3A_1048 : vector<160x128xf32>
    %min3A_1050 = vector.broadcast %get3A_1032 : vector<160x1xf32> to vector<160x128xf32>
    %min3A_1051 = arith.minimumf %get3A_10, %min3A_1050 : vector<160x128xf32>
    %max3A_1052 = vector.broadcast %get3A_1026 : vector<160x1xf32> to vector<160x128xf32>
    %max3A_1053 = arith.maximumf %get3A_4, %max3A_1052 : vector<160x128xf32>
    %sub3A_1054 = arith.subf %min3A_1051, %max3A_1053 : vector<160x128xf32>
    %add3A_1055 = arith.constant 1.000000e+00 : f32
    %add3A_1056 = vector.broadcast %add3A_1055 : f32 to vector<160x128xf32>
    %add3A_1057 = arith.addf %sub3A_1054, %add3A_1056 : vector<160x128xf32>
    %max3A_1058 = arith.constant 0.000000e+00 : f32
    %max3A_1059 = vector.broadcast %max3A_1058 : f32 to vector<160x128xf32>
    %max3A_1060 = arith.maximumf %add3A_1049, %max3A_1059 : vector<160x128xf32>
    %max3A_1061 = arith.constant 0.000000e+00 : f32
    %max3A_1062 = vector.broadcast %max3A_1061 : f32 to vector<160x128xf32>
    %max3A_1063 = arith.maximumf %add3A_1057, %max3A_1062 : vector<160x128xf32>
    %mul3A_1064 = arith.mulf %max3A_1060, %max3A_1063 : vector<160x128xf32>
    %add3A_1065 = vector.broadcast %mul3A_1041 : vector<160x1xf32> to vector<160x128xf32>
    %add3A_1066 = arith.addf %mul3A, %add3A_1065 : vector<160x128xf32>
    %sub3A_1067 = arith.subf %add3A_1066, %mul3A_1064 : vector<160x128xf32>
    %div3A_1068 = arith.divf %mul3A_1064, %sub3A_1067 : vector<160x128xf32>
    %gt3A_1069 = arith.cmpf ogt, %div3A_1068, %select_n3A_1017 : vector<160x128xf32>
    %select_n3A_1070 = arith.select %gt3A_1069, %div3A_1068, %select_n3A_1017 : vector<160x128xi1>, vector<160x128xf32>
    %jit3A_1071 = arith.constant 20 : i32
    %broadcast_in_dim3A_1072 = vector.broadcast %jit3A_1071 : i32 to vector<160x128xi32>
    %select_n3A_1073 = arith.select %gt3A_1069, %broadcast_in_dim3A_1072, %select_n3A_1020 : vector<160x128xi1>, vector<160x128xi32>
    %iota3A = tpu.iota {dimensions = array<i32: 0>} : vector<160x128xi32>
    %iota3A_1074 = tpu.iota {dimensions = array<i32: 1>} : vector<160x128xi32>
    %rem3A = arith.constant 40 : i32
    %rem3A_1075 = vector.broadcast %rem3A : i32 to vector<160x128xi32>
    %rem3A_1076 = arith.remsi %iota3A, %rem3A_1075 : vector<160x128xi32>
    %mul3A_1077 = arith.constant 128 : i32
    %mul3A_1078 = vector.broadcast %mul3A_1077 : i32 to vector<160x128xi32>
    %mul3A_1079 = arith.muli %rem3A_1076, %mul3A_1078 : vector<160x128xi32>
    %add3A_1080 = arith.addi %mul3A_1079, %iota3A_1074 : vector<160x128xi32>
    %ge3A = arith.constant 5020 : i32
    %ge3A_1081 = vector.broadcast %ge3A : i32 to vector<160x128xi32>
    %ge3A_1082 = arith.cmpi sge, %add3A_1080, %ge3A_1081 : vector<160x128xi32>
    %jit3A_1083 = arith.constant -1.000000e+00 : f32
    %broadcast_in_dim3A_1084 = vector.broadcast %jit3A_1083 : f32 to vector<160x128xf32>
    %select_n3A_1085 = arith.select %ge3A_1082, %broadcast_in_dim3A_1084, %select_n3A_1070 : vector<160x128xi1>, vector<160x128xf32>
    %swap3A = arith.constant 0 : index
    %swap3A_1086 = arith.constant 0 : index
    %swap3A_1087 = vector.load %arg8[%swap3A, %swap3A_1086] : memref<160x128xf32, #tpu.memory_space<vmem>>, vector<160x128xf32>
    tpu.vector_store %arg8[%swap3A, %swap3A_1086], %select_n3A_1085 {strides = array<i32>} : memref<160x128xf32, #tpu.memory_space<vmem>>, vector<160x128xf32>,
    %swap3A_1088 = arith.constant 0 : index
    %swap3A_1089 = arith.constant 0 : index
    %swap3A_1090 = vector.load %arg9[%swap3A_1088, %swap3A_1089] : memref<160x128xi32, #tpu.memory_space<vmem>>, vector<160x128xi32>
    tpu.vector_store %arg9[%swap3A_1088, %swap3A_1089], %select_n3A_1073 {strides = array<i32>} : memref<160x128xi32, #tpu.memory_space<vmem>>, vector<160x128xi32>,
    return
  }
}

module attributes {stable_mosaic.version = 14 : i64} {
  func.func @_tc_body(%arg0: memref<36x128xf32, #tpu.memory_space<vmem>>, %arg1: memref<4x128x5xf32, #tpu.memory_space<vmem>>, %arg2: memref<4x128xf32, #tpu.memory_space<vmem>>, %arg3: memref<4x128x4xf32, #tpu.memory_space<vmem>>, %arg4: memref<4x128x4xf32, #tpu.memory_space<vmem>>, %arg5: memref<4x128x4xf32, #tpu.memory_space<vmem>>) attributes {dimension_semantics = [], scalar_prefetch = 0 : i64, scratch_operands = 0 : i64, tpu.core_type = #tpu.core_type<tc>} {
    %get3A = arith.constant 0 : index
    %get3A_0 = arith.constant 0 : index
    %get3A_1 = vector.load %arg0[%get3A, %get3A_0] : memref<36x128xf32, #tpu.memory_space<vmem>>, vector<4x128xf32>
    %get3A_2 = arith.constant 4 : index
    %get3A_3 = arith.constant 0 : index
    %get3A_4 = vector.load %arg0[%get3A_2, %get3A_3] : memref<36x128xf32, #tpu.memory_space<vmem>>, vector<4x128xf32>
    %get3A_5 = arith.constant 8 : index
    %get3A_6 = arith.constant 0 : index
    %get3A_7 = vector.load %arg0[%get3A_5, %get3A_6] : memref<36x128xf32, #tpu.memory_space<vmem>>, vector<4x128xf32>
    %get3A_8 = arith.constant 12 : index
    %get3A_9 = arith.constant 0 : index
    %get3A_10 = vector.load %arg0[%get3A_8, %get3A_9] : memref<36x128xf32, #tpu.memory_space<vmem>>, vector<4x128xf32>
    %sub3A = arith.subf %get3A_7, %get3A_1 : vector<4x128xf32>
    %add3A = arith.constant 1.000000e+00 : f32
    %add3A_11 = vector.broadcast %add3A : f32 to vector<4x128xf32>
    %add3A_12 = arith.addf %sub3A, %add3A_11 : vector<4x128xf32>
    %sub3A_13 = arith.subf %get3A_10, %get3A_4 : vector<4x128xf32>
    %add3A_14 = arith.constant 1.000000e+00 : f32
    %add3A_15 = vector.broadcast %add3A_14 : f32 to vector<4x128xf32>
    %add3A_16 = arith.addf %sub3A_13, %add3A_15 : vector<4x128xf32>
    %mul3A = arith.constant 5.000000e-01 : f32
    %mul3A_17 = vector.broadcast %mul3A : f32 to vector<4x128xf32>
    %mul3A_18 = arith.mulf %mul3A_17, %add3A_12 : vector<4x128xf32>
    %add3A_19 = arith.addf %get3A_1, %mul3A_18 : vector<4x128xf32>
    %mul3A_20 = arith.constant 5.000000e-01 : f32
    %mul3A_21 = vector.broadcast %mul3A_20 : f32 to vector<4x128xf32>
    %mul3A_22 = arith.mulf %mul3A_21, %add3A_16 : vector<4x128xf32>
    %add3A_23 = arith.addf %get3A_4, %mul3A_22 : vector<4x128xf32>
    %get3A_24 = arith.constant 20 : index
    %get3A_25 = arith.constant 0 : index
    %get3A_26 = vector.load %arg0[%get3A_24, %get3A_25] : memref<36x128xf32, #tpu.memory_space<vmem>>, vector<4x128xf32>
    %get3A_27 = arith.constant 24 : index
    %get3A_28 = arith.constant 0 : index
    %get3A_29 = vector.load %arg0[%get3A_27, %get3A_28] : memref<36x128xf32, #tpu.memory_space<vmem>>, vector<4x128xf32>
    %get3A_30 = arith.constant 28 : index
    %get3A_31 = arith.constant 0 : index
    %get3A_32 = vector.load %arg0[%get3A_30, %get3A_31] : memref<36x128xf32, #tpu.memory_space<vmem>>, vector<4x128xf32>
    %get3A_33 = arith.constant 32 : index
    %get3A_34 = arith.constant 0 : index
    %get3A_35 = vector.load %arg0[%get3A_33, %get3A_34] : memref<36x128xf32, #tpu.memory_space<vmem>>, vector<4x128xf32>
    %sub3A_36 = arith.subf %get3A_32, %get3A_26 : vector<4x128xf32>
    %add3A_37 = arith.constant 1.000000e+00 : f32
    %add3A_38 = vector.broadcast %add3A_37 : f32 to vector<4x128xf32>
    %add3A_39 = arith.addf %sub3A_36, %add3A_38 : vector<4x128xf32>
    %sub3A_40 = arith.subf %get3A_35, %get3A_29 : vector<4x128xf32>
    %add3A_41 = arith.constant 1.000000e+00 : f32
    %add3A_42 = vector.broadcast %add3A_41 : f32 to vector<4x128xf32>
    %add3A_43 = arith.addf %sub3A_40, %add3A_42 : vector<4x128xf32>
    %mul3A_44 = arith.constant 5.000000e-01 : f32
    %mul3A_45 = vector.broadcast %mul3A_44 : f32 to vector<4x128xf32>
    %mul3A_46 = arith.mulf %mul3A_45, %add3A_39 : vector<4x128xf32>
    %add3A_47 = arith.addf %get3A_26, %mul3A_46 : vector<4x128xf32>
    %mul3A_48 = arith.constant 5.000000e-01 : f32
    %mul3A_49 = vector.broadcast %mul3A_48 : f32 to vector<4x128xf32>
    %mul3A_50 = arith.mulf %mul3A_49, %add3A_43 : vector<4x128xf32>
    %add3A_51 = arith.addf %get3A_29, %mul3A_50 : vector<4x128xf32>
    %sub3A_52 = arith.subf %add3A_47, %add3A_19 : vector<4x128xf32>
    %div3A = arith.divf %sub3A_52, %add3A_12 : vector<4x128xf32>
    %div3A_53 = arith.constant 1.000000e-01 : f32
    %div3A_54 = vector.broadcast %div3A_53 : f32 to vector<4x128xf32>
    %div3A_55 = arith.divf %div3A, %div3A_54 : vector<4x128xf32>
    %sub3A_56 = arith.subf %add3A_51, %add3A_23 : vector<4x128xf32>
    %div3A_57 = arith.divf %sub3A_56, %add3A_16 : vector<4x128xf32>
    %div3A_58 = arith.constant 1.000000e-01 : f32
    %div3A_59 = vector.broadcast %div3A_58 : f32 to vector<4x128xf32>
    %div3A_60 = arith.divf %div3A_57, %div3A_59 : vector<4x128xf32>
    %div3A_61 = arith.divf %add3A_39, %add3A_12 : vector<4x128xf32>
    %log3A = math.log %div3A_61 : vector<4x128xf32>
    %div3A_62 = arith.constant 2.000000e-01 : f32
    %div3A_63 = vector.broadcast %div3A_62 : f32 to vector<4x128xf32>
    %div3A_64 = arith.divf %log3A, %div3A_63 : vector<4x128xf32>
    %div3A_65 = arith.divf %add3A_43, %add3A_16 : vector<4x128xf32>
    %log3A_66 = math.log %div3A_65 : vector<4x128xf32>
    %div3A_67 = arith.constant 2.000000e-01 : f32
    %div3A_68 = vector.broadcast %div3A_67 : f32 to vector<4x128xf32>
    %div3A_69 = arith.divf %log3A_66, %div3A_68 : vector<4x128xf32>
    %get3A_70 = arith.constant 16 : index
    %get3A_71 = arith.constant 0 : index
    %get3A_72 = vector.load %arg0[%get3A_70, %get3A_71] : memref<36x128xf32, #tpu.memory_space<vmem>>, vector<4x128xf32>
    %gt3A = arith.constant 0.000000e+00 : f32
    %gt3A_73 = vector.broadcast %gt3A : f32 to vector<4x128xf32>
    %gt3A_74 = arith.cmpf ogt, %get3A_72, %gt3A_73 : vector<4x128xf32>
    %jit3A = arith.constant 1.000000e+00 : f32
    %jit3A_75 = arith.constant 0.000000e+00 : f32
    %broadcast_in_dim3A = vector.broadcast %jit3A : f32 to vector<4x128xf32>
    %broadcast_in_dim3A_76 = vector.broadcast %jit3A_75 : f32 to vector<4x128xf32>
    %select_n3A = arith.select %gt3A_74, %broadcast_in_dim3A, %broadcast_in_dim3A_76 : vector<4x128xi1>, vector<4x128xf32>
    %iota3A = tpu.iota {dimensions = array<i32: 0>} : vector<4x128xi32>
    %convert_element_type3A = arith.sitofp %iota3A : vector<4x128xi32> to vector<4x128xf32>
    %stack3A = vector.shape_cast %convert_element_type3A : vector<4x128xf32> to vector<4x128x1xf32>
    %stack3A_77 = vector.shape_cast %get3A_1 : vector<4x128xf32> to vector<4x128x1xf32>
    %stack3A_78 = vector.shape_cast %get3A_4 : vector<4x128xf32> to vector<4x128x1xf32>
    %stack3A_79 = vector.shape_cast %get3A_7 : vector<4x128xf32> to vector<4x128x1xf32>
    %stack3A_80 = vector.shape_cast %get3A_10 : vector<4x128xf32> to vector<4x128x1xf32>
    %stack3A_81 = tpu.concatenate %stack3A, %stack3A_77, %stack3A_78, %stack3A_79, %stack3A_80 in 2 : vector<4x128x1xf32>, vector<4x128x1xf32>, vector<4x128x1xf32>, vector<4x128x1xf32>, vector<4x128x1xf32> -> vector<4x128x5xf32>
    %swap3A = arith.constant 0 : index
    %swap3A_82 = arith.constant 0 : index
    %swap3A_83 = arith.constant 0 : index
    %swap3A_84 = vector.load %arg1[%swap3A, %swap3A_82, %swap3A_83] : memref<4x128x5xf32, #tpu.memory_space<vmem>>, vector<4x128x5xf32>
    tpu.vector_store %arg1[%swap3A, %swap3A_82, %swap3A_83], %stack3A_81 {strides = array<i32>} : memref<4x128x5xf32, #tpu.memory_space<vmem>>, vector<4x128x5xf32>,
    %swap3A_85 = arith.constant 0 : index
    %swap3A_86 = arith.constant 0 : index
    %swap3A_87 = vector.load %arg2[%swap3A_85, %swap3A_86] : memref<4x128xf32, #tpu.memory_space<vmem>>, vector<4x128xf32>
    tpu.vector_store %arg2[%swap3A_85, %swap3A_86], %get3A_72 {strides = array<i32>} : memref<4x128xf32, #tpu.memory_space<vmem>>, vector<4x128xf32>,
    %jit3A_88 = arith.constant 0.000000e+00 : f32
    %broadcast_in_dim3A_89 = vector.broadcast %jit3A_88 : f32 to vector<4x128xf32>
    %select_n3A_90 = arith.select %gt3A_74, %div3A_55, %broadcast_in_dim3A_89 : vector<4x128xi1>, vector<4x128xf32>
    %jit3A_91 = arith.constant 0.000000e+00 : f32
    %broadcast_in_dim3A_92 = vector.broadcast %jit3A_91 : f32 to vector<4x128xf32>
    %select_n3A_93 = arith.select %gt3A_74, %div3A_60, %broadcast_in_dim3A_92 : vector<4x128xi1>, vector<4x128xf32>
    %jit3A_94 = arith.constant 0.000000e+00 : f32
    %broadcast_in_dim3A_95 = vector.broadcast %jit3A_94 : f32 to vector<4x128xf32>
    %select_n3A_96 = arith.select %gt3A_74, %div3A_64, %broadcast_in_dim3A_95 : vector<4x128xi1>, vector<4x128xf32>
    %jit3A_97 = arith.constant 0.000000e+00 : f32
    %broadcast_in_dim3A_98 = vector.broadcast %jit3A_97 : f32 to vector<4x128xf32>
    %select_n3A_99 = arith.select %gt3A_74, %div3A_69, %broadcast_in_dim3A_98 : vector<4x128xi1>, vector<4x128xf32>
    %stack3A_100 = vector.shape_cast %select_n3A_90 : vector<4x128xf32> to vector<4x128x1xf32>
    %stack3A_101 = vector.shape_cast %select_n3A_93 : vector<4x128xf32> to vector<4x128x1xf32>
    %stack3A_102 = vector.shape_cast %select_n3A_96 : vector<4x128xf32> to vector<4x128x1xf32>
    %stack3A_103 = vector.shape_cast %select_n3A_99 : vector<4x128xf32> to vector<4x128x1xf32>
    %stack3A_104 = tpu.concatenate %stack3A_100, %stack3A_101, %stack3A_102, %stack3A_103 in 2 : vector<4x128x1xf32>, vector<4x128x1xf32>, vector<4x128x1xf32>, vector<4x128x1xf32> -> vector<4x128x4xf32>
    %swap3A_105 = arith.constant 0 : index
    %swap3A_106 = arith.constant 0 : index
    %swap3A_107 = arith.constant 0 : index
    %swap3A_108 = vector.load %arg3[%swap3A_105, %swap3A_106, %swap3A_107] : memref<4x128x4xf32, #tpu.memory_space<vmem>>, vector<4x128x4xf32>
    tpu.vector_store %arg3[%swap3A_105, %swap3A_106, %swap3A_107], %stack3A_104 {strides = array<i32>} : memref<4x128x4xf32, #tpu.memory_space<vmem>>, vector<4x128x4xf32>,
    %stack3A_109 = vector.shape_cast %select_n3A : vector<4x128xf32> to vector<4x128x1xf32>
    %stack3A_110 = vector.shape_cast %select_n3A : vector<4x128xf32> to vector<4x128x1xf32>
    %stack3A_111 = vector.shape_cast %select_n3A : vector<4x128xf32> to vector<4x128x1xf32>
    %stack3A_112 = vector.shape_cast %select_n3A : vector<4x128xf32> to vector<4x128x1xf32>
    %stack3A_113 = tpu.concatenate %stack3A_109, %stack3A_110, %stack3A_111, %stack3A_112 in 2 : vector<4x128x1xf32>, vector<4x128x1xf32>, vector<4x128x1xf32>, vector<4x128x1xf32> -> vector<4x128x4xf32>
    %swap3A_114 = arith.constant 0 : index
    %swap3A_115 = arith.constant 0 : index
    %swap3A_116 = arith.constant 0 : index
    %swap3A_117 = vector.load %arg4[%swap3A_114, %swap3A_115, %swap3A_116] : memref<4x128x4xf32, #tpu.memory_space<vmem>>, vector<4x128x4xf32>
    tpu.vector_store %arg4[%swap3A_114, %swap3A_115, %swap3A_116], %stack3A_113 {strides = array<i32>} : memref<4x128x4xf32, #tpu.memory_space<vmem>>, vector<4x128x4xf32>,
    %swap3A_118 = arith.constant 0 : index
    %swap3A_119 = arith.constant 0 : index
    %swap3A_120 = arith.constant 0 : index
    %swap3A_121 = vector.load %arg5[%swap3A_118, %swap3A_119, %swap3A_120] : memref<4x128x4xf32, #tpu.memory_space<vmem>>, vector<4x128x4xf32>
    tpu.vector_store %arg5[%swap3A_118, %swap3A_119, %swap3A_120], %stack3A_113 {strides = array<i32>} : memref<4x128x4xf32, #tpu.memory_space<vmem>>, vector<4x128x4xf32>,
    return
  }
}

</mosaic_0001>

<sc_bundles>
// kernel: kernel.5.cloned.1.call-start
scs
__scs_entry_jumppad:
0x0: {  	(pc) =	sbr.rel $0x88, $3  }
0x1: {  	(tag) =	ssettag $0x0;
	lr =	simm.s32 $0x1  }
0x2: {  	[smem:$0x3F9F] =	sst lr;
	_ =	strace $0xD0000000  }
0x3: {  	_ = 	snop  }
0x4: {  	_ = 	snop  }
0x5: {  	_ = 	snop  }
0x6: {  	_ = 	snop  }
0x7: {  	_ = 	snop  }
__scs_overlays_trampoline_lowered:
0x8: {  	[smem:$0x3FAE] =	sst s0  }
0x9: {  	[smem:$0x3FAF] =	sst s1  }
0xa: {  	[smem:$0x3FB0] =	sst s2  }
0xb: {  	[smem:$0x3FB1] =	sst s3  }
0xc: {  	[smem:$0x3FB2] =	sst s4  }
0xd: {  	[smem:$0x3FB3] =	sst s5  }
0xe: {  	[smem:$0x3FB4] =	sst s6  }
0xf: {  	[smem:$0x3FB5] =	sst s7  }
0x10: {  	[smem:$0x3FB6] =	sst s8  }
0x11: {  	[smem:$0x3FB7] =	sst s9;
	s0 =	simm.s32 @!p0 $0x0  }
0x12: {  	s1 =	sld [smem:$0x3F9D];
	s0 =	simm.s32 @p0 $0x1  }
0x13: {  	[smem:$0x3FB8] =	sst s0;
	s0 =	simm.s32 @!p1 $0x0  }
0x14: {  	s2 =	sld [smem:$0x3F9C];
	s0 =	simm.s32 @p1 $0x1  }
0x15: {  	[smem:$0x3FB9] =	sst s0;
	s0 =	simm.s32 @!p2 $0x0  }
0x16: {  	s3 =	sld [smem:$0x3FDB];
	s0 =	simm.s32 @p2 $0x1  }
0x17: {  	s4 =	simm.s32 $0x1BF5;
	[smem:$0x3FBB] =	sst s0  }
0x18: {  	s0 =	sld [smem:$0x3F9E];
	_ =	swait.ge [sflag:s4], $0x0  }
0x19: {  	s7 =	sld [smem:$0x3F9F]  }
0x1a: {  	s8 =	sadd.s32 $0xFFFFE003, lr  }
0x1b: {  	s9 =	sadd.s32 $0xFFFFFEF7, lr;
	s5 =	simm.s32 $0xFFFFFFFF;
	p2 =	slt.u32 s8, $0xFFFFF086  }
0x1c: {  	p1 =	slt.u32 s9, $0xF7A;
	s5 =	simm.s32 @!p2 $0x0  }
0x1d: {  	s5 =	simm.s32 @p1 $0x1;
	p0 =	seq.s32 s7, s2  }
0x1e: {  	s7 =	smul.u32 @!p0 $0xF7A, s2;
	p2 =	seq.s32 @!p0 s5, $0x0  }
0x1f: {  	s9 =	smul.u32 $0xF7A, s1;
	s8 =	simm.s32 @!p0 $0x1BF5;
	p2 =	por !p2, p0  }
0x20: {  	[sflag:s8] =	ssyncset.s32 @!p0 $0xFFFFF086;
	s6 =	sadd.s32 @!p0 s3, s7;
	s7 =	simm.s32 @!p0 $0x108  }
0x21: {  	s3 =	sadd.s32 s3, s9;
	s6 =	sadd.s32 @!p0 $0x88, s6;
	s7 =	simm.s32 @p2 $0x1082  }
0x22: {  	[simem:s7], [sflag:s8] =	dma.local @!p0 [hbm:s6], $0xF7A  }
0x23: {  	s9 =	sor.u32 $0xD0000000, s2;
	s6 =	simm.s32 $0x108;
	_ =	swait.ge @!p0 [sflag:s8], $0x0  }
0x24: {  	s3 =	sadd.s32 $0x88, s3;
	s6 =	simm.s32 @!p1 $0x1082;
	[sflag:s4] =	ssyncset.s32 $0xFFFFF086  }
0x25: {  	[simem:s6], [sflag:s4] =	dma.local [hbm:s3], $0xF7A  }
0x26: {  	[smem:$0x3F9F] =	sst s1;
	(tag) =	ssettag s2;
	_ =	strace s9  }
0x27: {  	s1 =	sld [smem:$0x3FAF]  }
0x28: {  	s2 =	sld [smem:$0x3FB0]  }
0x29: {  	s4 =	sld [smem:$0x3FB2]  }
0x2a: {  	p0 =	seq.s32 s5, $0x0;
	s5 =	sld [smem:$0x3FB3]  }
0x2b: {  	s6 =	sld [smem:$0x3FB4]  }
0x2c: {  	s7 =	sld [smem:$0x3FB5]  }
0x2d: {  	s3 =	simm.s32 $0x108;
	s8 =	sld [smem:$0x3FB6]  }
0x2e: {  	s3 =	simm.s32 @!p0 $0x1082;
	s9 =	sld [smem:$0x3FB7]  }
0x2f: {  	lr =	sadd.s32 s0, s3;
	s0 =	sld [smem:$0x3FAE]  }
0x30: {  	s3 =	sld [smem:$0x3FB1]  }
0x31: {  	[smem:$0x3FBA] =	sst s10  }
0x32: {  	s10 =	sld [smem:$0x3FB8];
	_ =	sdelay $0x3  }
0x33: {  	p0 =	seq.s32 s10, $0x1;
	s10 =	sld [smem:$0x3FBA];
	_ =	sdelay $0x3  }
0x34: {  	[smem:$0x3FBA] =	sst s10  }
0x35: {  	s10 =	sld [smem:$0x3FB9];
	_ =	sdelay $0x3  }
0x36: {  	p1 =	seq.s32 s10, $0x1;
	s10 =	sld [smem:$0x3FBA];
	_ =	sdelay $0x3  }
0x37: {  	[smem:$0x3FBA] =	sst s10  }
0x38: {  	s10 =	sld [smem:$0x3FBB]  }
0x39: {  	_ = 	snop;
	(pc) =	sbr.ind lr, $3  }
0x3a: {  	_ = 	snop  }
0x3b: {  	_ = 	snop  }
0x3c: {  	p2 =	seq.s32 s10, $0x1;
	s10 =	sld [smem:$0x3FBA]  }
0x3d: {  	_ =	shalt  }
0x3e: {  	_ =	shalt  }
0x3f: {  	_ =	shalt  }
0x40: {  	_ =	shalt  }
0x41: {  	_ =	shalt  }
0x42: {  	_ =	shalt  }
0x43: {  	_ =	shalt  }
0x44: {  	_ =	shalt  }
0x45: {  	_ =	shalt  }
0x46: {  	_ =	shalt  }
0x47: {  	_ =	shalt  }
0x48: {  	_ =	shalt  }
0x49: {  	_ =	shalt  }
0x4a: {  	_ =	shalt  }
0x4b: {  	_ =	shalt  }
0x4c: {  	_ =	shalt  }
0x4d: {  	_ =	shalt  }
0x4e: {  	_ =	shalt  }
0x4f: {  	_ =	shalt  }
0x50: {  	_ =	shalt  }
0x51: {  	_ =	shalt  }
0x52: {  	_ =	shalt  }
0x53: {  	_ =	shalt  }
0x54: {  	_ =	shalt  }
0x55: {  	_ =	shalt  }
0x56: {  	_ =	shalt  }
0x57: {  	_ =	shalt  }
0x58: {  	_ =	shalt  }
0x59: {  	_ =	shalt  }
0x5a: {  	_ =	shalt  }
0x5b: {  	_ =	shalt  }
0x5c: {  	_ =	shalt  }
0x5d: {  	_ =	shalt  }
0x5e: {  	_ =	shalt  }
0x5f: {  	_ =	shalt  }
0x60: {  	_ =	shalt  }
0x61: {  	_ =	shalt  }
0x62: {  	_ =	shalt  }
0x63: {  	_ =	shalt  }
0x64: {  	_ =	shalt  }
0x65: {  	_ =	shalt  }
0x66: {  	_ =	shalt  }
0x67: {  	_ =	shalt  }
0x68: {  	_ =	shalt  }
0x69: {  	_ =	shalt  }
0x6a: {  	_ =	shalt  }
0x6b: {  	_ =	shalt  }
0x6c: {  	_ =	shalt  }
0x6d: {  	_ =	shalt  }
0x6e: {  	_ =	shalt  }
0x6f: {  	_ =	shalt  }
0x70: {  	_ =	shalt  }
0x71: {  	_ =	shalt  }
0x72: {  	_ =	shalt  }
0x73: {  	_ =	shalt  }
0x74: {  	_ =	shalt  }
0x75: {  	_ =	shalt  }
0x76: {  	_ =	shalt  }
0x77: {  	_ =	shalt  }
0x78: {  	_ =	shalt  }
0x79: {  	_ =	shalt  }
0x7a: {  	_ =	shalt  }
0x7b: {  	_ =	shalt  }
0x7c: {  	_ =	shalt  }
0x7d: {  	_ =	shalt  }
0x7e: {  	_ =	shalt  }
0x7f: {  	_ =	shalt  }
0x80: {  	_ =	shalt  }
0x81: {  	_ =	shalt  }
0x82: {  	_ =	shalt  }
0x83: {  	_ =	shalt  }
0x84: {  	_ =	shalt  }
0x85: {  	_ =	shalt  }
0x86: {  	_ =	shalt  }
0x87: {  	_ =	shalt  }
.Lfunc_end0:
.L_simem_size_0:
called_computation_lowered:
.L_overlay_start_0:
0x88: {  	s0 =	sld [smem:$0x3FD9]  }
0x89: {  	s1 =	sld [smem:$0x3FFE];
	_ =	sdelay $0x3  }
0x8a: {  	s0 =	sadd.s32 s1, s0  }
0x8b: {  	[smem:$0x3FC6] =	sst s0  }
0x8c: {  	_ = 	snop  }
0x8d: {  	s0 =	sld [smem:$0x3FD0];
	_ =	sdelay $0x2  }
0x8e: {  	s13 =	simm.s32 $0xA;
	s2 =	simm.s32 $0x10  }
0x8f: {  	[smem:s2], [sflag:s13] =	dma.local [hbm:s0], $0x1  }
0x90: {  	_ =	swait.eq [sflag:s13], $0x1  }
0x91: {  	s14 =	sld [smem:$0x10]  }
0x92: {  	s15 =	sld [smem:$0x11]  }
0x93: {  	s3 =	sld [smem:$0x12];
	[sflag:s13] =	ssyncset.done $0x0  }
0x94: {  	s4 =	sld [smem:$0x13];
	[sflag:s13] =	ssyncadd.s32 $0xFFFFFFFF  }
0x95: {  	s16 =	sld [smem:$0x14];
	(tm) =	ssettm $0x1  }
0x96: {  	s5 =	sld [smem:$0x3FFB];
	_ =	sdelay $0x3  }
0x97: {  	_ =	strace s5  }
0x98: {  	s5 =	sld [smem:$0x3FFC];
	_ =	sdelay $0x3  }
0x99: {  	_ =	strace s5  }
0x9a: {  	s5 =	sld [smem:$0x3FFD];
	_ =	sdelay $0x3  }
0x9b: {  	_ =	strace s5  }
0x9c: {  	_ =	strace $0x8FFFFFFF  }
0x9d: {  	s17 =	sld [smem:$0x3FDB];
	_ =	sdelay $0x1  }
0x9e: {  	s6 =	simm.s32 $_scs_section_size  }
0x9f: {  	s7 =	simm.s32 $_size__tile_overlayer_lowered;
	s8 =	simm.s32 $_tile_overlayer_lowered  }
0xa0: {  	s20 =	simm.s32 $0x1BFF;
	s19 =	sshll.u32 s8, $0x1;
	s5 =	sadd.s32 s6, s17  }
0xa1: {  	s9 =	simm.s32 $0x0;
	s18 =	sshll.u32 s7, $0x1;
	s7 =	sadd.s32 s19, s5  }
0xa2: {  	[timem:s9], [sflag:s20] =	dma.local [hbm:s7], s18  }
0xa3: {  	_ =	swait.ge [sflag:s20], s18  }
0xa4: {  	s6 =	ssub.s32 $0x0, s18;
	[sflag:s20] =	ssyncset.done $0x0  }
0xa5: {  	[sflag:s20] =	ssyncadd.s32 s6;
	_ =	sdelay $0x1  }
0xa6: {  	s21 =	simm.s32 $0x1B8B  }
0xa7: {  	_ =	swait.ge [sflag:s21], $0x1  }
0xa8: {  	[sflag:s21] =	ssyncset.done $0x0  }
0xa9: {  	s23 =	simm.s32 $0x1B8E;
	s22 =	sld [smem:$0x3FFE];
	[sflag:s21] =	ssyncadd.s32 $0xFFFFFFFF  }
0xaa: {  	s24 =	simm.s32 $execute0_lowered;
	[smem:$0x3FD2] =	sst s23  }
0xab: {  	s7 =	sshll.u32 s24, $0x1;
	_ =	strace $0x80000046;
	[dreg:$0x1] =	wrdreg $0xFFFFFFFF  }
0xac: {  	s25 =	simm.s32 $_size_execute0_lowered;
	s5 =	sadd.s32 s5, s7;
	[dreg:$0x0] =	wrdreg $0x0  }
0xad: {  	s7 =	sshll.u32 s25, $0x1;
	[dreg:$0x2] =	wrdreg s5  }
0xae: {  	[dreg:$0x3] =	wrdreg s7  }
0xaf: {  	[dreg:$0x4] =	wrdreg $0xC0  }
0xb0: {  	_ =	task [dreg:s9], $0x5FFFF  }
0xb1: {  	[dreg:$0x1] =	wrdreg $0xFFFFFFFF  }
0xb2: {  	[dreg:$0x0] =	wrdreg $0x60  }
0xb3: {  	[dreg:$0x2] =	wrdreg s22  }
0xb4: {  	[dreg:$0x3] =	wrdreg s15  }
0xb5: {  	[dreg:$0x4] =	wrdreg s16  }
0xb6: {  	[dreg:$0x5] =	wrdreg s4  }
0xb7: {  	[dreg:$0x6] =	wrdreg s3  }
0xb8: {  	[dreg:$0x7] =	wrdreg s14  }
0xb9: {  	[dreg:$0x8] =	wrdreg $0x9  }
0xba: {  	_ =	task.clear_ibuf [dreg:s9], $0x9FFFF;
	_ =	strace $0x90000046  }
0xbb: {  	s26 =	simm.s32 $0x9;
	_ =	strace $0x80000048  }
0xbc: {  	_ =	swait.ge [sflag:s26], $0x1  }
0xbd: {  	[sflag:s26] =	ssyncadd.s32 $0xFFFFFFFF  }
0xbe: {  	_ =	strace $0x90000048  }
0xbf: {  	_ =	sfence  }
0xc0: {  	s28 =	sld [smem:$0x0];
	_ =	sdelay $0x1  }
0xc1: {  	s29 =	srdreg.scid  }
0xc2: {  	s30 =	sshll.u32 s29, $0xD;
	s31 =	sshrl.u32 s29, $0x2  }
0xc3: {  	s1 =	sand.u32 $0x1, s29;
	s2 =	sand.u32 $0x4000, s30;
	s0 =	sadd.s32 s31, s28  }
0xc4: {  	s1 =	sor.u32 s2, s1;
	s0 =	sshll.u32 s0, $0x11  }
0xc5: {  	s0 =	sor.u32 s0, s1  }
0xc6: {  	s0 =	sadd.s32 $0x8F2B, s0  }
0xc7: {  	[sflag:s0] =	ssyncadd.remote.s32 $0x1  }
0xc8: {  	_ =	sfence.sel $0xFFFF  }
0xc9: {  	[dreg:$0x0] =	wrdreg $0xFFFFFFFF;
	(pc) =	sbr.abs _section_cstart, $3  }
0xca: {  	[dreg:$0x1] =	wrdreg $0xFFFFFFFF  }
0xcb: {  	_ =	task.clear_ibuf [dreg:s9], $0x2FFFF;
	_ =	strace $0x9FFFFFFF  }
0xcc: {  	(tm) =	ssettm $0x7FFFFFFF  }
0xcd: {  	_ =	shalt  }
tec
execute0_lowered:
.L_overlay_start_1:
0x0: {  	(tag) =	ssettag $0x1  }
0x1: {  	s3 =	rddreg [dreg:$0x0]  }
0x2: {  	s7 =	rddreg [dreg:$0x1];
	s8 =	stileid.u32  }
0x3: {  	s6 =	rddreg [dreg:$0x2];
	p0 =	sgt.u32 s8, $0x3  }
.Ltmp0:
0x4: {  	s5 =	rddreg [dreg:$0x3];
	(pc) =	sbr.rel @p0 .LBB2_9-.Ltmp0, $4  }
0x5: {  	s4 =	rddreg [dreg:$0x4]  }
0x6: {  	s2 =	rddreg [dreg:$0x5];
	s0 =	simm.s32 $0x0  }
0x7: {  	[smem:$0x7FF] =	sst s0  }
0x8: {  	s1 =	rddreg [dreg:$0x6];
	_ =	strace $0x80000047  }
0x9: {  	s8 =	sadd.s32 $0x4200, s3;
	s1 =	stileid.u32  }
0xa: {  	s10 =	sadd.s32 $0x3800, s3;
	s11 =	simm.s32 $0x80;
	s9 =	sshll.u32 s1, $0x4  }
0xb: {  	s12 =	simm.s32 $0x200;
	s13 =	simm.s32 $0x2800;
	s8 =	sadd.s32 s8, s9  }
0xc: {  	[tilespmem:s13], [sflag:$0x1] =	stream.strided.gather [hbm4b:s8+s11], $0x1400, s12, s11, $0x38;
	[tilespmem:$0x9400] =	vst v63  }
0xd: {  	s25 =	sadd.s32 $0x2E00, s3;
	s26 =	simm.s32 $0x3C00;
	s10 =	sadd.s32 s10, s9  }
0xe: {  	[tilespmem:s26], [sflag:$0x1] =	stream.strided.gather [hbm4b:s10+s11], $0x1400, s12, s11, $0x38;
	[tilespmem:$0x9400] =	vst v63  }
0xf: {  	s28 =	sadd.s32 $0x2400, s3;
	s29 =	simm.s32 $0x5000;
	s8 =	sadd.s32 s25, s9  }
0x10: {  	[tilespmem:s29], [sflag:$0x1] =	stream.strided.gather [hbm4b:s8+s11], $0x1400, s12, s11, $0x38;
	[tilespmem:$0x9400] =	vst v63  }
0x11: {  	s30 =	sadd.s32 $0x5600, s3;
	s31 =	simm.s32 $0x6400;
	s10 =	sadd.s32 s28, s9  }
0x12: {  	[tilespmem:s31], [sflag:$0x1] =	stream.strided.gather [hbm4b:s10+s11], $0x1400, s12, s11, $0x38;
	[tilespmem:$0x9400] =	vst v63  }
0x13: {  	s1 =	simm.s32 $0x1400;
	s8 =	sadd.s32 s30, s9  }
0x14: {  	[tilespmem:s1], [sflag:$0x1] =	stream.strided.gather [hbm4b:s8+s11], $0x1400, s12, s11, $0x38;
	[tilespmem:$0x9400] =	vst v63  }
0x15: {  	s7 =	sadd.s32 s7, s9;
	s10 =	simm.s32 $0x8C00  }
0x16: {  	[tilespmem:s10], [sflag:$0x1] =	stream.linear.gather [hbm4b:s7+s0], $0x80, $0x38;
	[tilespmem:$0x9400] =	vst v63  }
0x17: {  	s6 =	sadd.s32 s6, s9;
	s13 =	simm.s32 $0x8C80  }
0x18: {  	[tilespmem:s13], [sflag:$0x1] =	stream.linear.gather [hbm4b:s6+s0], $0x80, $0x38;
	[tilespmem:$0x9400] =	vst v63  }
0x19: {  	s14 =	simm.s32 $0x8D00;
	s5 =	sadd.s32 s5, s9  }
0x1a: {  	[tilespmem:s14], [sflag:$0x1] =	stream.linear.gather [hbm4b:s5+s0], $0x80, $0x38;
	[tilespmem:$0x9400] =	vst v63  }
0x1b: {  	s15 =	simm.s32 $0x8D80;
	s4 =	sadd.s32 s4, s9  }
0x1c: {  	[tilespmem:s15], [sflag:$0x1] =	stream.linear.gather [hbm4b:s4+s0], $0x80, $0x38;
	[tilespmem:$0x9400] =	vst v63  }
0x1d: {  	s16 =	sadd.s32 $0x6000, s3;
	s17 =	simm.s32 $0x8E00;
	s2 =	sadd.s32 s2, s9  }
0x1e: {  	[tilespmem:s17], [sflag:$0x1] =	stream.linear.gather [hbm4b:s2+s0], $0x80, $0x38;
	[tilespmem:$0x9400] =	vst v63  }
0x1f: {  	s18 =	sadd.s32 $0x4C00, s3;
	s4 =	sadd.s32 s16, s9;
	s2 =	simm.s32 $0x7800  }
0x20: {  	[tilespmem:s2], [sflag:$0x2] =	stream.strided.gather [hbm4b:s4+s11], $0x1400, s12, s11, $0x38;
	[tilespmem:$0x9400] =	vst v63  }
0x21: {  	s19 =	sadd.s32 s18, s9;
	s21 =	sadd.s32 s9, s3  }
0x22: {  	v0 =	vimm.s32 $0x0;
	[tilespmem:s0], [sflag:$0x2] =	stream.strided.gather [hbm4b:s19+s11], $0x1400, s12, s11, $0x38;
	[tilespmem:$0x9400] =	vst v63  }
0x23: {  	s20 =	simm.s32 $0x2;
	s22 =	sadd.s32 $0x6A00, s21;
	[tilespmem:$0x8F00] =	vst v0  }
0x24: {  	s23 =	sadd.s32 $0x6A40, s21;
	_ =	swait.ge [sflag:s20], $0x1400;
	[dreg:$0xe] =	wrdreg s22  }
0x25: {  	s24 =	sadd.s32 $0x6A80, s21;
	[dreg:$0xf] =	wrdreg s23  }
0x26: {  	s3 =	simm.s32 $0x8E80;
	s25 =	sadd.s32 $0x6AC0, s21;
	[dreg:$0xc] =	wrdreg s24  }
0x27: {  	s26 =	sadd.s32 $0x6B00, s21;
	[dreg:$0xd] =	wrdreg s25;
	[sflag:s20] =	ssyncset.done $0x0  }
0x28: {  	s28 =	sadd.s32 $0x6B40, s21;
	[dreg:$0xa] =	wrdreg s26;
	[sflag:s20] =	ssyncadd.s32 $0xFFFFEC00  }
0x29: {  	s29 =	sadd.s32 $0x6B80, s21;
	_ =	swait.ge [sflag:s20], $0x1400;
	[dreg:$0xb] =	wrdreg s28  }
0x2a: {  	s30 =	sadd.s32 $0x6BC0, s21;
	s31 =	sadd.s32 $0x6C00, s21;
	[dreg:$0x8] =	wrdreg s29  }
0x2b: {  	v1 =	vlaneseq.u32;
	s5 =	simm.s32 $0x0;
	[dreg:$0x9] =	wrdreg s30;
	[sflag:s20] =	ssyncset.done $0x0  }
0x2c: {  	v3 =	vimm.s32 $0x0;
	v2 =	vimm.s32 $0x0;
	v4 =	vor.u32 $0x10, v1;
	s4 =	simm.s32 $0x8F00;
	[dreg:$0x7] =	wrdreg s31;
	[sflag:s20] =	ssyncadd.s32 $0xFFFFEC00  }
.LBB2_2:
0x2d: {  	v5 =	vmov s2;
	_ =	sdelay $0x2  }
0x2e: {  	s6 =	simm.s32 $0x0  }
.LBB2_3:
0x2f: {  	s7 =	sshra.s32 s6, $0x2  }
0x30: {  	v6 =	vld.idx.msk [tilespmem:v5+s7+$0x0 ss:$0x1], $0xffff;
	_ =	sdelay $0x7  }
0x31: {  	v7 =	vld.idx.msk [tilespmem:v6+s0+$0x0], $0xffff;
	_ =	sdelay $0x4  }
0x32: {  	vm0 =	vge.f32 v7, $5.000000000e-01  }
0x33: {  	v7 =	vsel vm0, $0x1, v0  }
0x34: {  	(xrf0) =	vadd.scan.msk.s32 $0xffff, v7;
	_ =	sdelay $0x5  }
0x35: {  	v7, _, _ =	vpop (xrf0)  }
0x36: {  	v8 =	vadd.s32 v7, v2  }
0x37: {  	v7 =	vsub.s32 v3, v7;
	v8 =	vadd.s32 $0xFFFFFFFF, v8  }
0x38: {  	vm1 =	vmneg vm0;
	v7 =	vadd.s32 v1, v7;
	vm2 =	vlt.s32 v8, $0x20  }
0x39: {  	vm3 =	vlt.s32 v8, $0x1F;
	vm4 =	vlt.s32 v7, $0x80;
	vm2 =	vmand vm0, vm2  }
0x3a: {  	vm9 =	vlt.s32 v7, $0x7F;
	v8 =	vnsel vm3, $0x1F, v8;
	vm1 =	vmand vm4, vm1  }
0x3b: {  	v7 =	vnsel vm9, $0x7F, v7;
	_ =	sdelay $0x3  }
0x3c: {  	[tilespmem:v8+s3+$0x0] =	vst.idx.msk vm2, v6  }
0x3d: {  	[tilespmem:v7+s4+$0x0] =	vst.idx.msk vm1, v6  }
0x3e: {  	v6 =	vld.idx.msk [tilespmem:v5+s7+$0x10 ss:$0x1], $0xffff;
	_ =	sdelay $0x7  }
0x3f: {  	v7 =	vld.idx.msk [tilespmem:v6+s0+$0x0], $0xffff;
	_ =	sdelay $0x4  }
0x40: {  	vm10 =	vge.f32 v7, $5.000000000e-01  }
0x41: {  	v7 =	vsel vm10, $0x1, v0  }
0x42: {  	(xrf0) =	vadd.scan.msk.s32 $0xffff, v7;
	_ =	sdelay $0x3  }
0x43: {  	v7 =	vmpcnt.ones.xlane vm0;
	_ =	sdelay $0x1  }
0x44: {  	v2 =	vadd.s32 v2, v7;
	v63, _, _ =	vpop (xrf0)  }
0x45: {  	v3 =	vsub.s32 v3, v7;
	v7 =	vadd.s32 v63, v2  }
0x46: {  	v8 =	vsub.s32 v3, v63;
	v7 =	vadd.s32 $0xFFFFFFFF, v7  }
0x47: {  	vm11 =	vmneg vm10;
	v8 =	vadd.s32 v4, v8;
	vm12 =	vlt.s32 v7, $0x20  }
0x48: {  	vm13 =	vlt.s32 v7, $0x1F;
	vm14 =	vlt.s32 v8, $0x80;
	vm2 =	vmand vm10, vm12  }
0x49: {  	vm15 =	vlt.s32 v8, $0x7F;
	v7 =	vnsel vm13, $0x1F, v7;
	vm0 =	vmand vm14, vm11  }
0x4a: {  	p0 =	sne.s32 s6, $0x380;
	v8 =	vnsel vm15, $0x7F, v8  }
.Ltmp1:
0x4b: {  	_ = 	snop;
	(pc) =	sbr.rel @p0 .LBB2_3-.Ltmp1, $3  }
0x4c: {  	v9 =	vmpcnt.ones.xlane vm10;
	_ =	sdelay $0x1  }
0x4d: {  	v3 =	vsub.s32 v3, v9;
	[tilespmem:v7+s3+$0x0] =	vst.idx.msk vm2, v6  }
0x4e: {  	s6 =	sadd.s32 $0x80, s6;
	v2 =	vadd.s32 v2, v9;
	v3 =	vadd.s32 $0x20, v3;
	[tilespmem:v8+s4+$0x0] =	vst.idx.msk vm0, v6  }
0x4f: {  	v5 =	vxor.u32 $0x80000000, v2  }
0x50: {  	(xrf0) =	vmax.scan.msk.u32 $0xffff, v5;
	v5 =	vxor.u32 $0x80000000, v3  }
0x51: {  	(xrf0) =	vmax.scan.msk.u32 $0xffff, v5;
	_ =	sdelay $0x4  }
0x52: {  	v5, _, _ =	vpop (xrf0)  }
0x53: {  	(v2sf) =	vpush v5, $0xF;
	v5, _, _ =	vpop (xrf0)  }
0x54: {  	(v2sf) =	vpush v5, $0xF;
	_ =	sdelay $0xd  }
0x55: {  	s6 =	spop (v2sf)  }
0x56: {  	s7 =	spop (v2sf)  }
0x57: {  	p0 =	slt.u32 s6, $0x80000020;
	p1 =	slt.u32 s7, $0x80000080  }
0x58: {  	p2 =	sgt.u32 s5, $0x11;
	p0 =	por p0, p1  }
0x59: {  	p1 =	por p2, !p0  }
.Ltmp2:
0x5a: {  	_ = 	snop;
	(pc) =	sbr.rel @!p1 .LBB2_2-.Ltmp2, $2  }
0x5b: {  	_ =	sdelay $0x2  }
0x5c: {  	s5 =	sadd.s32 $0x1, s5;
	s2 =	sadd.s32 $0x100, s2  }
.Ltmp3:
0x5d: {  	(pc) =	sbr.rel @!p0 .LBB2_8-.Ltmp3, $1  }
0x5e: {  	_ =	sdelay $0x3  }
0x5f: {  	s0 =	simm.s32 $0x0  }
0x60: {  	v0 =	vimm.s32 $0x0;
	s2 =	simm.s32 $0x8E80;
	s3 =	simm.s32 $0x8F00;
	s4 =	simm.s32 $0x0  }
.LBB2_7:
0x61: {  	s5 =	sshra.s32 s4, $0x2  }
0x62: {  	v1 =	vld [tilespmem:s5+$0x8B00];
	_ =	sdelay $0x7  }
0x63: {  	v4 =	vld.idx.msk [tilespmem:v1+s0+$0x0], $0xffff;
	_ =	sdelay $0x4  }
0x64: {  	vm0 =	vge.f32 v4, $5.000000000e-01;
	vm1 =	vlt.f32 v4, $5.000000000e-01;
	vm2 =	vge.f32 v4, $0.0e+00  }
0x65: {  	vm1 =	vmand vm1, vm2;
	v4 =	vsel vm0, $0x1, v0  }
0x66: {  	(xrf0) =	vadd.scan.msk.s32 $0xffff, v4;
	v4 =	vsel vm1, $0x1, v0  }
0x67: {  	(xrf0) =	vadd.scan.msk.s32 $0xffff, v4;
	_ =	sdelay $0x4  }
0x68: {  	v4, _, _ =	vpop (xrf0)  }
0x69: {  	v4 =	vadd.s32 v4, v2;
	v5, _, _ =	vpop (xrf0)  }
0x6a: {  	v4 =	vadd.s32 $0xFFFFFFFF, v4;
	v5 =	vadd.s32 v5, v3  }
0x6b: {  	vm14 =	vlt.s32 v4, $0x20;
	v5 =	vadd.s32 $0xFFFFFFFF, v5  }
0x6c: {  	vm3 =	vlt.s32 v4, $0x1F;
	vm2 =	vmand vm0, vm14;
	vm4 =	vlt.s32 v5, $0x80  }
0x6d: {  	v4 =	vnsel vm3, $0x1F, v4;
	vm15 =	vlt.s32 v5, $0x7F;
	vm4 =	vmand vm1, vm4  }
0x6e: {  	p0 =	sne.s32 s4, $0x3C0;
	v5 =	vnsel vm15, $0x7F, v5  }
.Ltmp4:
0x6f: {  	_ = 	snop;
	(pc) =	sbr.rel @p0 .LBB2_7-.Ltmp4, $4  }
0x70: {  	_ = 	snop  }
0x71: {  	v6 =	vmpcnt.ones.xlane vm0;
	v7 =	vmpcnt.ones.xlane vm1  }
0x72: {  	[tilespmem:v4+s2+$0x0] =	vst.idx.msk vm2, v1  }
0x73: {  	s4 =	sadd.s32 $0x40, s4;
	v2 =	vadd.s32 v2, v6;
	v3 =	vadd.s32 v3, v7;
	[tilespmem:v5+s3+$0x0] =	vst.idx.msk vm4, v1  }
.LBB2_8:
0x74: {  	s0 =	simm.s32 $0x1  }
0x75: {  	_ =	swait.ge [sflag:s0], $0x1400  }
0x76: {  	[sflag:s0] =	ssyncset.done $0x0  }
0x77: {  	[sflag:s0] =	ssyncadd.s32 $0xFFFFEC00  }
0x78: {  	_ =	swait.ge [sflag:s0], $0x1400  }
0x79: {  	[sflag:s0] =	ssyncset.done $0x0  }
0x7a: {  	[sflag:s0] =	ssyncadd.s32 $0xFFFFEC00  }
0x7b: {  	_ =	swait.ge [sflag:s0], $0x1400  }
0x7c: {  	[sflag:s0] =	ssyncset.done $0x0  }
0x7d: {  	[sflag:s0] =	ssyncadd.s32 $0xFFFFEC00  }
0x7e: {  	_ =	swait.ge [sflag:s0], $0x1400  }
0x7f: {  	[sflag:s0] =	ssyncset.done $0x0  }
0x80: {  	[sflag:s0] =	ssyncadd.s32 $0xFFFFEC00  }
0x81: {  	_ =	swait.ge [sflag:s0], $0x1400  }
0x82: {  	[sflag:s0] =	ssyncset.done $0x0  }
0x83: {  	[sflag:s0] =	ssyncadd.s32 $0xFFFFEC00  }
0x84: {  	_ =	swait.ge [sflag:s0], $0x80  }
0x85: {  	[sflag:s0] =	ssyncset.done $0x0  }
0x86: {  	[sflag:s0] =	ssyncadd.s32 $0xFFFFFF80  }
0x87: {  	_ =	swait.ge [sflag:s0], $0x80  }
0x88: {  	[sflag:s0] =	ssyncset.done $0x0  }
0x89: {  	[sflag:s0] =	ssyncadd.s32 $0xFFFFFF80  }
0x8a: {  	_ =	swait.ge [sflag:s0], $0x80  }
0x8b: {  	[sflag:s0] =	ssyncset.done $0x0  }
0x8c: {  	vm0 =	vlt.s32 v2, $0x20;
	[sflag:s0] =	ssyncadd.s32 $0xFFFFFF80  }
0x8d: {  	v1 =	vlaneseq.u32;
	v0 =	vnsel vm0, $0x20, v2;
	_ =	swait.ge [sflag:s0], $0x80  }
0x8e: {  	v4 =	vsub.s32 v1, v0;
	[sflag:s0] =	ssyncset.done $0x0  }
0x8f: {  	vm13 =	vgt.s32 v3, $0x1;
	vm1 =	vgt.s32 v4, $0x0;
	[sflag:s0] =	ssyncadd.s32 $0xFFFFFF80  }
0x90: {  	v3 =	vnsel vm13, $0x1, v3;
	v4 =	vnsel vm1, $0x0, v4;
	_ =	swait.ge [sflag:s0], $0x80  }
0x91: {  	v3 =	vmin.u32 v3, $0x80;
	(v2sf) =	vpush v4, $0x0  }
0x92: {  	(v2sf) =	vpush v3, $0x0  }
0x93: {  	(v2sf) =	vpush v4, $0xF  }
0x94: {  	(v2sf) =	vpush v3, $0xF  }
0x95: {  	(v2sf) =	vpush v4, $0x1  }
0x96: {  	(v2sf) =	vpush v3, $0x1  }
0x97: {  	(v2sf) =	vpush v4, $0x2  }
0x98: {  	(v2sf) =	vpush v3, $0x2;
	_ =	sdelay $0x1  }
0x99: {  	(v2sf) =	vpush v4, $0x3  }
0x9a: {  	(v2sf) =	vpush v3, $0x3;
	_ =	sdelay $0x1  }
0x9b: {  	(v2sf) =	vpush v4, $0x4;
	_ =	sdelay $0x1  }
0x9c: {  	(v2sf) =	vpush v3, $0x4  }
0x9d: {  	s2 =	spop (v2sf)  }
0x9e: {  	s13 =	spop (v2sf)  }
0x9f: {  	s3 =	spop (v2sf)  }
0xa0: {  	(v2sf) =	vpush v4, $0x5;
	s11 =	spop (v2sf)  }
0xa1: {  	(drf) =	srem.u32 s2, s13;
	(v2sf) =	vpush v3, $0x5;
	s30 =	spop (v2sf)  }
0xa2: {  	s12 =	spop (v2sf)  }
0xa3: {  	(drf) =	srem.u32 s3, s11;
	(v2sf) =	vpush v4, $0x6;
	s4 =	spop (v2sf)  }
0xa4: {  	(v2sf) =	vpush v3, $0x6;
	(drf) =	srem.u32 s30, s12;
	s14 =	spop (v2sf)  }
0xa5: {  	(v2sf) =	vpush v4, $0x7;
	(drf) =	srem.u32 s4, s14  }
0xa6: {  	s31 =	spop (v2sf)  }
0xa7: {  	(v2sf) =	vpush v3, $0x7;
	s15 =	spop (v2sf)  }
0xa8: {  	(v2sf) =	vpush v4, $0x8;
	(drf) =	srem.u32 s31, s15  }
0xa9: {  	(v2sf) =	vpush v3, $0x8;
	s9 =	spop (v2sf)  }
0xaa: {  	(v2sf) =	vpush v4, $0x9;
	s1 =	spop (drf)  }
0xab: {  	s16 =	spop (v2sf);
	(v2sf) =	vpush v3, $0x9  }
0xac: {  	(v2sf) =	vpush v4, $0xA;
	s10 =	spop (drf);
	(drf) =	srem.u32 s9, s16  }
0xad: {  	(v2sf) =	vpush v3, $0xA;
	s29 =	spop (drf)  }
0xae: {  	(v2sf) =	vpush v4, $0xB;
	s5 =	spop (drf)  }
0xaf: {  	(v2sf) =	vpush v3, $0xB;
	s7 =	spop (v2sf)  }
0xb0: {  	(v2sf) =	vpush v4, $0xC;
	s17 =	spop (v2sf)  }
0xb1: {  	(v2sf) =	vpush v3, $0xC;
	s6 =	spop (drf)  }
0xb2: {  	(v2sf) =	vpush v4, $0xD;
	s8 =	spop (v2sf)  }
0xb3: {  	(v2sf) =	vpush v3, $0xD;
	s18 =	spop (v2sf)  }
0xb4: {  	(v2sf) =	vpush v4, $0xE;
	s23 =	spop (v2sf)  }
0xb5: {  	(v2sf) =	vpush v3, $0xE;
	s28 =	spop (drf)  }
0xb6: {  	s19 =	spop (v2sf)  }
0xb7: {  	s24 =	spop (v2sf)  }
0xb8: {  	s20 =	spop (v2sf)  }
0xb9: {  	s25 =	spop (v2sf)  }
0xba: {  	s21 =	spop (v2sf)  }
0xbb: {  	s26 =	spop (v2sf)  }
0xbc: {  	(drf) =	srem.u32 s7, s17;
	s22 =	spop (v2sf)  }
0xbd: {  	(drf) =	srem.u32 s8, s18;
	s30 =	spop (v2sf)  }
0xbe: {  	(drf) =	srem.u32 s23, s19;
	s23 =	spop (v2sf)  }
0xbf: {  	(drf) =	srem.u32 s24, s20;
	s31 =	spop (v2sf)  }
0xc0: {  	vm14 =	vcmask $0x300;
	v18 =	vmov s10;
	(drf) =	srem.u32 s25, s21;
	s24 =	spop (v2sf)  }
0xc1: {  	vm7 =	vcmask $0x704;
	v3 =	vsel vm14, s1, v18;
	(drf) =	srem.u32 s26, s22;
	s1 =	spop (v2sf)  }
0xc2: {  	vm14 =	vcmask $0xB08;
	v3 =	vsel vm7, s29, v3;
	(drf) =	srem.u32 s30, s23;
	s25 =	spop (v2sf)  }
0xc3: {  	vm12 =	vcmask $0xF0C;
	v3 =	vsel vm14, s5, v3;
	(drf) =	srem.u32 s31, s24;
	s4 =	spop (v2sf)  }
0xc4: {  	vm5 =	vcmask $0x1310;
	v3 =	vsel vm12, s6, v3;
	(drf) =	srem.u32 s1, s25;
	s26 =	spop (v2sf)  }
0xc5: {  	vm8 =	vcmask $0x1714;
	v3 =	vsel vm5, s28, v3;
	s5 =	spop (drf);
	(drf) =	srem.u32 s4, s26  }
0xc6: {  	vm6 =	vcmask $0x1B18;
	v3 =	vsel vm8, s5, v3;
	s6 =	spop (drf)  }
0xc7: {  	vm4 =	vcmask $0x1F1C;
	v3 =	vsel vm6, s6, v3;
	s7 =	spop (drf)  }
0xc8: {  	vm3 =	vcmask $0x2320;
	v3 =	vsel vm4, s7, v3;
	s8 =	spop (drf)  }
0xc9: {  	vm10 =	vcmask $0x2724;
	v3 =	vsel vm3, s8, v3;
	s9 =	spop (drf)  }
0xca: {  	vm11 =	vcmask $0x2B28;
	v3 =	vsel vm10, s9, v3;
	s10 =	spop (drf)  }
0xcb: {  	vm1 =	vcmask $0x2F2C;
	v3 =	vsel vm11, s10, v3;
	s28 =	spop (drf)  }
0xcc: {  	vm9 =	vcmask $0x3330;
	v3 =	vsel vm1, s28, v3;
	s29 =	spop (drf)  }
0xcd: {  	vm2 =	vcmask $0x3734;
	v3 =	vsel vm9, s29, v3;
	s30 =	spop (drf)  }
0xce: {  	vm13 =	vcmask $0x3B38;
	v3 =	vsel vm2, s30, v3;
	s31 =	spop (drf)  }
0xcf: {  	v3 =	vsel vm13, s31, v3;
	_ =	sdelay $0x1  }
0xd0: {  	[sflag:s0] =	ssyncset.done $0x0  }
0xd1: {  	[sflag:s0] =	ssyncadd.s32 $0xFFFFFF80;
	s7 =	simm.s32 $0x8E80  }
0xd2: {  	v19 =	vld.idx.msk [tilespmem:v1+s7+$0x0], $0xffff;
	s1 =	simm.s32 $0x8F00  }
0xd3: {  	v3 =	vld.idx.msk [tilespmem:v3+s1+$0x0], $0xffff  }
0xd4: {  	v5 =	vor.u32 $0x10, v1  }
0xd5: {  	v20 =	vsub.s32 v5, v0  }
0xd6: {  	vm0 =	vgt.s32 v20, $0x0  }
0xd7: {  	vm15 =	vgt.s32 v2, v1;
	v4 =	vnsel vm0, $0x0, v20  }
0xd8: {  	(v2sf) =	vpush v4, $0x0;
	v3 =	vsel vm15, v19, v3;
	_ =	sdelay $0x1  }
0xd9: {  	(v2sf) =	vpush v4, $0xF  }
0xda: {  	(v2sf) =	vpush v4, $0x1  }
0xdb: {  	s2 =	simm.s32 $0x1400;
	(v2sf) =	vpush v4, $0x2  }
0xdc: {  	v6 =	vld.idx.msk [tilespmem:v3+s2+$0x0], $0xffff;
	_ =	sdelay $0x1  }
0xdd: {  	s3 =	simm.s32 $0x2800  }
0xde: {  	v7 =	vld.idx.msk [tilespmem:v3+s3+$0x0], $0xffff  }
0xdf: {  	(v2sf) =	vpush v4, $0x3;
	_ =	sdelay $0x1  }
0xe0: {  	(v2sf) =	vpush v4, $0x4  }
0xe1: {  	s8 =	simm.s32 $0x8E00;
	(v2sf) =	vpush v4, $0x5  }
0xe2: {  	s4 =	simm.s32 $0x3C00;
	(v2sf) =	vpush v4, $0x6;
	v8 =	vld.idx.msk [tilespmem:v6+s8+$0x0], $0xffff;
	[tilespmem:$0x8F80] =	vst v7  }
0xe3: {  	(v2sf) =	vpush v4, $0x7;
	v7 =	vld.idx.msk [tilespmem:v3+s4+$0x0], $0xffff  }
0xe4: {  	s5 =	spop (v2sf);
	(v2sf) =	vpush v4, $0x8  }
0xe5: {  	(drf) =	srem.u32 s5, s13;
	(v2sf) =	vpush v4, $0x9  }
0xe6: {  	s6 =	spop (v2sf);
	(v2sf) =	vpush v4, $0xA  }
0xe7: {  	s10 =	spop (v2sf);
	(v2sf) =	vpush v4, $0xB  }
0xe8: {  	s9 =	simm.s32 $0x5000;
	s28 =	spop (v2sf);
	(v2sf) =	vpush v4, $0xC;
	[tilespmem:$0x9000] =	vst v7  }
0xe9: {  	v7 =	vld.idx.msk [tilespmem:v3+s9+$0x0], $0xffff;
	_ =	sdelay $0x3  }
0xea: {  	s29 =	spop (v2sf)  }
0xeb: {  	(drf) =	srem.u32 s6, s11;
	(v2sf) =	vpush v4, $0xD;
	s5 =	spop (drf);
	s1 =	simm.s32 $0x6400;
	[tilespmem:$0x9080] =	vst v7  }
0xec: {  	(drf) =	srem.u32 s10, s12;
	s31 =	spop (v2sf);
	(v2sf) =	vpush v4, $0xE;
	v3 =	vld.idx.msk [tilespmem:v3+s1+$0x0], $0xffff  }
0xed: {  	(drf) =	srem.u32 s28, s14;
	s2 =	spop (v2sf)  }
0xee: {  	(drf) =	srem.u32 s29, s15;
	s3 =	spop (v2sf)  }
0xef: {  	(drf) =	srem.u32 s31, s16;
	s31 =	spop (v2sf);
	v21 =	vnsel vm15, $0x0, v8  }
0xf0: {  	(drf) =	srem.u32 s2, s17;
	s2 =	spop (v2sf);
	[tilespmem:$0x9180] =	vst v21  }
0xf1: {  	s0 =	simm.s32 $0x8C00;
	(drf) =	srem.u32 s3, s18;
	s3 =	spop (v2sf);
	[tilespmem:$0x9100] =	vst v3  }
0xf2: {  	(drf) =	srem.u32 s31, s19;
	s31 =	spop (v2sf);
	v3 =	vld.idx.msk [tilespmem:v6+s0+$0x0], $0xffff  }
0xf3: {  	(drf) =	srem.u32 s2, s20;
	s2 =	spop (v2sf)  }
0xf4: {  	(drf) =	srem.u32 s3, s21;
	s3 =	spop (v2sf)  }
0xf5: {  	s4 =	spop (drf)  }
0xf6: {  	s6 =	spop (drf)  }
0xf7: {  	v22 =	vmov s4;
	s4 =	simm.s32 $0x8C80;
	vm15 =	vcmask $0x300;
	s9 =	spop (drf);
	[tilespmem:$0x9200] =	vst v3  }
0xf8: {  	(drf) =	srem.u32 s31, s22;
	v23 =	vsel vm15, s5, v22;
	s10 =	spop (drf);
	v24 =	vld.idx.msk [tilespmem:v6+s4+$0x0], $0xffff  }
0xf9: {  	(drf) =	srem.u32 s2, s23;
	s1 =	spop (drf);
	v3 =	vsel vm7, s6, v23  }
0xfa: {  	(drf) =	srem.u32 s3, s24;
	v3 =	vsel vm14, s9, v3;
	s4 =	spop (v2sf)  }
0xfb: {  	v3 =	vsel vm12, s10, v3;
	(drf) =	srem.u32 s4, s25;
	s6 =	spop (v2sf)  }
0xfc: {  	s9 =	spop (drf);
	v3 =	vsel vm5, s1, v3;
	(drf) =	srem.u32 s6, s26  }
0xfd: {  	s10 =	simm.s32 $0x8D00;
	s31 =	spop (drf);
	v3 =	vsel vm8, s9, v3;
	[tilespmem:$0x9280] =	vst v24  }
0xfe: {  	s3 =	spop (drf);
	v3 =	vsel vm6, s31, v3;
	v4 =	vld.idx.msk [tilespmem:v6+s10+$0x0], $0xffff  }
0xff: {  	s4 =	spop (drf);
	v3 =	vsel vm4, s3, v3  }
0x100: {  	s5 =	spop (drf);
	v3 =	vsel vm3, s4, v3  }
0x101: {  	s6 =	spop (drf);
	v3 =	vsel vm10, s5, v3  }
0x102: {  	s10 =	spop (drf);
	v3 =	vsel vm11, s6, v3  }
0x103: {  	s31 =	simm.s32 $0x8D80;
	s3 =	spop (drf);
	v3 =	vsel vm1, s10, v3;
	[tilespmem:$0x9300] =	vst v4  }
0x104: {  	v3 =	vsel vm9, s3, v3;
	s4 =	spop (drf);
	v4 =	vld.idx.msk [tilespmem:v6+s31+$0x0], $0xffff  }
0x105: {  	v3 =	vsel vm2, s4, v3;
	s5 =	spop (drf)  }
0x106: {  	v3 =	vsel vm13, s5, v3;
	_ =	sdelay $0x2  }
0x107: {  	[tilespmem:$0x9380] =	vst v4  }
0x108: {  	s2 =	simm.s32 $0x8F00;
	v4 =	vld.idx.msk [tilespmem:v5+s7+$0x0], $0xffff  }
0x109: {  	v3 =	vld.idx.msk [tilespmem:v3+s2+$0x0], $0xffff;
	_ =	sdelay $0x3  }
0x10a: {  	vm0 =	vgt.s32 v2, v5  }
0x10b: {  	v2 =	vsel vm0, v4, v3;
	_ =	sdelay $0x3  }
0x10c: {  	s5 =	simm.s32 $0x1400  }
0x10d: {  	v3 =	vld.idx.msk [tilespmem:v2+s5+$0x0], $0xffff;
	_ =	sdelay $0x1  }
0x10e: {  	s4 =	simm.s32 $0x2800  }
0x10f: {  	v4 =	vld.idx.msk [tilespmem:v2+s4+$0x0], $0xffff;
	_ =	sdelay $0x4  }
0x110: {  	s3 =	simm.s32 $0x3C00;
	v25 =	vld.idx.msk [tilespmem:v3+s8+$0x0], $0xffff;
	[tilespmem:$0x8F90] =	vst v4  }
0x111: {  	v4 =	vld.idx.msk [tilespmem:v2+s3+$0x0], $0xffff;
	_ =	sdelay $0x4  }
0x112: {  	s30 =	simm.s32 $0x5000;
	[tilespmem:$0x9010] =	vst v4  }
0x113: {  	v26 =	vor.u32 $0x20, v1;
	v4 =	vld.idx.msk [tilespmem:v2+s30+$0x0], $0xffff  }
0x114: {  	v6 =	vsub.s32 v26, v0  }
0x115: {  	vm8 =	vmmov vm4;
	vm4 =	vgt.s32 v6, $0x0  }
0x116: {  	v6 =	vnsel vm4, $0x0, v6  }
0x117: {  	(v2sf) =	vpush v6, $0x0  }
0x118: {  	s29 =	simm.s32 $0x6400;
	[tilespmem:$0x9090] =	vst v4  }
0x119: {  	(v2sf) =	vpush v6, $0xF;
	v2 =	vld.idx.msk [tilespmem:v2+s29+$0x0], $0xffff  }
0x11a: {  	(v2sf) =	vpush v6, $0x1  }
0x11b: {  	(v2sf) =	vpush v6, $0x2  }
0x11c: {  	(v2sf) =	vpush v6, $0x3;
	v27 =	vnsel vm0, $0x0, v25  }
0x11d: {  	(v2sf) =	vpush v6, $0x4;
	[tilespmem:$0x9190] =	vst v27  }
0x11e: {  	s0 =	simm.s32 $0x8C00;
	[tilespmem:$0x9110] =	vst v2  }
0x11f: {  	v2 =	vld.idx.msk [tilespmem:v3+s0+$0x0], $0xffff;
	_ =	sdelay $0x2  }
0x120: {  	(v2sf) =	vpush v6, $0x5;
	_ =	sdelay $0x1  }
0x121: {  	s28 =	simm.s32 $0x8C80;
	[tilespmem:$0x9210] =	vst v2  }
0x122: {  	v2 =	vld.idx.msk [tilespmem:v3+s28+$0x0], $0xffff  }
0x123: {  	s7 =	spop (v2sf)  }
0x124: {  	(drf) =	srem.u32 s7, s13  }
0x125: {  	s8 =	spop (v2sf)  }
0x126: {  	(v2sf) =	vpush v6, $0x6;
	(drf) =	srem.u32 s8, s11;
	s10 =	spop (v2sf)  }
0x127: {  	s9 =	simm.s32 $0x8D00;
	(v2sf) =	vpush v6, $0x7;
	(drf) =	srem.u32 s10, s12;
	s28 =	spop (v2sf);
	[tilespmem:$0x9290] =	vst v2  }
0x128: {  	(v2sf) =	vpush v6, $0x8;
	(drf) =	srem.u32 s28, s14;
	s31 =	spop (v2sf);
	v2 =	vld.idx.msk [tilespmem:v3+s9+$0x0], $0xffff  }
0x129: {  	(v2sf) =	vpush v6, $0x9;
	(drf) =	srem.u32 s31, s15;
	s0 =	spop (v2sf)  }
0x12a: {  	(v2sf) =	vpush v6, $0xA;
	(drf) =	srem.u32 s0, s16  }
0x12b: {  	(v2sf) =	vpush v6, $0xB  }
0x12c: {  	(v2sf) =	vpush v6, $0xC  }
0x12d: {  	s6 =	simm.s32 $0x8D80;
	s1 =	spop (drf);
	(v2sf) =	vpush v6, $0xD;
	[tilespmem:$0x9310] =	vst v2  }
0x12e: {  	v2 =	vld.idx.msk [tilespmem:v3+s6+$0x0], $0xffff;
	s6 =	spop (v2sf);
	(v2sf) =	vpush v6, $0xE  }
0x12f: {  	s7 =	spop (drf)  }
0x130: {  	s8 =	spop (drf)  }
0x131: {  	s9 =	spop (drf)  }
0x132: {  	s10 =	spop (drf)  }
0x133: {  	s28 =	spop (drf);
	[tilespmem:$0x9390] =	vst v2  }
0x134: {  	(drf) =	srem.u32 s6, s17  }
0x135: {  	s0 =	spop (v2sf)  }
0x136: {  	(drf) =	srem.u32 s0, s18;
	s6 =	spop (v2sf)  }
0x137: {  	(drf) =	srem.u32 s6, s19;
	s6 =	spop (v2sf)  }
0x138: {  	(drf) =	srem.u32 s6, s20;
	s6 =	spop (v2sf)  }
0x139: {  	vm15 =	vcmask $0x300;
	v28 =	vmov s7;
	(drf) =	srem.u32 s6, s21;
	s6 =	spop (v2sf)  }
0x13a: {  	vm12 =	vmmov vm1;
	vm1 =	vcmask $0x704;
	v2 =	vsel vm15, s1, v28;
	(drf) =	srem.u32 s6, s22;
	s7 =	spop (v2sf)  }
0x13b: {  	vm14 =	vmmov vm2;
	vm2 =	vcmask $0xB08;
	v2 =	vsel vm1, s8, v2;
	(drf) =	srem.u32 s7, s23;
	s8 =	spop (v2sf)  }
0x13c: {  	vm7 =	vmmov vm3;
	vm3 =	vcmask $0xF0C;
	v2 =	vsel vm2, s9, v2;
	(drf) =	srem.u32 s8, s24;
	s9 =	spop (v2sf)  }
0x13d: {  	v2 =	vsel vm3, s10, v2;
	(drf) =	srem.u32 s9, s25;
	s10 =	spop (v2sf)  }
0x13e: {  	vm4 =	vmmov vm5;
	v2 =	vsel vm5, s28, v2;
	vm5 =	vcmask $0x1714;
	s1 =	spop (drf);
	(drf) =	srem.u32 s10, s26  }
0x13f: {  	v2 =	vsel vm5, s1, v2;
	s6 =	spop (drf)  }
0x140: {  	v2 =	vsel vm6, s6, v2;
	s7 =	spop (drf)  }
0x141: {  	v2 =	vsel vm8, s7, v2;
	s8 =	spop (drf)  }
0x142: {  	v2 =	vsel vm7, s8, v2;
	s9 =	spop (drf)  }
0x143: {  	v2 =	vsel vm10, s9, v2;
	s10 =	spop (drf)  }
0x144: {  	v2 =	vsel vm11, s10, v2;
	s28 =	spop (drf)  }
0x145: {  	v2 =	vsel vm12, s28, v2;
	s1 =	spop (drf)  }
0x146: {  	v2 =	vsel vm9, s1, v2;
	s6 =	spop (drf)  }
0x147: {  	v2 =	vsel vm14, s6, v2;
	s7 =	spop (drf)  }
0x148: {  	v2 =	vsel vm13, s7, v2  }
0x149: {  	v29 =	vor.u32 $0x30, v1  }
0x14a: {  	v3 =	vsub.s32 v29, v0  }
0x14b: {  	vm0 =	vgt.s32 v3, $0x0  }
0x14c: {  	v3 =	vnsel vm0, $0x0, v3  }
0x14d: {  	(v2sf) =	vpush v3, $0x0;
	v2 =	vld.idx.msk [tilespmem:v2+s2+$0x0], $0xffff  }
0x14e: {  	(v2sf) =	vpush v3, $0xF  }
0x14f: {  	(v2sf) =	vpush v3, $0x1  }
0x150: {  	(v2sf) =	vpush v3, $0x2  }
0x151: {  	(v2sf) =	vpush v3, $0x3;
	_ =	sdelay $0x1  }
0x152: {  	(v2sf) =	vpush v3, $0x4;
	_ =	sdelay $0x1  }
0x153: {  	v30 =	vld.idx.msk [tilespmem:v2+s4+$0x0], $0xffff;
	_ =	sdelay $0x4  }
0x154: {  	v31 =	vld.idx.msk [tilespmem:v2+s5+$0x0], $0xffff;
	[tilespmem:$0x8FA0] =	vst v30  }
0x155: {  	v4 =	vld.idx.msk [tilespmem:v2+s3+$0x0], $0xffff  }
0x156: {  	(v2sf) =	vpush v3, $0x5;
	s8 =	spop (v2sf)  }
0x157: {  	(drf) =	srem.u32 s8, s13;
	s9 =	spop (v2sf)  }
0x158: {  	(v2sf) =	vpush v3, $0x6;
	(drf) =	srem.u32 s9, s11;
	s10 =	spop (v2sf)  }
0x159: {  	(v2sf) =	vpush v3, $0x7;
	(drf) =	srem.u32 s10, s12;
	s28 =	spop (v2sf)  }
0x15a: {  	s30 =	simm.s32 $0x5000;
	(v2sf) =	vpush v3, $0x8;
	(drf) =	srem.u32 s28, s14;
	s1 =	spop (v2sf);
	[tilespmem:$0x9020] =	vst v4  }
0x15b: {  	(v2sf) =	vpush v3, $0x9;
	(drf) =	srem.u32 s1, s15;
	v4 =	vld.idx.msk [tilespmem:v2+s30+$0x0], $0xffff  }
0x15c: {  	(v2sf) =	vpush v3, $0xA;
	s2 =	spop (v2sf)  }
0x15d: {  	(v2sf) =	vpush v3, $0xB;
	(drf) =	srem.u32 s2, s16  }
0x15e: {  	(v2sf) =	vpush v3, $0xC  }
0x15f: {  	(v2sf) =	vpush v3, $0xD  }
0x160: {  	s29 =	simm.s32 $0x6400;
	(v2sf) =	vpush v3, $0xE;
	s0 =	spop (drf);
	[tilespmem:$0x90A0] =	vst v4  }
0x161: {  	s1 =	spop (drf);
	v4 =	vld.idx.msk [tilespmem:v2+s29+$0x0], $0xffff  }
0x162: {  	s7 =	spop (drf)  }
0x163: {  	s8 =	spop (drf)  }
0x164: {  	v32 =	vimm.f32 $0.0e+00;
	s9 =	spop (drf)  }
0x165: {  	s5 =	spop (v2sf);
	[tilespmem:$0x91A0] =	vst v32  }
0x166: {  	s28 =	simm.s32 $0x8C00;
	s10 =	spop (drf);
	[tilespmem:$0x9120] =	vst v4  }
0x167: {  	(drf) =	srem.u32 s5, s17;
	s29 =	spop (v2sf);
	v33 =	vld.idx.msk [tilespmem:v31+s28+$0x0], $0xffff  }
0x168: {  	(drf) =	srem.u32 s29, s18;
	s30 =	spop (v2sf)  }
0x169: {  	(drf) =	srem.u32 s30, s19;
	s2 =	spop (v2sf)  }
0x16a: {  	v34 =	vmov s1;
	(drf) =	srem.u32 s2, s20;
	s29 =	spop (v2sf)  }
0x16b: {  	(drf) =	srem.u32 s29, s21;
	s30 =	spop (v2sf);
	v4 =	vsel vm15, s0, v34  }
0x16c: {  	(drf) =	srem.u32 s30, s22;
	s2 =	spop (v2sf);
	v35 =	vsel vm1, s7, v4;
	s7 =	simm.s32 $0x8C80;
	[tilespmem:$0x9220] =	vst v33  }
0x16d: {  	(drf) =	srem.u32 s2, s23;
	s28 =	spop (v2sf);
	v36 =	vld.idx.msk [tilespmem:v31+s7+$0x0], $0xffff  }
0x16e: {  	v3 =	vsel vm2, s8, v35;
	(drf) =	srem.u32 s28, s24;
	s29 =	spop (v2sf)  }
0x16f: {  	v3 =	vsel vm3, s9, v3;
	(drf) =	srem.u32 s29, s25;
	s30 =	spop (v2sf)  }
0x170: {  	s1 =	spop (drf);
	v3 =	vsel vm4, s10, v3;
	(drf) =	srem.u32 s30, s26  }
0x171: {  	v3 =	vsel vm5, s1, v3;
	s7 =	spop (drf)  }
0x172: {  	s9 =	simm.s32 $0x8D00;
	v3 =	vsel vm6, s7, v3;
	s8 =	spop (drf);
	[tilespmem:$0x92A0] =	vst v36  }
0x173: {  	v3 =	vsel vm8, s8, v3;
	s10 =	spop (drf);
	v4 =	vld.idx.msk [tilespmem:v31+s9+$0x0], $0xffff  }
0x174: {  	v3 =	vsel vm7, s10, v3;
	s28 =	spop (drf)  }
0x175: {  	v3 =	vsel vm10, s28, v3;
	s30 =	spop (drf)  }
0x176: {  	v3 =	vsel vm11, s30, v3;
	s1 =	spop (drf)  }
0x177: {  	v3 =	vsel vm12, s1, v3;
	s7 =	spop (drf)  }
0x178: {  	s31 =	simm.s32 $0x8D80;
	v3 =	vsel vm9, s7, v3;
	s8 =	spop (drf);
	[tilespmem:$0x9320] =	vst v4  }
0x179: {  	v3 =	vsel vm14, s8, v3;
	s9 =	spop (drf);
	v4 =	vld.idx.msk [tilespmem:v31+s31+$0x0], $0xffff  }
0x17a: {  	v3 =	vsel vm13, s9, v3;
	_ =	sdelay $0x1  }
0x17b: {  	v37 =	vor.u32 $0x40, v1  }
0x17c: {  	v5 =	vsub.s32 v37, v0;
	vm5 =	vmmov vm10  }
0x17d: {  	s6 =	simm.s32 $0x8F00;
	vm10 =	vmmov vm11;
	vm11 =	vmmov vm9;
	vm9 =	vgt.s32 v5, $0x0;
	[tilespmem:$0x93A0] =	vst v4  }
0x17e: {  	v38 =	vnsel vm9, $0x0, v5;
	v3 =	vld.idx.msk [tilespmem:v3+s6+$0x0], $0xffff  }
0x17f: {  	(v2sf) =	vpush v38, $0x0  }
0x180: {  	(v2sf) =	vpush v38, $0xF  }
0x181: {  	(v2sf) =	vpush v38, $0x1  }
0x182: {  	(v2sf) =	vpush v38, $0x2  }
0x183: {  	(v2sf) =	vpush v38, $0x3  }
0x184: {  	(v2sf) =	vpush v38, $0x4  }
0x185: {  	s4 =	simm.s32 $0x2800  }
0x186: {  	v39 =	vld.idx.msk [tilespmem:v3+s4+$0x0], $0xffff;
	_ =	sdelay $0x1  }
0x187: {  	(v2sf) =	vpush v38, $0x5;
	_ =	sdelay $0x1  }
0x188: {  	s10 =	simm.s32 $0x1400  }
0x189: {  	s3 =	simm.s32 $0x3C00;
	v40 =	vld.idx.msk [tilespmem:v3+s10+$0x0], $0xffff;
	[tilespmem:$0x8FB0] =	vst v39  }
0x18a: {  	v5 =	vld.idx.msk [tilespmem:v3+s3+$0x0], $0xffff;
	_ =	sdelay $0x1  }
0x18b: {  	s28 =	spop (v2sf)  }
0x18c: {  	(v2sf) =	vpush v38, $0x6;
	(drf) =	srem.u32 s28, s13;
	s1 =	spop (v2sf)  }
0x18d: {  	(v2sf) =	vpush v38, $0x7;
	(drf) =	srem.u32 s1, s11;
	s7 =	spop (v2sf)  }
0x18e: {  	s9 =	simm.s32 $0x5000;
	(v2sf) =	vpush v38, $0x8;
	(drf) =	srem.u32 s7, s12;
	s8 =	spop (v2sf);
	[tilespmem:$0x9030] =	vst v5  }
0x18f: {  	(v2sf) =	vpush v38, $0x9;
	(drf) =	srem.u32 s8, s14;
	s10 =	spop (v2sf);
	v5 =	vld.idx.msk [tilespmem:v3+s9+$0x0], $0xffff  }
0x190: {  	(v2sf) =	vpush v38, $0xA;
	(drf) =	srem.u32 s10, s15;
	s28 =	spop (v2sf)  }
0x191: {  	(v2sf) =	vpush v38, $0xB;
	(drf) =	srem.u32 s28, s16  }
0x192: {  	(v2sf) =	vpush v38, $0xC  }
0x193: {  	(v2sf) =	vpush v38, $0xD  }
0x194: {  	s1 =	simm.s32 $0x6400;
	(v2sf) =	vpush v38, $0xE;
	s28 =	spop (v2sf);
	[tilespmem:$0x90B0] =	vst v5  }
0x195: {  	s0 =	spop (drf);
	v3 =	vld.idx.msk [tilespmem:v3+s1+$0x0], $0xffff  }
0x196: {  	s1 =	spop (drf)  }
0x197: {  	s7 =	spop (drf)  }
0x198: {  	s8 =	spop (drf)  }
0x199: {  	[tilespmem:$0x91B0] =	vst v32;
	s9 =	spop (drf)  }
0x19a: {  	s5 =	simm.s32 $0x8C00;
	s10 =	spop (drf);
	[tilespmem:$0x9130] =	vst v3  }
0x19b: {  	(drf) =	srem.u32 s28, s17;
	v3 =	vld.idx.msk [tilespmem:v40+s5+$0x0], $0xffff;
	s5 =	spop (v2sf)  }
0x19c: {  	(drf) =	srem.u32 s5, s18;
	s5 =	spop (v2sf)  }
0x19d: {  	(drf) =	srem.u32 s5, s19;
	s5 =	spop (v2sf)  }
0x19e: {  	(drf) =	srem.u32 s5, s20;
	s5 =	spop (v2sf)  }
0x19f: {  	v41 =	vmov s1;
	(drf) =	srem.u32 s5, s21;
	s28 =	spop (v2sf)  }
0x1a0: {  	s2 =	simm.s32 $0x8C80;
	v4 =	vsel vm15, s0, v41;
	(drf) =	srem.u32 s28, s22;
	[tilespmem:$0x9230] =	vst v3;
	s5 =	spop (v2sf)  }
0x1a1: {  	v42 =	vsel vm1, s7, v4;
	(drf) =	srem.u32 s5, s23;
	v43 =	vld.idx.msk [tilespmem:v40+s2+$0x0], $0xffff;
	s7 =	spop (v2sf)  }
0x1a2: {  	v3 =	vsel vm2, s8, v42;
	(drf) =	srem.u32 s7, s24;
	s8 =	spop (v2sf)  }
0x1a3: {  	vm6 =	vmmov vm8;
	v3 =	vsel vm3, s9, v3;
	(drf) =	srem.u32 s8, s25;
	s28 =	spop (v2sf)  }
0x1a4: {  	vm8 =	vmmov vm7;
	vm7 =	vcmask $0x1714;
	s1 =	spop (drf);
	v3 =	vsel vm4, s10, v3;
	(drf) =	srem.u32 s28, s26  }
0x1a5: {  	vm9 =	vcmask $0x1B18;
	v3 =	vsel vm7, s1, v3;
	s2 =	spop (drf)  }
0x1a6: {  	s29 =	simm.s32 $0x8D00;
	v3 =	vsel vm9, s2, v3;
	[tilespmem:$0x92B0] =	vst v43;
	s7 =	spop (drf)  }
0x1a7: {  	v3 =	vsel vm6, s7, v3;
	v4 =	vld.idx.msk [tilespmem:v40+s29+$0x0], $0xffff;
	s8 =	spop (drf)  }
0x1a8: {  	v3 =	vsel vm8, s8, v3;
	s9 =	spop (drf)  }
0x1a9: {  	v3 =	vsel vm5, s9, v3;
	s10 =	spop (drf)  }
0x1aa: {  	v3 =	vsel vm10, s10, v3;
	s28 =	spop (drf)  }
0x1ab: {  	v3 =	vsel vm12, s28, v3;
	s29 =	spop (drf)  }
0x1ac: {  	s30 =	simm.s32 $0x8D80;
	v3 =	vsel vm11, s29, v3;
	[tilespmem:$0x9330] =	vst v4;
	s1 =	spop (drf)  }
0x1ad: {  	v3 =	vsel vm14, s1, v3;
	v4 =	vld.idx.msk [tilespmem:v40+s30+$0x0], $0xffff;
	s2 =	spop (drf)  }
0x1ae: {  	v3 =	vsel vm13, s2, v3;
	_ =	sdelay $0x1  }
0x1af: {  	v44 =	vor.u32 $0x50, v1  }
0x1b0: {  	v5 =	vsub.s32 v44, v0  }
0x1b1: {  	s31 =	simm.s32 $0x8F00;
	vm0 =	vgt.s32 v5, $0x0;
	[tilespmem:$0x93B0] =	vst v4  }
0x1b2: {  	v45 =	vnsel vm0, $0x0, v5;
	v3 =	vld.idx.msk [tilespmem:v3+s31+$0x0], $0xffff  }
0x1b3: {  	(v2sf) =	vpush v45, $0x0  }
0x1b4: {  	(v2sf) =	vpush v45, $0xF  }
0x1b5: {  	(v2sf) =	vpush v45, $0x1  }
0x1b6: {  	(v2sf) =	vpush v45, $0x2  }
0x1b7: {  	(v2sf) =	vpush v45, $0x3  }
0x1b8: {  	(v2sf) =	vpush v45, $0x4  }
0x1b9: {  	s4 =	simm.s32 $0x2800  }
0x1ba: {  	v46 =	vld.idx.msk [tilespmem:v3+s4+$0x0], $0xffff;
	_ =	sdelay $0x1  }
0x1bb: {  	(v2sf) =	vpush v45, $0x5;
	_ =	sdelay $0x1  }
0x1bc: {  	s6 =	simm.s32 $0x1400  }
0x1bd: {  	s3 =	simm.s32 $0x3C00;
	v47 =	vld.idx.msk [tilespmem:v3+s6+$0x0], $0xffff;
	[tilespmem:$0x8FC0] =	vst v46  }
0x1be: {  	v5 =	vld.idx.msk [tilespmem:v3+s3+$0x0], $0xffff;
	_ =	sdelay $0x1  }
0x1bf: {  	s6 =	spop (v2sf)  }
0x1c0: {  	(v2sf) =	vpush v45, $0x6;
	(drf) =	srem.u32 s6, s13;
	s7 =	spop (v2sf)  }
0x1c1: {  	(v2sf) =	vpush v45, $0x7;
	(drf) =	srem.u32 s7, s11;
	s8 =	spop (v2sf)  }
0x1c2: {  	(v2sf) =	vpush v45, $0x8;
	s10 =	simm.s32 $0x5000;
	(drf) =	srem.u32 s8, s12;
	s9 =	spop (v2sf);
	[tilespmem:$0x9040] =	vst v5  }
0x1c3: {  	(v2sf) =	vpush v45, $0x9;
	(drf) =	srem.u32 s9, s14;
	s28 =	spop (v2sf);
	v5 =	vld.idx.msk [tilespmem:v3+s10+$0x0], $0xffff  }
0x1c4: {  	(v2sf) =	vpush v45, $0xA;
	(drf) =	srem.u32 s28, s15;
	s31 =	spop (v2sf)  }
0x1c5: {  	(v2sf) =	vpush v45, $0xB;
	(drf) =	srem.u32 s31, s16  }
0x1c6: {  	(v2sf) =	vpush v45, $0xC  }
0x1c7: {  	(v2sf) =	vpush v45, $0xD  }
0x1c8: {  	s1 =	simm.s32 $0x6400;
	(v2sf) =	vpush v45, $0xE;
	s6 =	spop (v2sf);
	[tilespmem:$0x90C0] =	vst v5  }
0x1c9: {  	s0 =	spop (drf);
	v3 =	vld.idx.msk [tilespmem:v3+s1+$0x0], $0xffff  }
0x1ca: {  	s1 =	spop (drf)  }
0x1cb: {  	s7 =	spop (drf)  }
0x1cc: {  	s8 =	spop (drf)  }
0x1cd: {  	[tilespmem:$0x91C0] =	vst v32;
	s9 =	spop (drf)  }
0x1ce: {  	s28 =	simm.s32 $0x8C00;
	s10 =	spop (drf);
	[tilespmem:$0x9140] =	vst v3  }
0x1cf: {  	(drf) =	srem.u32 s6, s17;
	v3 =	vld.idx.msk [tilespmem:v47+s28+$0x0], $0xffff;
	s28 =	spop (v2sf)  }
0x1d0: {  	(drf) =	srem.u32 s28, s18;
	s28 =	spop (v2sf)  }
0x1d1: {  	(drf) =	srem.u32 s28, s19;
	s28 =	spop (v2sf)  }
0x1d2: {  	(drf) =	srem.u32 s28, s20;
	s28 =	spop (v2sf)  }
0x1d3: {  	v48 =	vmov s1;
	(drf) =	srem.u32 s28, s21;
	s28 =	spop (v2sf)  }
0x1d4: {  	s5 =	simm.s32 $0x8C80;
	v4 =	vsel vm15, s0, v48;
	(drf) =	srem.u32 s28, s22;
	[tilespmem:$0x9240] =	vst v3;
	s1 =	spop (v2sf)  }
0x1d5: {  	v49 =	vsel vm1, s7, v4;
	(drf) =	srem.u32 s1, s23;
	v50 =	vld.idx.msk [tilespmem:v47+s5+$0x0], $0xffff;
	s28 =	spop (v2sf)  }
0x1d6: {  	v3 =	vsel vm2, s8, v49;
	(drf) =	srem.u32 s28, s24;
	s1 =	spop (v2sf)  }
0x1d7: {  	v3 =	vsel vm3, s9, v3;
	(drf) =	srem.u32 s1, s25;
	s7 =	spop (v2sf)  }
0x1d8: {  	s8 =	spop (drf);
	v3 =	vsel vm4, s10, v3;
	(drf) =	srem.u32 s7, s26  }
0x1d9: {  	v3 =	vsel vm7, s8, v3;
	s9 =	spop (drf)  }
0x1da: {  	s28 =	simm.s32 $0x8D00;
	v3 =	vsel vm9, s9, v3;
	[tilespmem:$0x92C0] =	vst v50;
	s10 =	spop (drf)  }
0x1db: {  	v3 =	vsel vm6, s10, v3;
	v4 =	vld.idx.msk [tilespmem:v47+s28+$0x0], $0xffff;
	s1 =	spop (drf)  }
0x1dc: {  	v3 =	vsel vm8, s1, v3;
	s7 =	spop (drf)  }
0x1dd: {  	v3 =	vsel vm5, s7, v3;
	s8 =	spop (drf)  }
0x1de: {  	v3 =	vsel vm10, s8, v3;
	s9 =	spop (drf)  }
0x1df: {  	v3 =	vsel vm12, s9, v3;
	s10 =	spop (drf)  }
0x1e0: {  	s1 =	simm.s32 $0x8D80;
	v3 =	vsel vm11, s10, v3;
	[tilespmem:$0x9340] =	vst v4;
	s28 =	spop (drf)  }
0x1e1: {  	v3 =	vsel vm14, s28, v3;
	v4 =	vld.idx.msk [tilespmem:v47+s1+$0x0], $0xffff;
	s7 =	spop (drf)  }
0x1e2: {  	v3 =	vsel vm13, s7, v3  }
0x1e3: {  	v51 =	vor.u32 $0x60, v1  }
0x1e4: {  	v5 =	vsub.s32 v51, v0  }
0x1e5: {  	vm0 =	vgt.s32 v5, $0x0  }
0x1e6: {  	s30 =	simm.s32 $0x8F00;
	v52 =	vnsel vm0, $0x0, v5;
	[tilespmem:$0x93C0] =	vst v4  }
0x1e7: {  	(v2sf) =	vpush v52, $0x0;
	v3 =	vld.idx.msk [tilespmem:v3+s30+$0x0], $0xffff  }
0x1e8: {  	(v2sf) =	vpush v52, $0xF  }
0x1e9: {  	(v2sf) =	vpush v52, $0x1  }
0x1ea: {  	(v2sf) =	vpush v52, $0x2  }
0x1eb: {  	(v2sf) =	vpush v52, $0x3;
	_ =	sdelay $0x2  }
0x1ec: {  	s29 =	simm.s32 $0x2800  }
0x1ed: {  	v53 =	vld.idx.msk [tilespmem:v3+s29+$0x0], $0xffff  }
0x1ee: {  	(v2sf) =	vpush v52, $0x4;
	_ =	sdelay $0x2  }
0x1ef: {  	s4 =	simm.s32 $0x1400  }
0x1f0: {  	s3 =	simm.s32 $0x3C00;
	v54 =	vld.idx.msk [tilespmem:v3+s4+$0x0], $0xffff;
	[tilespmem:$0x8FD0] =	vst v53  }
0x1f1: {  	v5 =	vld.idx.msk [tilespmem:v3+s3+$0x0], $0xffff  }
0x1f2: {  	(v2sf) =	vpush v52, $0x5;
	s8 =	spop (v2sf)  }
0x1f3: {  	(v2sf) =	vpush v52, $0x6;
	(drf) =	srem.u32 s8, s13;
	s9 =	spop (v2sf)  }
0x1f4: {  	(v2sf) =	vpush v52, $0x7;
	(drf) =	srem.u32 s9, s11;
	s10 =	spop (v2sf)  }
0x1f5: {  	(v2sf) =	vpush v52, $0x8;
	(drf) =	srem.u32 s10, s12;
	s28 =	spop (v2sf)  }
0x1f6: {  	s2 =	simm.s32 $0x5000;
	(drf) =	srem.u32 s28, s14;
	s1 =	spop (v2sf);
	[tilespmem:$0x9050] =	vst v5  }
0x1f7: {  	(v2sf) =	vpush v52, $0x9;
	(drf) =	srem.u32 s1, s15;
	v5 =	vld.idx.msk [tilespmem:v3+s2+$0x0], $0xffff  }
0x1f8: {  	(v2sf) =	vpush v52, $0xA  }
0x1f9: {  	(v2sf) =	vpush v52, $0xB  }
0x1fa: {  	(v2sf) =	vpush v52, $0xC  }
0x1fb: {  	(v2sf) =	vpush v52, $0xD;
	s2 =	spop (v2sf)  }
0x1fc: {  	s31 =	simm.s32 $0x6400;
	s0 =	spop (drf);
	(v2sf) =	vpush v52, $0xE;
	(drf) =	srem.u32 s2, s16;
	[tilespmem:$0x90D0] =	vst v5  }
0x1fd: {  	s1 =	spop (drf);
	v3 =	vld.idx.msk [tilespmem:v3+s31+$0x0], $0xffff  }
0x1fe: {  	s7 =	spop (drf)  }
0x1ff: {  	s8 =	spop (drf)  }
0x200: {  	s9 =	spop (drf)  }
0x201: {  	s4 =	spop (v2sf);
	[tilespmem:$0x91D0] =	vst v32  }
0x202: {  	s6 =	simm.s32 $0x8C00;
	s31 =	spop (v2sf);
	[tilespmem:$0x9150] =	vst v3  }
0x203: {  	(drf) =	srem.u32 s4, s17;
	s2 =	spop (v2sf);
	v3 =	vld.idx.msk [tilespmem:v54+s6+$0x0], $0xffff  }
0x204: {  	(drf) =	srem.u32 s31, s18;
	s4 =	spop (v2sf)  }
0x205: {  	(drf) =	srem.u32 s2, s19;
	s10 =	spop (drf)  }
0x206: {  	(drf) =	srem.u32 s4, s20;
	s6 =	spop (v2sf)  }
0x207: {  	v55 =	vmov s1;
	(drf) =	srem.u32 s6, s21;
	s31 =	spop (v2sf)  }
0x208: {  	s5 =	simm.s32 $0x8C80;
	v4 =	vsel vm15, s0, v55;
	(drf) =	srem.u32 s31, s22;
	s2 =	spop (v2sf);
	[tilespmem:$0x9250] =	vst v3  }
0x209: {  	v56 =	vsel vm1, s7, v4;
	(drf) =	srem.u32 s2, s23;
	s4 =	spop (v2sf);
	v57 =	vld.idx.msk [tilespmem:v54+s5+$0x0], $0xffff  }
0x20a: {  	(drf) =	srem.u32 s4, s24;
	v3 =	vsel vm2, s8, v56;
	s5 =	spop (v2sf)  }
0x20b: {  	v3 =	vsel vm3, s9, v3;
	(drf) =	srem.u32 s5, s25;
	s6 =	spop (v2sf)  }
0x20c: {  	s7 =	spop (drf);
	v3 =	vsel vm4, s10, v3;
	(drf) =	srem.u32 s6, s26  }
0x20d: {  	s8 =	spop (drf);
	v3 =	vsel vm7, s7, v3  }
0x20e: {  	s9 =	spop (drf);
	s10 =	simm.s32 $0x8D00;
	v3 =	vsel vm9, s8, v3;
	[tilespmem:$0x92D0] =	vst v57  }
0x20f: {  	s28 =	spop (drf);
	v3 =	vsel vm6, s9, v3;
	v4 =	vld.idx.msk [tilespmem:v54+s10+$0x0], $0xffff  }
0x210: {  	s31 =	spop (drf);
	v3 =	vsel vm8, s28, v3  }
0x211: {  	s1 =	spop (drf);
	v3 =	vsel vm5, s31, v3  }
0x212: {  	s2 =	spop (drf);
	v3 =	vsel vm10, s1, v3  }
0x213: {  	s4 =	spop (drf);
	v3 =	vsel vm12, s2, v3  }
0x214: {  	s6 =	simm.s32 $0x8D80;
	v3 =	vsel vm11, s4, v3;
	s5 =	spop (drf);
	[tilespmem:$0x9350] =	vst v4  }
0x215: {  	v3 =	vsel vm14, s5, v3;
	s7 =	spop (drf);
	v4 =	vld.idx.msk [tilespmem:v54+s6+$0x0], $0xffff  }
0x216: {  	v3 =	vsel vm13, s7, v3;
	_ =	sdelay $0x3  }
0x217: {  	s28 =	simm.s32 $0x8F00;
	[tilespmem:$0x93D0] =	vst v4  }
0x218: {  	v1 =	vor.u32 $0x70, v1;
	v3 =	vld.idx.msk [tilespmem:v3+s28+$0x0], $0xffff  }
0x219: {  	v0 =	vsub.s32 v1, v0  }
0x21a: {  	vm0 =	vgt.s32 v0, $0x0  }
0x21b: {  	v0 =	vnsel vm0, $0x0, v0  }
0x21c: {  	(v2sf) =	vpush v0, $0x0  }
0x21d: {  	(v2sf) =	vpush v0, $0xF  }
0x21e: {  	(v2sf) =	vpush v0, $0x1  }
0x21f: {  	s30 =	simm.s32 $0x2800;
	(v2sf) =	vpush v0, $0x2  }
0x220: {  	(v2sf) =	vpush v0, $0x3;
	v58 =	vld.idx.msk [tilespmem:v3+s30+$0x0], $0xffff  }
0x221: {  	(v2sf) =	vpush v0, $0x4  }
0x222: {  	(v2sf) =	vpush v0, $0x5  }
0x223: {  	(v2sf) =	vpush v0, $0x6  }
0x224: {  	s29 =	simm.s32 $0x1400;
	(v2sf) =	vpush v0, $0x7  }
0x225: {  	s3 =	simm.s32 $0x3C00;
	(v2sf) =	vpush v0, $0x8;
	v4 =	vld.idx.msk [tilespmem:v3+s29+$0x0], $0xffff;
	[tilespmem:$0x8FE0] =	vst v58  }
0x226: {  	v1 =	vld.idx.msk [tilespmem:v3+s3+$0x0], $0xffff  }
0x227: {  	(v2sf) =	vpush v0, $0x9;
	_ =	sdelay $0x1  }
0x228: {  	(v2sf) =	vpush v0, $0xA;
	_ =	sdelay $0x1  }
0x229: {  	(v2sf) =	vpush v0, $0xB;
	s8 =	spop (v2sf);
	s3 =	simm.s32 $0x5000;
	[tilespmem:$0x9060] =	vst v1  }
0x22a: {  	s9 =	spop (v2sf);
	(drf) =	srem.u32 s8, s13;
	v1 =	vld.idx.msk [tilespmem:v3+s3+$0x0], $0xffff  }
0x22b: {  	(v2sf) =	vpush v0, $0xC;
	s10 =	spop (v2sf)  }
0x22c: {  	(drf) =	srem.u32 s9, s11;
	s31 =	spop (v2sf)  }
0x22d: {  	(v2sf) =	vpush v0, $0xD;
	(drf) =	srem.u32 s10, s12;
	s2 =	spop (v2sf)  }
0x22e: {  	(drf) =	srem.u32 s31, s14;
	s4 =	spop (v2sf)  }
0x22f: {  	(v2sf) =	vpush v0, $0xE;
	s13 =	simm.s32 $0x6400;
	(drf) =	srem.u32 s2, s15;
	s5 =	spop (v2sf);
	[tilespmem:$0x90E0] =	vst v1  }
0x230: {  	(drf) =	srem.u32 s4, s16;
	s11 =	spop (v2sf);
	v1 =	vld.idx.msk [tilespmem:v3+s13+$0x0], $0xffff  }
0x231: {  	(drf) =	srem.u32 s5, s17;
	s12 =	spop (v2sf)  }
0x232: {  	(drf) =	srem.u32 s11, s18;
	s14 =	spop (v2sf)  }
0x233: {  	(drf) =	srem.u32 s12, s19;
	s12 =	spop (drf)  }
0x234: {  	s15 =	spop (v2sf);
	[tilespmem:$0x91E0] =	vst v32  }
0x235: {  	s4 =	simm.s32 $0x8C00;
	(drf) =	srem.u32 s14, s20;
	s14 =	spop (drf);
	[tilespmem:$0x9160] =	vst v1  }
0x236: {  	s16 =	spop (v2sf);
	v59 =	vld.idx.msk [tilespmem:v4+s4+$0x0], $0xffff  }
0x237: {  	(drf) =	srem.u32 s15, s21;
	s15 =	spop (drf)  }
0x238: {  	s31 =	spop (v2sf)  }
0x239: {  	(drf) =	srem.u32 s16, s22;
	s16 =	spop (drf)  }
0x23a: {  	v60 =	vmov s14;
	s2 =	spop (v2sf)  }
0x23b: {  	s17 =	simm.s32 $0x8C80;
	s18 =	spop (drf);
	v1 =	vsel vm15, s12, v60;
	vm15 =	vcmask $0x704;
	[tilespmem:$0x9260] =	vst v59  }
0x23c: {  	(drf) =	srem.u32 s31, s23;
	s5 =	spop (v2sf);
	v61 =	vsel vm15, s15, v1;
	v62 =	vld.idx.msk [tilespmem:v4+s17+$0x0], $0xffff  }
0x23d: {  	(drf) =	srem.u32 s2, s24;
	s19 =	spop (drf);
	v0 =	vsel vm2, s16, v61  }
0x23e: {  	(drf) =	srem.u32 s5, s25;
	s20 =	spop (v2sf);
	v0 =	vsel vm3, s18, v0  }
0x23f: {  	(drf) =	srem.u32 s20, s26;
	s21 =	spop (drf);
	v0 =	vsel vm4, s19, v0  }
0x240: {  	s22 =	spop (drf);
	v0 =	vsel vm7, s21, v0  }
0x241: {  	s25 =	simm.s32 $0x8D00;
	s23 =	spop (drf);
	v0 =	vsel vm9, s22, v0;
	[tilespmem:$0x92E0] =	vst v62  }
0x242: {  	s24 =	spop (drf);
	v0 =	vsel vm6, s23, v0;
	v1 =	vld.idx.msk [tilespmem:v4+s25+$0x0], $0xffff  }
0x243: {  	s26 =	spop (drf);
	v0 =	vsel vm8, s24, v0  }
0x244: {  	s31 =	spop (drf);
	v0 =	vsel vm5, s26, v0  }
0x245: {  	s2 =	spop (drf);
	v0 =	vsel vm10, s31, v0  }
0x246: {  	s7 =	spop (drf);
	v0 =	vsel vm12, s2, v0  }
0x247: {  	s9 =	simm.s32 $0x8D80;
	s8 =	spop (drf);
	v0 =	vsel vm11, s7, v0;
	[tilespmem:$0x9360] =	vst v1  }
0x248: {  	s10 =	spop (drf);
	v0 =	vsel vm14, s8, v0;
	v1 =	vld.idx.msk [tilespmem:v4+s9+$0x0], $0xffff  }
0x249: {  	v0 =	vsel vm13, s10, v0;
	_ =	sdelay $0x3  }
0x24a: {  	[tilespmem:$0x93E0] =	vst v1  }
0x24b: {  	v0 =	vld.idx.msk [tilespmem:v0+s28+$0x0], $0xffff;
	_ =	sdelay $0x7  }
0x24c: {  	v1 =	vld.idx.msk [tilespmem:v0+s30+$0x0], $0xffff;
	_ =	sdelay $0x4  }
0x24d: {  	s6 =	simm.s32 $0x3C00;
	v63 =	vld.idx.msk [tilespmem:v0+s29+$0x0], $0xffff;
	[tilespmem:$0x8FF0] =	vst v1  }
0x24e: {  	v1 =	vld.idx.msk [tilespmem:v0+s6+$0x0], $0xffff;
	_ =	sdelay $0x4  }
0x24f: {  	[tilespmem:$0x9070] =	vst v1  }
0x250: {  	v1 =	vld.idx.msk [tilespmem:v0+s3+$0x0], $0xffff;
	_ =	sdelay $0x4  }
0x251: {  	[tilespmem:$0x90F0] =	vst v1  }
0x252: {  	v0 =	vld.idx.msk [tilespmem:v0+s13+$0x0], $0xffff;
	_ =	sdelay $0x3  }
0x253: {  	[tilespmem:$0x91F0] =	vst v32  }
0x254: {  	[tilespmem:$0x9170] =	vst v0  }
0x255: {  	v0 =	vld.idx.msk [tilespmem:v63+s4+$0x0], $0xffff;
	_ =	sdelay $0x4  }
0x256: {  	[tilespmem:$0x9270] =	vst v0  }
0x257: {  	v0 =	vld.idx.msk [tilespmem:v63+s17+$0x0], $0xffff;
	_ =	sdelay $0x4  }
0x258: {  	[tilespmem:$0x92F0] =	vst v0  }
0x259: {  	v0 =	vld.idx.msk [tilespmem:v63+s25+$0x0], $0xffff;
	_ =	sdelay $0x4  }
0x25a: {  	[tilespmem:$0x9370] =	vst v0  }
0x25b: {  	v0 =	vld.idx.msk [tilespmem:v63+s9+$0x0], $0xffff;
	_ =	sdelay $0x4  }
0x25c: {  	s11 =	simm.s32 $0x0;
	s12 =	simm.s32 $0x8F80;
	s13 =	rddreg [dreg:$0xe];
	[tilespmem:$0x93F0] =	vst v0  }
0x25d: {  	[hbm4b:s13+s11] =	stream.linear.scatter [tilespmem:s12], [sflag:$0x2], $0x80, $0x38;
	[tilespmem:$0x9400] =	vst v63  }
0x25e: {  	s14 =	simm.s32 $0x9000;
	s15 =	rddreg [dreg:$0xf]  }
0x25f: {  	[hbm4b:s15+s11] =	stream.linear.scatter [tilespmem:s14], [sflag:$0x2], $0x80, $0x38;
	[tilespmem:$0x9400] =	vst v63  }
0x260: {  	s16 =	simm.s32 $0x9080;
	s17 =	rddreg [dreg:$0xc]  }
0x261: {  	[hbm4b:s17+s11] =	stream.linear.scatter [tilespmem:s16], [sflag:$0x2], $0x80, $0x38;
	[tilespmem:$0x9400] =	vst v63  }
0x262: {  	s18 =	simm.s32 $0x9100;
	s19 =	rddreg [dreg:$0xd]  }
0x263: {  	[hbm4b:s19+s11] =	stream.linear.scatter [tilespmem:s18], [sflag:$0x2], $0x80, $0x38;
	[tilespmem:$0x9400] =	vst v63  }
0x264: {  	s20 =	simm.s32 $0x9180;
	s21 =	rddreg [dreg:$0xa]  }
0x265: {  	[hbm4b:s21+s11] =	stream.linear.scatter [tilespmem:s20], [sflag:$0x2], $0x80, $0x38;
	[tilespmem:$0x9400] =	vst v63  }
0x266: {  	s22 =	simm.s32 $0x9200;
	s23 =	rddreg [dreg:$0xb]  }
0x267: {  	[hbm4b:s23+s11] =	stream.linear.scatter [tilespmem:s22], [sflag:$0x2], $0x80, $0x38;
	[tilespmem:$0x9400] =	vst v63  }
0x268: {  	s24 =	simm.s32 $0x9280;
	s25 =	rddreg [dreg:$0x8]  }
0x269: {  	[hbm4b:s25+s11] =	stream.linear.scatter [tilespmem:s24], [sflag:$0x2], $0x80, $0x38;
	[tilespmem:$0x9400] =	vst v63  }
0x26a: {  	s26 =	simm.s32 $0x9300;
	s28 =	rddreg [dreg:$0x9]  }
0x26b: {  	[hbm4b:s28+s11] =	stream.linear.scatter [tilespmem:s26], [sflag:$0x2], $0x80, $0x38;
	[tilespmem:$0x9400] =	vst v63  }
0x26c: {  	s31 =	simm.s32 $0x2;
	s29 =	simm.s32 $0x9380;
	s30 =	rddreg [dreg:$0x7]  }
0x26d: {  	[hbm4b:s30+s11] =	stream.linear.scatter [tilespmem:s29], [sflag:$0x2], $0x80, $0x38;
	[tilespmem:$0x9400] =	vst v63  }
0x26e: {  	_ =	swait.ge [sflag:s31], $0x80  }
0x26f: {  	[sflag:s31] =	ssyncset.done $0x0  }
0x270: {  	[sflag:s31] =	ssyncadd.s32 $0xFFFFFF80  }
0x271: {  	_ =	swait.ge [sflag:s31], $0x80  }
0x272: {  	[sflag:s31] =	ssyncset.done $0x0  }
0x273: {  	[sflag:s31] =	ssyncadd.s32 $0xFFFFFF80  }
0x274: {  	_ =	swait.ge [sflag:s31], $0x80  }
0x275: {  	[sflag:s31] =	ssyncset.done $0x0  }
0x276: {  	[sflag:s31] =	ssyncadd.s32 $0xFFFFFF80  }
0x277: {  	_ =	swait.ge [sflag:s31], $0x80  }
0x278: {  	[sflag:s31] =	ssyncset.done $0x0  }
0x279: {  	[sflag:s31] =	ssyncadd.s32 $0xFFFFFF80  }
0x27a: {  	_ =	swait.ge [sflag:s31], $0x80  }
0x27b: {  	[sflag:s31] =	ssyncset.done $0x0  }
0x27c: {  	[sflag:s31] =	ssyncadd.s32 $0xFFFFFF80  }
0x27d: {  	_ =	swait.ge [sflag:s31], $0x80  }
0x27e: {  	[sflag:s31] =	ssyncset.done $0x0  }
0x27f: {  	[sflag:s31] =	ssyncadd.s32 $0xFFFFFF80  }
0x280: {  	_ =	swait.ge [sflag:s31], $0x80  }
0x281: {  	[sflag:s31] =	ssyncset.done $0x0  }
0x282: {  	[sflag:s31] =	ssyncadd.s32 $0xFFFFFF80  }
0x283: {  	_ =	swait.ge [sflag:s31], $0x80  }
0x284: {  	[sflag:s31] =	ssyncset.done $0x0  }
0x285: {  	[sflag:s31] =	ssyncadd.s32 $0xFFFFFF80  }
0x286: {  	_ =	swait.ge [sflag:s31], $0x80  }
0x287: {  	[sflag:s31] =	ssyncset.done $0x0  }
0x288: {  	[sflag:s31] =	ssyncadd.s32 $0xFFFFFF80  }
0x289: {  	s8 =	stileid.u32;
	s1 =	rddreg [dreg:$0x6]  }
.LBB2_9:
0x28a: {  	_ =	sfence.sel $0x180000  }
0x28b: {  	[bflag:$0x0] =	sbarrier.arrive $0xFFFF  }
0x28c: {  	p0 =	sne.s32 s8, $0x0;
	_ =	strace $0x90000047  }
0x28d: {  	s0 =	sadd.s32 @!p0 $0x100000, s1;
	[bflag:$0x2] =	sbarrier.arrive $0xFFFF  }
0x28e: {  	[sflag:s0] =	ssyncadd.tile.s32 @!p0 $0x1;
	_ =	shalt  }
.Lfunc_end2:
_tile_overlayer_lowered:
.L_overlay_start_2:
0x28f: {  	(tag) =	ssettag $0x2  }
0x290: {  	s0 =	rddreg [dreg:$0x0];
	s2 =	stileid.u32  }
0x291: {  	s1 =	rddreg [dreg:$0x1];
	p0 =	sne.s32 s2, $0x0  }
0x292: {  	s3 =	rddreg [dreg:$0x2];
	[bflag:$0x3] =	sbarrier.arrive $0xFFFF;
	s2 =	simm.s32 @!p0 $0x1C03  }
0x293: {  	[timem:s3], [sflag:s2] =	dma.local @!p0 [hbm:s0], s1  }
0x294: {  	s0 =	simm.s32 @!p0 $0x3  }
0x295: {  	_ =	swait.ge @!p0 [sflag:s0], s1  }
0x296: {  	s1 =	ssub.s32 @!p0 $0x0, s1;
	[sflag:s0] =	ssyncset.done @!p0 $0x0  }
0x297: {  	[sflag:s0] =	ssyncadd.s32 @!p0 s1  }
0x298: {  	[bflag:$0x3] =	sbarrier.arrive $0xFFFF  }
0x299: {  	_ =	shalt  }

</sc_bundles>
